<compile_context>
chip_gen: v7x
topology: tpu7x:2x2x1
jax: 0.10.2.dev20260603
libtpu: 0.0.44.dev20260713+nightly
codegen_flags: <defaults>
</compile_context>

<pallas_src>
import functools

import numpy as np

import jax
import jax.numpy as jnp
from jax import lax
from jax.experimental import pallas as pl
from jax.experimental.pallas import tpu as pltpu
from jax.experimental.pallas import tpu_sc as plsc

NC = 2
NS = 16
WIN = 128
NB = 3


@functools.cache
def _make_sc_layer(N, E, D):
    NW = NC * NS
    assert E % WIN == 0
    TW = E // WIN
    FW = TW // NW
    EXTRA = TW - FW * NW
    G = FW // NB
    assert FW % NB == 0 and G % 2 == 0 and EXTRA < NW
    RPT = (N // NS) // 8 * 8
    REM = N - RPT * NS
    assert REM % 8 == 0

    mesh = plsc.VectorSubcoreMesh(core_axis_name="c", subcore_axis_name="s")

    @functools.partial(
        pl.kernel,
        out_type=jax.ShapeDtypeStruct((NC, N, D), jnp.float32),
        mesh=mesh,
        scratch_types=[
            pltpu.VMEM_SHARED((N, D), jnp.float32),
            [pltpu.VMEM((NB * WIN,), jnp.int32) for _ in range(2)],
            [pltpu.VMEM((NB, WIN), jnp.int32) for _ in range(2)],
            [pltpu.VMEM((WIN, D), jnp.float32) for _ in range(NB)],
            [pltpu.SemaphoreType.DMA for _ in range(NB)],
            [pltpu.SemaphoreType.DMA for _ in range(2)],
        ],
    )
    def layer(h_hbm, src_hbm, dst_hbm, zeros_hbm, out_hbm,
              agg, sbuf, dbuf, rows, sems, isem):
        cid = lax.axis_index("c")
        sid = lax.axis_index("s")
        wid = sid * NC + cid
        wbase = wid * FW

        zbase = sid * RPT
        pltpu.sync_copy(zeros_hbm.at[pl.ds(zbase, RPT)],
                        agg.at[pl.ds(zbase, RPT)])
        if REM:
            @pl.when(sid == NS - 1)
            def _():
                pltpu.sync_copy(zeros_hbm.at[pl.ds(RPT * NS, REM)],
                                agg.at[pl.ds(RPT * NS, REM)])
        pltpu.sync_copy(src_hbm.at[pl.ds(wbase * WIN, NB * WIN)], sbuf[0])
        for b in range(NB):
            pltpu.sync_copy(dst_hbm.at[pl.ds((wbase + b) * WIN, WIN)],
                            dbuf[0].at[b])
        plsc.subcore_barrier()

        for b in range(NB):
            pltpu.async_copy(h_hbm.at[sbuf[0].at[pl.ds(b * WIN, WIN)]],
                             rows[b], sems[b])

        def body(g, igrp, ngrp):
            @pl.when(g + 1 < G)
            def _():
                nb_ = (wbase + (g + 1) * NB) * WIN
                pltpu.async_copy(src_hbm.at[pl.ds(nb_, NB * WIN)],
                                 sbuf[ngrp], isem[ngrp])
                for b in range(NB):
                    pltpu.async_copy(dst_hbm.at[pl.ds(nb_ + b * WIN, WIN)],
                                     dbuf[ngrp].at[b], isem[ngrp])
            for b in range(NB):
                pltpu.make_async_copy(h_hbm.at[pl.ds(0, WIN)],
                                      rows[b], sems[b]).wait()
                pltpu.sync_copy(rows[b], agg.at[dbuf[igrp].at[b]],
                                add=True)

                @pl.when(g + 1 < G)
                def _():
                    if b == 0:
                        pltpu.make_async_copy(
                            src_hbm.at[pl.ds(0, NB * WIN)],
                            sbuf[ngrp], isem[ngrp]).wait()
                        for bb in range(NB):
                            pltpu.make_async_copy(
                                src_hbm.at[pl.ds(0, WIN)],
                                dbuf[ngrp].at[bb], isem[ngrp]).wait()
                    pltpu.async_copy(
                        h_hbm.at[sbuf[ngrp].at[pl.ds(b * WIN, WIN)]],
                        rows[b], sems[b])

        def body2(i, _):
            body(2 * i, 0, 1)
            body(2 * i + 1, 1, 0)
            return ()

        lax.fori_loop(0, G // 2, body2, ())

        if EXTRA:
            @pl.when(wid < EXTRA)
            def _():
                xoff = (FW * NW + wid) * WIN
                pltpu.sync_copy(src_hbm.at[pl.ds(xoff, WIN)],
                                sbuf[0].at[pl.ds(0, WIN)])
                pltpu.sync_copy(dst_hbm.at[pl.ds(xoff, WIN)],
                                dbuf[0].at[0])
                pltpu.async_copy(h_hbm.at[sbuf[0].at[pl.ds(0, WIN)]],
                                 rows[0], sems[0]).wait()
                pltpu.sync_copy(rows[0], agg.at[dbuf[0].at[0]], add=True)

        plsc.subcore_barrier()
        pltpu.sync_copy(agg.at[pl.ds(zbase, RPT)],
                        out_hbm.at[cid, pl.ds(zbase, RPT)])
        if REM:
            @pl.when(sid == NS - 1)
            def _():
                pltpu.sync_copy(agg.at[pl.ds(RPT * NS, REM)],
                                out_hbm.at[cid, pl.ds(RPT * NS, REM)])

    return layer


def _split_edges_body(e_ref, s_ref, d_ref):
    s_ref[...] = e_ref[0]
    d_ref[...] = e_ref[1]


def _split_edges(edge_index):
    _, E = edge_index.shape
    blk = E
    return pl.pallas_call(
        _split_edges_body,
        grid=(1,),
        in_specs=[pl.BlockSpec((2, blk), lambda i: (0, 0))],
        out_specs=[pl.BlockSpec((blk,), lambda i: (0,)),
                   pl.BlockSpec((blk,), lambda i: (0,))],
        out_shape=[jax.ShapeDtypeStruct((E,), jnp.int32),
                   jax.ShapeDtypeStruct((E,), jnp.int32)],
    )(edge_index)


def _mm_relu_body(x_ref, w_ref, b_ref, o_ref):
    acc = jnp.dot(x_ref[...], w_ref[...], preferred_element_type=jnp.float32)
    o_ref[...] = jnp.maximum(acc + b_ref[...], 0.0)


def _pair_mm_relu_body(p_ref, w_ref, b_ref, o_ref):
    s = p_ref[0] + p_ref[1]
    acc = jnp.dot(s, w_ref[...], preferred_element_type=jnp.float32)
    o_ref[...] = jnp.maximum(acc + b_ref[...], 0.0)


def _mm_relu(x, w, b, blk=2000):
    N, D = x.shape
    assert N % blk == 0
    return pl.pallas_call(
        _mm_relu_body,
        grid=(N // blk,),
        in_specs=[
            pl.BlockSpec((blk, D), lambda i: (i, 0)),
            pl.BlockSpec((D, D), lambda i: (0, 0)),
            pl.BlockSpec((1, D), lambda i: (0, 0)),
        ],
        out_specs=pl.BlockSpec((blk, D), lambda i: (i, 0)),
        out_shape=jax.ShapeDtypeStruct((N, D), jnp.float32),
    )(x, w, b.reshape(1, D))


def _pair_mm_relu(p, w, b, blk=2000):
    _, N, D = p.shape
    assert N % blk == 0
    return pl.pallas_call(
        _pair_mm_relu_body,
        grid=(N // blk,),
        in_specs=[
            pl.BlockSpec((NC, blk, D), lambda i: (0, i, 0)),
            pl.BlockSpec((D, D), lambda i: (0, 0)),
            pl.BlockSpec((1, D), lambda i: (0, 0)),
        ],
        out_specs=pl.BlockSpec((blk, D), lambda i: (i, 0)),
        out_shape=jax.ShapeDtypeStruct((N, D), jnp.float32),
    )(p, w, b.reshape(1, D))


def kernel(x, edge_index, W0, b0, W1, b1, W2, b2):
    N, D = x.shape
    E = edge_index.shape[1]
    src2, dst2 = _split_edges(edge_index)
    zeros = jnp.asarray(np.zeros((N, D), np.float32))

    sc_layer = _make_sc_layer(N, E, D)

    h = _mm_relu(x, W0, b0)
    p = sc_layer(h, src2, dst2, zeros)
    h = _pair_mm_relu(p, W1, b1)
    p = sc_layer(h, src2, dst2, zeros)
    h = _pair_mm_relu(p, W2, b2)
    return h

# --- scband reference (transcript-rebuilt; emitter-appended) ---
"""Pipeline reference for scband-gnnencoder-16604343566538 (READ-ONLY COPY).

The authoritative reference and input builder live on the scoring server;
editing this copy changes nothing except your own understanding.
"""

import jax, jax.numpy as jnp
import numpy as np

N = 10000
E = 320000
D = 128


def setup_inputs(seed: int = 0) -> dict:
    key = jax.random.key(seed)
    ks = jax.random.split(key, 9)
    x = jax.random.normal(ks[0], (N, D), dtype=jnp.float32)
    edge_index = jax.random.randint(ks[1], (2, E), 0, N, dtype=jnp.int32)
    s = 1.0 / np.sqrt(D)
    W0 = jax.random.normal(ks[2], (D, D), dtype=jnp.float32) * s
    b0 = jnp.zeros((D,), dtype=jnp.float32)
    W1 = jax.random.normal(ks[3], (D, D), dtype=jnp.float32) * s
    b1 = jnp.zeros((D,), dtype=jnp.float32)
    W2 = jax.random.normal(ks[4], (D, D), dtype=jnp.float32) * s
    b2 = jnp.zeros((D,), dtype=jnp.float32)
    return {"x": x, "edge_index": edge_index, "W0": W0, "b0": b0, "W1": W1, "b1": b1, "W2": W2, "b2": b2}


def reference(x, edge_index, W0, b0, W1, b1, W2, b2):
    # node_lin: GeneralLayer('linear') with activation
    h = jax.nn.relu(x @ W0 + b0)
    src = edge_index[0]
    dst = edge_index[1]
    # cfg.gnn.layers_mp = 2 message-passing layers (sum aggregation + linear + relu)
    for W, b in ((W1, b1), (W2, b2)):
        msg = jnp.take(h, src, axis=0)               # gather neighbor features
        agg = jax.ops.segment_sum(msg, dst, num_segments=N)  # scatter-add to dst nodes
        h = jax.nn.relu(agg @ W + b)
    return h

if __name__ == "__main__":
    import jax
    _d = setup_inputs()
    print(jax.jit(kernel)(*tuple(_d.values())))

</pallas_src>

<mosaic_0001>
#map = affine_map<(d0, d1) -> (0, 0)>
#map1 = affine_map<(d0, d1) -> (0)>
#map2 = affine_map<(d0, d1) -> (0, 0, 0)>
module attributes {stable_mosaic.version = 14 : i64} {
  func.func @layer(%arg0: i32, %arg1: i32, %arg2: memref<10000x128xf32, #tpu.memory_space<hbm>>, %arg3: memref<320000xi32, #tpu.memory_space<hbm>>, %arg4: memref<320000xi32, #tpu.memory_space<hbm>>, %arg5: memref<10000x128xf32, #tpu.memory_space<hbm>>, %arg6: memref<2x10000x128xf32, #tpu.memory_space<hbm>>, %arg7: memref<10000x128xf32, #tpu.memory_space<vmem_shared>>, %arg8: memref<384xi32, #tpu.memory_space<vmem>>, %arg9: memref<384xi32, #tpu.memory_space<vmem>>, %arg10: memref<3x128xi32, #tpu.memory_space<vmem>>, %arg11: memref<3x128xi32, #tpu.memory_space<vmem>>, %arg12: memref<128x128xf32, #tpu.memory_space<vmem>>, %arg13: memref<128x128xf32, #tpu.memory_space<vmem>>, %arg14: memref<128x128xf32, #tpu.memory_space<vmem>>, %arg15: memref<!tpu.dma_semaphore, #tpu.memory_space<semaphore_mem>>, %arg16: memref<!tpu.dma_semaphore, #tpu.memory_space<semaphore_mem>>, %arg17: memref<!tpu.dma_semaphore, #tpu.memory_space<semaphore_mem>>, %arg18: memref<!tpu.dma_semaphore, #tpu.memory_space<semaphore_mem>>, %arg19: memref<!tpu.dma_semaphore, #tpu.memory_space<semaphore_mem>>) attributes {dimension_semantics = [#tpu.dimension_semantics<core_parallel>, #tpu.dimension_semantics<subcore_parallel>], iteration_bounds = array<i64: 2, 16>, scalar_prefetch = 0 : i64, scratch_operands = 13 : i64, tpu.core_type = #tpu.core_type<sc_vector_subcore>, window_params = [{transform_indices = #map}, {transform_indices = #map1}, {transform_indices = #map1}, {transform_indices = #map}, {transform_indices = #map2}]} {
    %mul3A = arith.constant 2 : i32
    %mul3A_0 = arith.muli %arg1, %mul3A : i32
    %add3A = arith.addi %mul3A_0, %arg0 : i32
    %mul3A_1 = arith.constant 78 : i32
    %mul3A_2 = arith.muli %add3A, %mul3A_1 : i32
    %mul3A_3 = arith.constant 624 : i32
    %mul3A_4 = arith.muli %arg1, %mul3A_3 : i32
    "tpu.region"() ({
      %run_scoped3A_51 = tpu.sem_alloc : memref<!tpu.dma_semaphore, #tpu.memory_space<semaphore_mem>>
      %dma_start3A_52 = arith.constant 0 : i32
      %dma_start3A_53 = tpu.memref_slice %arg7[%mul3A_4, %dma_start3A_52] : memref<10000x128xf32, #tpu.memory_space<vmem_shared>> -> memref<624x128xf32, #tpu.memory_space<vmem_shared>>
      %dma_start3A_54 = arith.constant 0 : i32
      %dma_start3A_55 = tpu.memref_slice %arg5[%mul3A_4, %dma_start3A_54] : memref<10000x128xf32, #tpu.memory_space<hbm>> -> memref<624x128xf32, #tpu.memory_space<hbm>>
      tpu.enqueue_dma source(%dma_start3A_55 : memref<624x128xf32, #tpu.memory_space<hbm>>) target(%dma_start3A_53 : memref<624x128xf32, #tpu.memory_space<vmem_shared>>) target_semaphore(%run_scoped3A_51 : memref<!tpu.dma_semaphore, #tpu.memory_space<semaphore_mem>>)
      %dma_wait3A = arith.constant 0 : i32
      %dma_wait3A_56 = tpu.memref_slice %arg7[%mul3A_4, %dma_wait3A] : memref<10000x128xf32, #tpu.memory_space<vmem_shared>> -> memref<624x128xf32, #tpu.memory_space<vmem_shared>>
      %dma_wait3A_57 = arith.constant 0 : i32
      %dma_wait3A_58 = tpu.memref_slice %arg5[%mul3A_4, %dma_wait3A_57] : memref<10000x128xf32, #tpu.memory_space<hbm>> -> memref<624x128xf32, #tpu.memory_space<hbm>>
      tpu.wait_dma2 semaphore(%run_scoped3A_51 : memref<!tpu.dma_semaphore, #tpu.memory_space<semaphore_mem>>) src(%dma_wait3A_58 : memref<624x128xf32, #tpu.memory_space<hbm>>) dst(%dma_wait3A_56 : memref<624x128xf32, #tpu.memory_space<vmem_shared>>)
      tpu.yield
    }) : () -> ()
    %eq3A = arith.constant 15 : i32
    %eq3A_5 = arith.cmpi eq, %arg1, %eq3A : i32
    %convert_element_type3A = arith.extui %eq3A_5 : i1 to i32
    %cond3A = arith.constant 0 : i32
    %cond3A_6 = arith.cmpi ne, %convert_element_type3A, %cond3A : i32
    scf.if %cond3A_6 {
      "tpu.region"() ({
        %run_scoped3A_51 = tpu.sem_alloc : memref<!tpu.dma_semaphore, #tpu.memory_space<semaphore_mem>>
        %dma_start3A_52 = arith.constant 9984 : i32
        %dma_start3A_53 = arith.constant 0 : i32
        %dma_start3A_54 = tpu.memref_slice %arg7[%dma_start3A_52, %dma_start3A_53] : memref<10000x128xf32, #tpu.memory_space<vmem_shared>> -> memref<16x128xf32, #tpu.memory_space<vmem_shared>>
        %dma_start3A_55 = arith.constant 9984 : i32
        %dma_start3A_56 = arith.constant 0 : i32
        %dma_start3A_57 = tpu.memref_slice %arg5[%dma_start3A_55, %dma_start3A_56] : memref<10000x128xf32, #tpu.memory_space<hbm>> -> memref<16x128xf32, #tpu.memory_space<hbm>>
        tpu.enqueue_dma source(%dma_start3A_57 : memref<16x128xf32, #tpu.memory_space<hbm>>) target(%dma_start3A_54 : memref<16x128xf32, #tpu.memory_space<vmem_shared>>) target_semaphore(%run_scoped3A_51 : memref<!tpu.dma_semaphore, #tpu.memory_space<semaphore_mem>>)
        %dma_wait3A = arith.constant 9984 : i32
        %dma_wait3A_58 = arith.constant 0 : i32
        %dma_wait3A_59 = tpu.memref_slice %arg7[%dma_wait3A, %dma_wait3A_58] : memref<10000x128xf32, #tpu.memory_space<vmem_shared>> -> memref<16x128xf32, #tpu.memory_space<vmem_shared>>
        %dma_wait3A_60 = arith.constant 9984 : i32
        %dma_wait3A_61 = arith.constant 0 : i32
        %dma_wait3A_62 = tpu.memref_slice %arg5[%dma_wait3A_60, %dma_wait3A_61] : memref<10000x128xf32, #tpu.memory_space<hbm>> -> memref<16x128xf32, #tpu.memory_space<hbm>>
        tpu.wait_dma2 semaphore(%run_scoped3A_51 : memref<!tpu.dma_semaphore, #tpu.memory_space<semaphore_mem>>) src(%dma_wait3A_62 : memref<16x128xf32, #tpu.memory_space<hbm>>) dst(%dma_wait3A_59 : memref<16x128xf32, #tpu.memory_space<vmem_shared>>)
        tpu.yield
      }) : () -> ()
    } else {
    }
    %mul3A_7 = arith.constant 128 : i32
    %mul3A_8 = arith.muli %mul3A_2, %mul3A_7 : i32
    "tpu.region"() ({
      %run_scoped3A_51 = tpu.sem_alloc : memref<!tpu.dma_semaphore, #tpu.memory_space<semaphore_mem>>
      %dma_start3A_52 = tpu.memref_slice %arg3[%mul3A_8] : memref<320000xi32, #tpu.memory_space<hbm>> -> memref<384xi32, #tpu.memory_space<hbm>>
      %dma_start3A_53 = tpu.memref_slice %arg3[%mul3A_8] : memref<320000xi32, #tpu.memory_space<hbm>> -> memref<384xi32, #tpu.memory_space<hbm>>
      tpu.enqueue_dma source(%dma_start3A_53 : memref<384xi32, #tpu.memory_space<hbm>>) target(%arg8 : memref<384xi32, #tpu.memory_space<vmem>>) target_semaphore(%run_scoped3A_51 : memref<!tpu.dma_semaphore, #tpu.memory_space<semaphore_mem>>)
      %dma_wait3A = tpu.memref_slice %arg3[%mul3A_8] : memref<320000xi32, #tpu.memory_space<hbm>> -> memref<384xi32, #tpu.memory_space<hbm>>
      %dma_wait3A_54 = tpu.memref_slice %arg3[%mul3A_8] : memref<320000xi32, #tpu.memory_space<hbm>> -> memref<384xi32, #tpu.memory_space<hbm>>
      tpu.wait_dma2 semaphore(%run_scoped3A_51 : memref<!tpu.dma_semaphore, #tpu.memory_space<semaphore_mem>>) src(%dma_wait3A_54 : memref<384xi32, #tpu.memory_space<hbm>>) dst(%arg8 : memref<384xi32, #tpu.memory_space<vmem>>)
      tpu.yield
    }) : () -> ()
    %add3A_9 = arith.constant 0 : i32
    %add3A_10 = arith.addi %mul3A_2, %add3A_9 : i32
    %mul3A_11 = arith.constant 128 : i32
    %mul3A_12 = arith.muli %add3A_10, %mul3A_11 : i32
    %run_scoped3A = arith.constant 0 : i32
    "tpu.region"() ({
      %run_scoped3A_51 = tpu.sem_alloc : memref<!tpu.dma_semaphore, #tpu.memory_space<semaphore_mem>>
      %dma_start3A_52 = arith.constant 0 : i32
      %dma_start3A_53 = tpu.memref_slice %arg10[%run_scoped3A, %dma_start3A_52] : memref<3x128xi32, #tpu.memory_space<vmem>> -> memref<1x128xi32, #tpu.memory_space<vmem>>
      %dma_start3A_54 = tpu.memref_squeeze %dma_start3A_53 : memref<1x128xi32, #tpu.memory_space<vmem>> -> memref<128xi32, #tpu.memory_space<vmem>>
      %dma_start3A_55 = tpu.memref_slice %arg4[%mul3A_12] : memref<320000xi32, #tpu.memory_space<hbm>> -> memref<128xi32, #tpu.memory_space<hbm>>
      %dma_start3A_56 = arith.constant 0 : i32
      %dma_start3A_57 = tpu.memref_slice %arg10[%run_scoped3A, %dma_start3A_56] : memref<3x128xi32, #tpu.memory_space<vmem>> -> memref<1x128xi32, #tpu.memory_space<vmem>>
      %dma_start3A_58 = tpu.memref_squeeze %dma_start3A_57 : memref<1x128xi32, #tpu.memory_space<vmem>> -> memref<128xi32, #tpu.memory_space<vmem>>
      %dma_start3A_59 = tpu.memref_slice %arg4[%mul3A_12] : memref<320000xi32, #tpu.memory_space<hbm>> -> memref<128xi32, #tpu.memory_space<hbm>>
      tpu.enqueue_dma source(%dma_start3A_59 : memref<128xi32, #tpu.memory_space<hbm>>) target(%dma_start3A_58 : memref<128xi32, #tpu.memory_space<vmem>>) target_semaphore(%run_scoped3A_51 : memref<!tpu.dma_semaphore, #tpu.memory_space<semaphore_mem>>)
      %dma_wait3A = arith.constant 0 : i32
      %dma_wait3A_60 = tpu.memref_slice %arg10[%run_scoped3A, %dma_wait3A] : memref<3x128xi32, #tpu.memory_space<vmem>> -> memref<1x128xi32, #tpu.memory_space<vmem>>
      %dma_wait3A_61 = tpu.memref_squeeze %dma_wait3A_60 : memref<1x128xi32, #tpu.memory_space<vmem>> -> memref<128xi32, #tpu.memory_space<vmem>>
      %dma_wait3A_62 = tpu.memref_slice %arg4[%mul3A_12] : memref<320000xi32, #tpu.memory_space<hbm>> -> memref<128xi32, #tpu.memory_space<hbm>>
      %dma_wait3A_63 = arith.constant 0 : i32
      %dma_wait3A_64 = tpu.memref_slice %arg10[%run_scoped3A, %dma_wait3A_63] : memref<3x128xi32, #tpu.memory_space<vmem>> -> memref<1x128xi32, #tpu.memory_space<vmem>>
      %dma_wait3A_65 = tpu.memref_squeeze %dma_wait3A_64 : memref<1x128xi32, #tpu.memory_space<vmem>> -> memref<128xi32, #tpu.memory_space<vmem>>
      %dma_wait3A_66 = tpu.memref_slice %arg4[%mul3A_12] : memref<320000xi32, #tpu.memory_space<hbm>> -> memref<128xi32, #tpu.memory_space<hbm>>
      tpu.wait_dma2 semaphore(%run_scoped3A_51 : memref<!tpu.dma_semaphore, #tpu.memory_space<semaphore_mem>>) src(%dma_wait3A_66 : memref<128xi32, #tpu.memory_space<hbm>>) dst(%dma_wait3A_65 : memref<128xi32, #tpu.memory_space<vmem>>)
      tpu.yield
    }) : () -> ()
    %add3A_13 = arith.constant 1 : i32
    %add3A_14 = arith.addi %mul3A_2, %add3A_13 : i32
    %mul3A_15 = arith.constant 128 : i32
    %mul3A_16 = arith.muli %add3A_14, %mul3A_15 : i32
    %run_scoped3A_17 = arith.constant 1 : i32
    "tpu.region"() ({
      %run_scoped3A_51 = tpu.sem_alloc : memref<!tpu.dma_semaphore, #tpu.memory_space<semaphore_mem>>
      %dma_start3A_52 = arith.constant 0 : i32
      %dma_start3A_53 = tpu.memref_slice %arg10[%run_scoped3A_17, %dma_start3A_52] : memref<3x128xi32, #tpu.memory_space<vmem>> -> memref<1x128xi32, #tpu.memory_space<vmem>>
      %dma_start3A_54 = tpu.memref_squeeze %dma_start3A_53 : memref<1x128xi32, #tpu.memory_space<vmem>> -> memref<128xi32, #tpu.memory_space<vmem>>
      %dma_start3A_55 = tpu.memref_slice %arg4[%mul3A_16] : memref<320000xi32, #tpu.memory_space<hbm>> -> memref<128xi32, #tpu.memory_space<hbm>>
      %dma_start3A_56 = arith.constant 0 : i32
      %dma_start3A_57 = tpu.memref_slice %arg10[%run_scoped3A_17, %dma_start3A_56] : memref<3x128xi32, #tpu.memory_space<vmem>> -> memref<1x128xi32, #tpu.memory_space<vmem>>
      %dma_start3A_58 = tpu.memref_squeeze %dma_start3A_57 : memref<1x128xi32, #tpu.memory_space<vmem>> -> memref<128xi32, #tpu.memory_space<vmem>>
      %dma_start3A_59 = tpu.memref_slice %arg4[%mul3A_16] : memref<320000xi32, #tpu.memory_space<hbm>> -> memref<128xi32, #tpu.memory_space<hbm>>
      tpu.enqueue_dma source(%dma_start3A_59 : memref<128xi32, #tpu.memory_space<hbm>>) target(%dma_start3A_58 : memref<128xi32, #tpu.memory_space<vmem>>) target_semaphore(%run_scoped3A_51 : memref<!tpu.dma_semaphore, #tpu.memory_space<semaphore_mem>>)
      %dma_wait3A = arith.constant 0 : i32
      %dma_wait3A_60 = tpu.memref_slice %arg10[%run_scoped3A_17, %dma_wait3A] : memref<3x128xi32, #tpu.memory_space<vmem>> -> memref<1x128xi32, #tpu.memory_space<vmem>>
      %dma_wait3A_61 = tpu.memref_squeeze %dma_wait3A_60 : memref<1x128xi32, #tpu.memory_space<vmem>> -> memref<128xi32, #tpu.memory_space<vmem>>
      %dma_wait3A_62 = tpu.memref_slice %arg4[%mul3A_16] : memref<320000xi32, #tpu.memory_space<hbm>> -> memref<128xi32, #tpu.memory_space<hbm>>
      %dma_wait3A_63 = arith.constant 0 : i32
      %dma_wait3A_64 = tpu.memref_slice %arg10[%run_scoped3A_17, %dma_wait3A_63] : memref<3x128xi32, #tpu.memory_space<vmem>> -> memref<1x128xi32, #tpu.memory_space<vmem>>
      %dma_wait3A_65 = tpu.memref_squeeze %dma_wait3A_64 : memref<1x128xi32, #tpu.memory_space<vmem>> -> memref<128xi32, #tpu.memory_space<vmem>>
      %dma_wait3A_66 = tpu.memref_slice %arg4[%mul3A_16] : memref<320000xi32, #tpu.memory_space<hbm>> -> memref<128xi32, #tpu.memory_space<hbm>>
      tpu.wait_dma2 semaphore(%run_scoped3A_51 : memref<!tpu.dma_semaphore, #tpu.memory_space<semaphore_mem>>) src(%dma_wait3A_66 : memref<128xi32, #tpu.memory_space<hbm>>) dst(%dma_wait3A_65 : memref<128xi32, #tpu.memory_space<vmem>>)
      tpu.yield
    }) : () -> ()
    %add3A_18 = arith.constant 2 : i32
    %add3A_19 = arith.addi %mul3A_2, %add3A_18 : i32
    %mul3A_20 = arith.constant 128 : i32
    %mul3A_21 = arith.muli %add3A_19, %mul3A_20 : i32
    %run_scoped3A_22 = arith.constant 2 : i32
    "tpu.region"() ({
      %run_scoped3A_51 = tpu.sem_alloc : memref<!tpu.dma_semaphore, #tpu.memory_space<semaphore_mem>>
      %dma_start3A_52 = arith.constant 0 : i32
      %dma_start3A_53 = tpu.memref_slice %arg10[%run_scoped3A_22, %dma_start3A_52] : memref<3x128xi32, #tpu.memory_space<vmem>> -> memref<1x128xi32, #tpu.memory_space<vmem>>
      %dma_start3A_54 = tpu.memref_squeeze %dma_start3A_53 : memref<1x128xi32, #tpu.memory_space<vmem>> -> memref<128xi32, #tpu.memory_space<vmem>>
      %dma_start3A_55 = tpu.memref_slice %arg4[%mul3A_21] : memref<320000xi32, #tpu.memory_space<hbm>> -> memref<128xi32, #tpu.memory_space<hbm>>
      %dma_start3A_56 = arith.constant 0 : i32
      %dma_start3A_57 = tpu.memref_slice %arg10[%run_scoped3A_22, %dma_start3A_56] : memref<3x128xi32, #tpu.memory_space<vmem>> -> memref<1x128xi32, #tpu.memory_space<vmem>>
      %dma_start3A_58 = tpu.memref_squeeze %dma_start3A_57 : memref<1x128xi32, #tpu.memory_space<vmem>> -> memref<128xi32, #tpu.memory_space<vmem>>
      %dma_start3A_59 = tpu.memref_slice %arg4[%mul3A_21] : memref<320000xi32, #tpu.memory_space<hbm>> -> memref<128xi32, #tpu.memory_space<hbm>>
      tpu.enqueue_dma source(%dma_start3A_59 : memref<128xi32, #tpu.memory_space<hbm>>) target(%dma_start3A_58 : memref<128xi32, #tpu.memory_space<vmem>>) target_semaphore(%run_scoped3A_51 : memref<!tpu.dma_semaphore, #tpu.memory_space<semaphore_mem>>)
      %dma_wait3A = arith.constant 0 : i32
      %dma_wait3A_60 = tpu.memref_slice %arg10[%run_scoped3A_22, %dma_wait3A] : memref<3x128xi32, #tpu.memory_space<vmem>> -> memref<1x128xi32, #tpu.memory_space<vmem>>
      %dma_wait3A_61 = tpu.memref_squeeze %dma_wait3A_60 : memref<1x128xi32, #tpu.memory_space<vmem>> -> memref<128xi32, #tpu.memory_space<vmem>>
      %dma_wait3A_62 = tpu.memref_slice %arg4[%mul3A_21] : memref<320000xi32, #tpu.memory_space<hbm>> -> memref<128xi32, #tpu.memory_space<hbm>>
      %dma_wait3A_63 = arith.constant 0 : i32
      %dma_wait3A_64 = tpu.memref_slice %arg10[%run_scoped3A_22, %dma_wait3A_63] : memref<3x128xi32, #tpu.memory_space<vmem>> -> memref<1x128xi32, #tpu.memory_space<vmem>>
      %dma_wait3A_65 = tpu.memref_squeeze %dma_wait3A_64 : memref<1x128xi32, #tpu.memory_space<vmem>> -> memref<128xi32, #tpu.memory_space<vmem>>
      %dma_wait3A_66 = tpu.memref_slice %arg4[%mul3A_21] : memref<320000xi32, #tpu.memory_space<hbm>> -> memref<128xi32, #tpu.memory_space<hbm>>
      tpu.wait_dma2 semaphore(%run_scoped3A_51 : memref<!tpu.dma_semaphore, #tpu.memory_space<semaphore_mem>>) src(%dma_wait3A_66 : memref<128xi32, #tpu.memory_space<hbm>>) dst(%dma_wait3A_65 : memref<128xi32, #tpu.memory_space<vmem>>)
      tpu.yield
    }) : () -> ()
    %barrier3A = arith.constant 0 : index
    tpu.barrier barrier_id(%barrier3A)
    %dma_start3A = arith.constant 0 : i32
    %dma_start3A_23 = tpu.memref_slice %arg8[%dma_start3A] : memref<384xi32, #tpu.memory_space<vmem>> -> memref<128xi32, #tpu.memory_space<vmem>>
    %dma_start3A_24 = arith.constant 0 : i32
    %dma_start3A_25 = arith.constant 0 : i32
    %dma_start3A_26 = tpu.memref_slice %arg2[%dma_start3A_24, %dma_start3A_25] : memref<10000x128xf32, #tpu.memory_space<hbm>> -> memref<10000x128xf32, #tpu.memory_space<hbm>>
    tpu.enqueue_indirect_dma source(%dma_start3A_26 : memref<10000x128xf32, #tpu.memory_space<hbm>>) target(%arg12 : memref<128x128xf32, #tpu.memory_space<vmem>>) offsets(%dma_start3A_23 : memref<128xi32, #tpu.memory_space<vmem>>) semaphore(%arg15 : memref<!tpu.dma_semaphore, #tpu.memory_space<semaphore_mem>>)
    %dma_start3A_27 = arith.constant 128 : i32
    %dma_start3A_28 = tpu.memref_slice %arg8[%dma_start3A_27] : memref<384xi32, #tpu.memory_space<vmem>> -> memref<128xi32, #tpu.memory_space<vmem>>
    %dma_start3A_29 = arith.constant 0 : i32
    %dma_start3A_30 = arith.constant 0 : i32
    %dma_start3A_31 = tpu.memref_slice %arg2[%dma_start3A_29, %dma_start3A_30] : memref<10000x128xf32, #tpu.memory_space<hbm>> -> memref<10000x128xf32, #tpu.memory_space<hbm>>
    tpu.enqueue_indirect_dma source(%dma_start3A_31 : memref<10000x128xf32, #tpu.memory_space<hbm>>) target(%arg13 : memref<128x128xf32, #tpu.memory_space<vmem>>) offsets(%dma_start3A_28 : memref<128xi32, #tpu.memory_space<vmem>>) semaphore(%arg16 : memref<!tpu.dma_semaphore, #tpu.memory_space<semaphore_mem>>)
    %dma_start3A_32 = arith.constant 256 : i32
    %dma_start3A_33 = tpu.memref_slice %arg8[%dma_start3A_32] : memref<384xi32, #tpu.memory_space<vmem>> -> memref<128xi32, #tpu.memory_space<vmem>>
    %dma_start3A_34 = arith.constant 0 : i32
    %dma_start3A_35 = arith.constant 0 : i32
    %dma_start3A_36 = tpu.memref_slice %arg2[%dma_start3A_34, %dma_start3A_35] : memref<10000x128xf32, #tpu.memory_space<hbm>> -> memref<10000x128xf32, #tpu.memory_space<hbm>>
    tpu.enqueue_indirect_dma source(%dma_start3A_36 : memref<10000x128xf32, #tpu.memory_space<hbm>>) target(%arg14 : memref<128x128xf32, #tpu.memory_space<vmem>>) offsets(%dma_start3A_33 : memref<128xi32, #tpu.memory_space<vmem>>) semaphore(%arg17 : memref<!tpu.dma_semaphore, #tpu.memory_space<semaphore_mem>>)
    %scan3A = arith.constant 0 : i32
    %scan3A_37 = arith.constant 13 : i32
    %scan3A_38 = arith.addi %scan3A, %scan3A_37 : i32
    %scan3A_39 = arith.constant 1 : i32
    scf.for %scan3A_51 = %scan3A to %scan3A_38 step %scan3A_39  : i32 {
      %mul3A_52 = arith.constant 2 : i32
      %mul3A_53 = arith.muli %mul3A_52, %scan3A_51 : i32
      %add3A_54 = arith.constant 1 : i32
      %add3A_55 = arith.addi %mul3A_53, %add3A_54 : i32
      %lt3A_56 = arith.constant 26 : i32
      %lt3A_57 = arith.cmpi slt, %add3A_55, %lt3A_56 : i32
      %convert_element_type3A_58 = arith.extui %lt3A_57 : i1 to i32
      %cond3A_59 = arith.constant 0 : i32
      %cond3A_60 = arith.cmpi ne, %convert_element_type3A_58, %cond3A_59 : i32
      scf.if %cond3A_60 {
        %add3A_155 = arith.constant 1 : i32
        %add3A_156 = arith.addi %mul3A_53, %add3A_155 : i32
        %mul3A_157 = arith.constant 3 : i32
        %mul3A_158 = arith.muli %add3A_156, %mul3A_157 : i32
        %add3A_159 = arith.addi %mul3A_2, %mul3A_158 : i32
        %mul3A_160 = arith.constant 128 : i32
        %mul3A_161 = arith.muli %add3A_159, %mul3A_160 : i32
        %dma_start3A_162 = tpu.memref_slice %arg3[%mul3A_161] : memref<320000xi32, #tpu.memory_space<hbm>> -> memref<384xi32, #tpu.memory_space<hbm>>
        %dma_start3A_163 = tpu.memref_slice %arg3[%mul3A_161] : memref<320000xi32, #tpu.memory_space<hbm>> -> memref<384xi32, #tpu.memory_space<hbm>>
        tpu.enqueue_dma source(%dma_start3A_163 : memref<384xi32, #tpu.memory_space<hbm>>) target(%arg9 : memref<384xi32, #tpu.memory_space<vmem>>) target_semaphore(%arg19 : memref<!tpu.dma_semaphore, #tpu.memory_space<semaphore_mem>>)
        %add3A_164 = arith.constant 0 : i32
        %add3A_165 = arith.addi %mul3A_161, %add3A_164 : i32
        %dma_start3A_166 = arith.constant 0 : i32
        %dma_start3A_167 = arith.constant 0 : i32
        %dma_start3A_168 = tpu.memref_slice %arg11[%dma_start3A_166, %dma_start3A_167] : memref<3x128xi32, #tpu.memory_space<vmem>> -> memref<1x128xi32, #tpu.memory_space<vmem>>
        %dma_start3A_169 = tpu.memref_squeeze %dma_start3A_168 : memref<1x128xi32, #tpu.memory_space<vmem>> -> memref<128xi32, #tpu.memory_space<vmem>>
        %dma_start3A_170 = tpu.memref_slice %arg4[%add3A_165] : memref<320000xi32, #tpu.memory_space<hbm>> -> memref<128xi32, #tpu.memory_space<hbm>>
        %dma_start3A_171 = arith.constant 0 : i32
        %dma_start3A_172 = tpu.memref_slice %arg11[%dma_start3A_166, %dma_start3A_171] : memref<3x128xi32, #tpu.memory_space<vmem>> -> memref<1x128xi32, #tpu.memory_space<vmem>>
        %dma_start3A_173 = tpu.memref_squeeze %dma_start3A_172 : memref<1x128xi32, #tpu.memory_space<vmem>> -> memref<128xi32, #tpu.memory_space<vmem>>
        %dma_start3A_174 = tpu.memref_slice %arg4[%add3A_165] : memref<320000xi32, #tpu.memory_space<hbm>> -> memref<128xi32, #tpu.memory_space<hbm>>
        tpu.enqueue_dma source(%dma_start3A_174 : memref<128xi32, #tpu.memory_space<hbm>>) target(%dma_start3A_173 : memref<128xi32, #tpu.memory_space<vmem>>) target_semaphore(%arg19 : memref<!tpu.dma_semaphore, #tpu.memory_space<semaphore_mem>>)
        %add3A_175 = arith.constant 128 : i32
        %add3A_176 = arith.addi %mul3A_161, %add3A_175 : i32
        %dma_start3A_177 = arith.constant 1 : i32
        %dma_start3A_178 = arith.constant 0 : i32
        %dma_start3A_179 = tpu.memref_slice %arg11[%dma_start3A_177, %dma_start3A_178] : memref<3x128xi32, #tpu.memory_space<vmem>> -> memref<1x128xi32, #tpu.memory_space<vmem>>
        %dma_start3A_180 = tpu.memref_squeeze %dma_start3A_179 : memref<1x128xi32, #tpu.memory_space<vmem>> -> memref<128xi32, #tpu.memory_space<vmem>>
        %dma_start3A_181 = tpu.memref_slice %arg4[%add3A_176] : memref<320000xi32, #tpu.memory_space<hbm>> -> memref<128xi32, #tpu.memory_space<hbm>>
        %dma_start3A_182 = arith.constant 0 : i32
        %dma_start3A_183 = tpu.memref_slice %arg11[%dma_start3A_177, %dma_start3A_182] : memref<3x128xi32, #tpu.memory_space<vmem>> -> memref<1x128xi32, #tpu.memory_space<vmem>>
        %dma_start3A_184 = tpu.memref_squeeze %dma_start3A_183 : memref<1x128xi32, #tpu.memory_space<vmem>> -> memref<128xi32, #tpu.memory_space<vmem>>
        %dma_start3A_185 = tpu.memref_slice %arg4[%add3A_176] : memref<320000xi32, #tpu.memory_space<hbm>> -> memref<128xi32, #tpu.memory_space<hbm>>
        tpu.enqueue_dma source(%dma_start3A_185 : memref<128xi32, #tpu.memory_space<hbm>>) target(%dma_start3A_184 : memref<128xi32, #tpu.memory_space<vmem>>) target_semaphore(%arg19 : memref<!tpu.dma_semaphore, #tpu.memory_space<semaphore_mem>>)
        %add3A_186 = arith.constant 256 : i32
        %add3A_187 = arith.addi %mul3A_161, %add3A_186 : i32
        %dma_start3A_188 = arith.constant 2 : i32
        %dma_start3A_189 = arith.constant 0 : i32
        %dma_start3A_190 = tpu.memref_slice %arg11[%dma_start3A_188, %dma_start3A_189] : memref<3x128xi32, #tpu.memory_space<vmem>> -> memref<1x128xi32, #tpu.memory_space<vmem>>
        %dma_start3A_191 = tpu.memref_squeeze %dma_start3A_190 : memref<1x128xi32, #tpu.memory_space<vmem>> -> memref<128xi32, #tpu.memory_space<vmem>>
        %dma_start3A_192 = tpu.memref_slice %arg4[%add3A_187] : memref<320000xi32, #tpu.memory_space<hbm>> -> memref<128xi32, #tpu.memory_space<hbm>>
        %dma_start3A_193 = arith.constant 0 : i32
        %dma_start3A_194 = tpu.memref_slice %arg11[%dma_start3A_188, %dma_start3A_193] : memref<3x128xi32, #tpu.memory_space<vmem>> -> memref<1x128xi32, #tpu.memory_space<vmem>>
        %dma_start3A_195 = tpu.memref_squeeze %dma_start3A_194 : memref<1x128xi32, #tpu.memory_space<vmem>> -> memref<128xi32, #tpu.memory_space<vmem>>
        %dma_start3A_196 = tpu.memref_slice %arg4[%add3A_187] : memref<320000xi32, #tpu.memory_space<hbm>> -> memref<128xi32, #tpu.memory_space<hbm>>
        tpu.enqueue_dma source(%dma_start3A_196 : memref<128xi32, #tpu.memory_space<hbm>>) target(%dma_start3A_195 : memref<128xi32, #tpu.memory_space<vmem>>) target_semaphore(%arg19 : memref<!tpu.dma_semaphore, #tpu.memory_space<semaphore_mem>>)
      } else {
      }
      %dma_wait3A = arith.constant 0 : i32
      %dma_wait3A_61 = arith.constant 0 : i32
      %dma_wait3A_62 = tpu.memref_slice %arg2[%dma_wait3A, %dma_wait3A_61] : memref<10000x128xf32, #tpu.memory_space<hbm>> -> memref<128x128xf32, #tpu.memory_space<hbm>>
      %dma_wait3A_63 = arith.constant 0 : i32
      %dma_wait3A_64 = arith.constant 0 : i32
      %dma_wait3A_65 = tpu.memref_slice %arg2[%dma_wait3A_63, %dma_wait3A_64] : memref<10000x128xf32, #tpu.memory_space<hbm>> -> memref<128x128xf32, #tpu.memory_space<hbm>>
      tpu.wait_dma2 semaphore(%arg15 : memref<!tpu.dma_semaphore, #tpu.memory_space<semaphore_mem>>) src(%dma_wait3A_65 : memref<128x128xf32, #tpu.memory_space<hbm>>) dst(%arg12 : memref<128x128xf32, #tpu.memory_space<vmem>>)
      %run_scoped3A_66 = arith.constant 0 : i32
      "tpu.region"() ({
        %run_scoped3A_155 = tpu.sem_alloc : memref<!tpu.dma_semaphore, #tpu.memory_space<semaphore_mem>>
        %dma_start3A_156 = arith.constant 0 : i32
        %dma_start3A_157 = tpu.memref_slice %arg10[%run_scoped3A_66, %dma_start3A_156] : memref<3x128xi32, #tpu.memory_space<vmem>> -> memref<1x128xi32, #tpu.memory_space<vmem>>
        %dma_start3A_158 = tpu.memref_squeeze %dma_start3A_157 : memref<1x128xi32, #tpu.memory_space<vmem>> -> memref<128xi32, #tpu.memory_space<vmem>>
        %dma_start3A_159 = arith.constant 0 : i32
        %dma_start3A_160 = arith.constant 0 : i32
        %dma_start3A_161 = tpu.memref_slice %arg7[%dma_start3A_159, %dma_start3A_160] : memref<10000x128xf32, #tpu.memory_space<vmem_shared>> -> memref<10000x128xf32, #tpu.memory_space<vmem_shared>>
        tpu.enqueue_indirect_dma source(%arg12 : memref<128x128xf32, #tpu.memory_space<vmem>>) target(%dma_start3A_161 : memref<10000x128xf32, #tpu.memory_space<vmem_shared>>) offsets(%dma_start3A_158 : memref<128xi32, #tpu.memory_space<vmem>>) semaphore(%run_scoped3A_155 : memref<!tpu.dma_semaphore, #tpu.memory_space<semaphore_mem>>) {add = true}
        %dma_wait3A_162 = arith.constant 0 : i32
        %dma_wait3A_163 = tpu.memref_slice %arg10[%run_scoped3A_66, %dma_wait3A_162] : memref<3x128xi32, #tpu.memory_space<vmem>> -> memref<1x128xi32, #tpu.memory_space<vmem>>
        %dma_wait3A_164 = tpu.memref_squeeze %dma_wait3A_163 : memref<1x128xi32, #tpu.memory_space<vmem>> -> memref<128xi32, #tpu.memory_space<vmem>>
        %dma_wait3A_165 = arith.constant 0 : i32
        %dma_wait3A_166 = arith.constant 0 : i32
        %dma_wait3A_167 = tpu.memref_slice %arg7[%dma_wait3A_165, %dma_wait3A_166] : memref<10000x128xf32, #tpu.memory_space<vmem_shared>> -> memref<10000x128xf32, #tpu.memory_space<vmem_shared>>
        tpu.wait_indirect_dma semaphore(%run_scoped3A_155 : memref<!tpu.dma_semaphore, #tpu.memory_space<semaphore_mem>>) src(%arg12 : memref<128x128xf32, #tpu.memory_space<vmem>>) dst(%dma_wait3A_167 : memref<10000x128xf32, #tpu.memory_space<vmem_shared>>)
        tpu.yield
      }) : () -> ()
      %add3A_67 = arith.constant 1 : i32
      %add3A_68 = arith.addi %mul3A_53, %add3A_67 : i32
      %lt3A_69 = arith.constant 26 : i32
      %lt3A_70 = arith.cmpi slt, %add3A_68, %lt3A_69 : i32
      %convert_element_type3A_71 = arith.extui %lt3A_70 : i1 to i32
      %cond3A_72 = arith.constant 0 : i32
      %cond3A_73 = arith.cmpi ne, %convert_element_type3A_71, %cond3A_72 : i32
      scf.if %cond3A_73 {
        %dma_wait3A_155 = arith.constant 0 : i32
        %dma_wait3A_156 = tpu.memref_slice %arg3[%dma_wait3A_155] : memref<320000xi32, #tpu.memory_space<hbm>> -> memref<384xi32, #tpu.memory_space<hbm>>
        %dma_wait3A_157 = arith.constant 0 : i32
        %dma_wait3A_158 = tpu.memref_slice %arg3[%dma_wait3A_157] : memref<320000xi32, #tpu.memory_space<hbm>> -> memref<384xi32, #tpu.memory_space<hbm>>
        tpu.wait_dma2 semaphore(%arg19 : memref<!tpu.dma_semaphore, #tpu.memory_space<semaphore_mem>>) src(%dma_wait3A_158 : memref<384xi32, #tpu.memory_space<hbm>>) dst(%arg9 : memref<384xi32, #tpu.memory_space<vmem>>)
        %dma_wait3A_159 = arith.constant 0 : i32
        %dma_wait3A_160 = arith.constant 0 : i32
        %dma_wait3A_161 = tpu.memref_slice %arg11[%dma_wait3A_159, %dma_wait3A_160] : memref<3x128xi32, #tpu.memory_space<vmem>> -> memref<1x128xi32, #tpu.memory_space<vmem>>
        %dma_wait3A_162 = tpu.memref_squeeze %dma_wait3A_161 : memref<1x128xi32, #tpu.memory_space<vmem>> -> memref<128xi32, #tpu.memory_space<vmem>>
        %dma_wait3A_163 = arith.constant 0 : i32
        %dma_wait3A_164 = tpu.memref_slice %arg3[%dma_wait3A_163] : memref<320000xi32, #tpu.memory_space<hbm>> -> memref<128xi32, #tpu.memory_space<hbm>>
        %dma_wait3A_165 = arith.constant 0 : i32
        %dma_wait3A_166 = tpu.memref_slice %arg11[%dma_wait3A_159, %dma_wait3A_165] : memref<3x128xi32, #tpu.memory_space<vmem>> -> memref<1x128xi32, #tpu.memory_space<vmem>>
        %dma_wait3A_167 = tpu.memref_squeeze %dma_wait3A_166 : memref<1x128xi32, #tpu.memory_space<vmem>> -> memref<128xi32, #tpu.memory_space<vmem>>
        %dma_wait3A_168 = arith.constant 0 : i32
        %dma_wait3A_169 = tpu.memref_slice %arg3[%dma_wait3A_168] : memref<320000xi32, #tpu.memory_space<hbm>> -> memref<128xi32, #tpu.memory_space<hbm>>
        tpu.wait_dma2 semaphore(%arg19 : memref<!tpu.dma_semaphore, #tpu.memory_space<semaphore_mem>>) src(%dma_wait3A_169 : memref<128xi32, #tpu.memory_space<hbm>>) dst(%dma_wait3A_167 : memref<128xi32, #tpu.memory_space<vmem>>)
        %dma_wait3A_170 = arith.constant 1 : i32
        %dma_wait3A_171 = arith.constant 0 : i32
        %dma_wait3A_172 = tpu.memref_slice %arg11[%dma_wait3A_170, %dma_wait3A_171] : memref<3x128xi32, #tpu.memory_space<vmem>> -> memref<1x128xi32, #tpu.memory_space<vmem>>
        %dma_wait3A_173 = tpu.memref_squeeze %dma_wait3A_172 : memref<1x128xi32, #tpu.memory_space<vmem>> -> memref<128xi32, #tpu.memory_space<vmem>>
        %dma_wait3A_174 = arith.constant 0 : i32
        %dma_wait3A_175 = tpu.memref_slice %arg3[%dma_wait3A_174] : memref<320000xi32, #tpu.memory_space<hbm>> -> memref<128xi32, #tpu.memory_space<hbm>>
        %dma_wait3A_176 = arith.constant 0 : i32
        %dma_wait3A_177 = tpu.memref_slice %arg11[%dma_wait3A_170, %dma_wait3A_176] : memref<3x128xi32, #tpu.memory_space<vmem>> -> memref<1x128xi32, #tpu.memory_space<vmem>>
        %dma_wait3A_178 = tpu.memref_squeeze %dma_wait3A_177 : memref<1x128xi32, #tpu.memory_space<vmem>> -> memref<128xi32, #tpu.memory_space<vmem>>
        %dma_wait3A_179 = arith.constant 0 : i32
        %dma_wait3A_180 = tpu.memref_slice %arg3[%dma_wait3A_179] : memref<320000xi32, #tpu.memory_space<hbm>> -> memref<128xi32, #tpu.memory_space<hbm>>
        tpu.wait_dma2 semaphore(%arg19 : memref<!tpu.dma_semaphore, #tpu.memory_space<semaphore_mem>>) src(%dma_wait3A_180 : memref<128xi32, #tpu.memory_space<hbm>>) dst(%dma_wait3A_178 : memref<128xi32, #tpu.memory_space<vmem>>)
        %dma_wait3A_181 = arith.constant 2 : i32
        %dma_wait3A_182 = arith.constant 0 : i32
        %dma_wait3A_183 = tpu.memref_slice %arg11[%dma_wait3A_181, %dma_wait3A_182] : memref<3x128xi32, #tpu.memory_space<vmem>> -> memref<1x128xi32, #tpu.memory_space<vmem>>
        %dma_wait3A_184 = tpu.memref_squeeze %dma_wait3A_183 : memref<1x128xi32, #tpu.memory_space<vmem>> -> memref<128xi32, #tpu.memory_space<vmem>>
        %dma_wait3A_185 = arith.constant 0 : i32
        %dma_wait3A_186 = tpu.memref_slice %arg3[%dma_wait3A_185] : memref<320000xi32, #tpu.memory_space<hbm>> -> memref<128xi32, #tpu.memory_space<hbm>>
        %dma_wait3A_187 = arith.constant 0 : i32
        %dma_wait3A_188 = tpu.memref_slice %arg11[%dma_wait3A_181, %dma_wait3A_187] : memref<3x128xi32, #tpu.memory_space<vmem>> -> memref<1x128xi32, #tpu.memory_space<vmem>>
        %dma_wait3A_189 = tpu.memref_squeeze %dma_wait3A_188 : memref<1x128xi32, #tpu.memory_space<vmem>> -> memref<128xi32, #tpu.memory_space<vmem>>
        %dma_wait3A_190 = arith.constant 0 : i32
        %dma_wait3A_191 = tpu.memref_slice %arg3[%dma_wait3A_190] : memref<320000xi32, #tpu.memory_space<hbm>> -> memref<128xi32, #tpu.memory_space<hbm>>
        tpu.wait_dma2 semaphore(%arg19 : memref<!tpu.dma_semaphore, #tpu.memory_space<semaphore_mem>>) src(%dma_wait3A_191 : memref<128xi32, #tpu.memory_space<hbm>>) dst(%dma_wait3A_189 : memref<128xi32, #tpu.memory_space<vmem>>)
        %dma_start3A_192 = arith.constant 0 : i32
        %dma_start3A_193 = tpu.memref_slice %arg9[%dma_start3A_192] : memref<384xi32, #tpu.memory_space<vmem>> -> memref<128xi32, #tpu.memory_space<vmem>>
        %dma_start3A_194 = arith.constant 0 : i32
        %dma_start3A_195 = arith.constant 0 : i32
        %dma_start3A_196 = tpu.memref_slice %arg2[%dma_start3A_194, %dma_start3A_195] : memref<10000x128xf32, #tpu.memory_space<hbm>> -> memref<10000x128xf32, #tpu.memory_space<hbm>>
        tpu.enqueue_indirect_dma source(%dma_start3A_196 : memref<10000x128xf32, #tpu.memory_space<hbm>>) target(%arg12 : memref<128x128xf32, #tpu.memory_space<vmem>>) offsets(%dma_start3A_193 : memref<128xi32, #tpu.memory_space<vmem>>) semaphore(%arg15 : memref<!tpu.dma_semaphore, #tpu.memory_space<semaphore_mem>>)
      } else {
      }
      %dma_wait3A_74 = arith.constant 0 : i32
      %dma_wait3A_75 = arith.constant 0 : i32
      %dma_wait3A_76 = tpu.memref_slice %arg2[%dma_wait3A_74, %dma_wait3A_75] : memref<10000x128xf32, #tpu.memory_space<hbm>> -> memref<128x128xf32, #tpu.memory_space<hbm>>
      %dma_wait3A_77 = arith.constant 0 : i32
      %dma_wait3A_78 = arith.constant 0 : i32
      %dma_wait3A_79 = tpu.memref_slice %arg2[%dma_wait3A_77, %dma_wait3A_78] : memref<10000x128xf32, #tpu.memory_space<hbm>> -> memref<128x128xf32, #tpu.memory_space<hbm>>
      tpu.wait_dma2 semaphore(%arg16 : memref<!tpu.dma_semaphore, #tpu.memory_space<semaphore_mem>>) src(%dma_wait3A_79 : memref<128x128xf32, #tpu.memory_space<hbm>>) dst(%arg13 : memref<128x128xf32, #tpu.memory_space<vmem>>)
      %run_scoped3A_80 = arith.constant 1 : i32
      "tpu.region"() ({
        %run_scoped3A_155 = tpu.sem_alloc : memref<!tpu.dma_semaphore, #tpu.memory_space<semaphore_mem>>
        %dma_start3A_156 = arith.constant 0 : i32
        %dma_start3A_157 = tpu.memref_slice %arg10[%run_scoped3A_80, %dma_start3A_156] : memref<3x128xi32, #tpu.memory_space<vmem>> -> memref<1x128xi32, #tpu.memory_space<vmem>>
        %dma_start3A_158 = tpu.memref_squeeze %dma_start3A_157 : memref<1x128xi32, #tpu.memory_space<vmem>> -> memref<128xi32, #tpu.memory_space<vmem>>
        %dma_start3A_159 = arith.constant 0 : i32
        %dma_start3A_160 = arith.constant 0 : i32
        %dma_start3A_161 = tpu.memref_slice %arg7[%dma_start3A_159, %dma_start3A_160] : memref<10000x128xf32, #tpu.memory_space<vmem_shared>> -> memref<10000x128xf32, #tpu.memory_space<vmem_shared>>
        tpu.enqueue_indirect_dma source(%arg13 : memref<128x128xf32, #tpu.memory_space<vmem>>) target(%dma_start3A_161 : memref<10000x128xf32, #tpu.memory_space<vmem_shared>>) offsets(%dma_start3A_158 : memref<128xi32, #tpu.memory_space<vmem>>) semaphore(%run_scoped3A_155 : memref<!tpu.dma_semaphore, #tpu.memory_space<semaphore_mem>>) {add = true}
        %dma_wait3A_162 = arith.constant 0 : i32
        %dma_wait3A_163 = tpu.memref_slice %arg10[%run_scoped3A_80, %dma_wait3A_162] : memref<3x128xi32, #tpu.memory_space<vmem>> -> memref<1x128xi32, #tpu.memory_space<vmem>>
        %dma_wait3A_164 = tpu.memref_squeeze %dma_wait3A_163 : memref<1x128xi32, #tpu.memory_space<vmem>> -> memref<128xi32, #tpu.memory_space<vmem>>
        %dma_wait3A_165 = arith.constant 0 : i32
        %dma_wait3A_166 = arith.constant 0 : i32
        %dma_wait3A_167 = tpu.memref_slice %arg7[%dma_wait3A_165, %dma_wait3A_166] : memref<10000x128xf32, #tpu.memory_space<vmem_shared>> -> memref<10000x128xf32, #tpu.memory_space<vmem_shared>>
        tpu.wait_indirect_dma semaphore(%run_scoped3A_155 : memref<!tpu.dma_semaphore, #tpu.memory_space<semaphore_mem>>) src(%arg13 : memref<128x128xf32, #tpu.memory_space<vmem>>) dst(%dma_wait3A_167 : memref<10000x128xf32, #tpu.memory_space<vmem_shared>>)
        tpu.yield
      }) : () -> ()
      %add3A_81 = arith.constant 1 : i32
      %add3A_82 = arith.addi %mul3A_53, %add3A_81 : i32
      %lt3A_83 = arith.constant 26 : i32
      %lt3A_84 = arith.cmpi slt, %add3A_82, %lt3A_83 : i32
      %convert_element_type3A_85 = arith.extui %lt3A_84 : i1 to i32
      %cond3A_86 = arith.constant 0 : i32
      %cond3A_87 = arith.cmpi ne, %convert_element_type3A_85, %cond3A_86 : i32
      scf.if %cond3A_87 {
        %dma_start3A_155 = arith.constant 128 : i32
        %dma_start3A_156 = tpu.memref_slice %arg9[%dma_start3A_155] : memref<384xi32, #tpu.memory_space<vmem>> -> memref<128xi32, #tpu.memory_space<vmem>>
        %dma_start3A_157 = arith.constant 0 : i32
        %dma_start3A_158 = arith.constant 0 : i32
        %dma_start3A_159 = tpu.memref_slice %arg2[%dma_start3A_157, %dma_start3A_158] : memref<10000x128xf32, #tpu.memory_space<hbm>> -> memref<10000x128xf32, #tpu.memory_space<hbm>>
        tpu.enqueue_indirect_dma source(%dma_start3A_159 : memref<10000x128xf32, #tpu.memory_space<hbm>>) target(%arg13 : memref<128x128xf32, #tpu.memory_space<vmem>>) offsets(%dma_start3A_156 : memref<128xi32, #tpu.memory_space<vmem>>) semaphore(%arg16 : memref<!tpu.dma_semaphore, #tpu.memory_space<semaphore_mem>>)
      } else {
      }
      %dma_wait3A_88 = arith.constant 0 : i32
      %dma_wait3A_89 = arith.constant 0 : i32
      %dma_wait3A_90 = tpu.memref_slice %arg2[%dma_wait3A_88, %dma_wait3A_89] : memref<10000x128xf32, #tpu.memory_space<hbm>> -> memref<128x128xf32, #tpu.memory_space<hbm>>
      %dma_wait3A_91 = arith.constant 0 : i32
      %dma_wait3A_92 = arith.constant 0 : i32
      %dma_wait3A_93 = tpu.memref_slice %arg2[%dma_wait3A_91, %dma_wait3A_92] : memref<10000x128xf32, #tpu.memory_space<hbm>> -> memref<128x128xf32, #tpu.memory_space<hbm>>
      tpu.wait_dma2 semaphore(%arg17 : memref<!tpu.dma_semaphore, #tpu.memory_space<semaphore_mem>>) src(%dma_wait3A_93 : memref<128x128xf32, #tpu.memory_space<hbm>>) dst(%arg14 : memref<128x128xf32, #tpu.memory_space<vmem>>)
      %run_scoped3A_94 = arith.constant 2 : i32
      "tpu.region"() ({
        %run_scoped3A_155 = tpu.sem_alloc : memref<!tpu.dma_semaphore, #tpu.memory_space<semaphore_mem>>
        %dma_start3A_156 = arith.constant 0 : i32
        %dma_start3A_157 = tpu.memref_slice %arg10[%run_scoped3A_94, %dma_start3A_156] : memref<3x128xi32, #tpu.memory_space<vmem>> -> memref<1x128xi32, #tpu.memory_space<vmem>>
        %dma_start3A_158 = tpu.memref_squeeze %dma_start3A_157 : memref<1x128xi32, #tpu.memory_space<vmem>> -> memref<128xi32, #tpu.memory_space<vmem>>
        %dma_start3A_159 = arith.constant 0 : i32
        %dma_start3A_160 = arith.constant 0 : i32
        %dma_start3A_161 = tpu.memref_slice %arg7[%dma_start3A_159, %dma_start3A_160] : memref<10000x128xf32, #tpu.memory_space<vmem_shared>> -> memref<10000x128xf32, #tpu.memory_space<vmem_shared>>
        tpu.enqueue_indirect_dma source(%arg14 : memref<128x128xf32, #tpu.memory_space<vmem>>) target(%dma_start3A_161 : memref<10000x128xf32, #tpu.memory_space<vmem_shared>>) offsets(%dma_start3A_158 : memref<128xi32, #tpu.memory_space<vmem>>) semaphore(%run_scoped3A_155 : memref<!tpu.dma_semaphore, #tpu.memory_space<semaphore_mem>>) {add = true}
        %dma_wait3A_162 = arith.constant 0 : i32
        %dma_wait3A_163 = tpu.memref_slice %arg10[%run_scoped3A_94, %dma_wait3A_162] : memref<3x128xi32, #tpu.memory_space<vmem>> -> memref<1x128xi32, #tpu.memory_space<vmem>>
        %dma_wait3A_164 = tpu.memref_squeeze %dma_wait3A_163 : memref<1x128xi32, #tpu.memory_space<vmem>> -> memref<128xi32, #tpu.memory_space<vmem>>
        %dma_wait3A_165 = arith.constant 0 : i32
        %dma_wait3A_166 = arith.constant 0 : i32
        %dma_wait3A_167 = tpu.memref_slice %arg7[%dma_wait3A_165, %dma_wait3A_166] : memref<10000x128xf32, #tpu.memory_space<vmem_shared>> -> memref<10000x128xf32, #tpu.memory_space<vmem_shared>>
        tpu.wait_indirect_dma semaphore(%run_scoped3A_155 : memref<!tpu.dma_semaphore, #tpu.memory_space<semaphore_mem>>) src(%arg14 : memref<128x128xf32, #tpu.memory_space<vmem>>) dst(%dma_wait3A_167 : memref<10000x128xf32, #tpu.memory_space<vmem_shared>>)
        tpu.yield
      }) : () -> ()
      %add3A_95 = arith.constant 1 : i32
      %add3A_96 = arith.addi %mul3A_53, %add3A_95 : i32
      %lt3A_97 = arith.constant 26 : i32
      %lt3A_98 = arith.cmpi slt, %add3A_96, %lt3A_97 : i32
      %convert_element_type3A_99 = arith.extui %lt3A_98 : i1 to i32
      %cond3A_100 = arith.constant 0 : i32
      %cond3A_101 = arith.cmpi ne, %convert_element_type3A_99, %cond3A_100 : i32
      scf.if %cond3A_101 {
        %dma_start3A_155 = arith.constant 256 : i32
        %dma_start3A_156 = tpu.memref_slice %arg9[%dma_start3A_155] : memref<384xi32, #tpu.memory_space<vmem>> -> memref<128xi32, #tpu.memory_space<vmem>>
        %dma_start3A_157 = arith.constant 0 : i32
        %dma_start3A_158 = arith.constant 0 : i32
        %dma_start3A_159 = tpu.memref_slice %arg2[%dma_start3A_157, %dma_start3A_158] : memref<10000x128xf32, #tpu.memory_space<hbm>> -> memref<10000x128xf32, #tpu.memory_space<hbm>>
        tpu.enqueue_indirect_dma source(%dma_start3A_159 : memref<10000x128xf32, #tpu.memory_space<hbm>>) target(%arg14 : memref<128x128xf32, #tpu.memory_space<vmem>>) offsets(%dma_start3A_156 : memref<128xi32, #tpu.memory_space<vmem>>) semaphore(%arg17 : memref<!tpu.dma_semaphore, #tpu.memory_space<semaphore_mem>>)
      } else {
      }
      %mul3A_102 = arith.constant 2 : i32
      %mul3A_103 = arith.muli %mul3A_102, %scan3A_51 : i32
      %add3A_104 = arith.constant 1 : i32
      %add3A_105 = arith.addi %mul3A_103, %add3A_104 : i32
      %add3A_106 = arith.constant 1 : i32
      %add3A_107 = arith.addi %add3A_105, %add3A_106 : i32
      %lt3A_108 = arith.constant 26 : i32
      %lt3A_109 = arith.cmpi slt, %add3A_107, %lt3A_108 : i32
      %convert_element_type3A_110 = arith.extui %lt3A_109 : i1 to i32
      %cond3A_111 = arith.constant 0 : i32
      %cond3A_112 = arith.cmpi ne, %convert_element_type3A_110, %cond3A_111 : i32
      scf.if %cond3A_112 {
        %add3A_155 = arith.constant 1 : i32
        %add3A_156 = arith.addi %add3A_105, %add3A_155 : i32
        %mul3A_157 = arith.constant 3 : i32
        %mul3A_158 = arith.muli %add3A_156, %mul3A_157 : i32
        %add3A_159 = arith.addi %mul3A_2, %mul3A_158 : i32
        %mul3A_160 = arith.constant 128 : i32
        %mul3A_161 = arith.muli %add3A_159, %mul3A_160 : i32
        %dma_start3A_162 = tpu.memref_slice %arg3[%mul3A_161] : memref<320000xi32, #tpu.memory_space<hbm>> -> memref<384xi32, #tpu.memory_space<hbm>>
        %dma_start3A_163 = tpu.memref_slice %arg3[%mul3A_161] : memref<320000xi32, #tpu.memory_space<hbm>> -> memref<384xi32, #tpu.memory_space<hbm>>
        tpu.enqueue_dma source(%dma_start3A_163 : memref<384xi32, #tpu.memory_space<hbm>>) target(%arg8 : memref<384xi32, #tpu.memory_space<vmem>>) target_semaphore(%arg18 : memref<!tpu.dma_semaphore, #tpu.memory_space<semaphore_mem>>)
        %add3A_164 = arith.constant 0 : i32
        %add3A_165 = arith.addi %mul3A_161, %add3A_164 : i32
        %dma_start3A_166 = arith.constant 0 : i32
        %dma_start3A_167 = arith.constant 0 : i32
        %dma_start3A_168 = tpu.memref_slice %arg10[%dma_start3A_166, %dma_start3A_167] : memref<3x128xi32, #tpu.memory_space<vmem>> -> memref<1x128xi32, #tpu.memory_space<vmem>>
        %dma_start3A_169 = tpu.memref_squeeze %dma_start3A_168 : memref<1x128xi32, #tpu.memory_space<vmem>> -> memref<128xi32, #tpu.memory_space<vmem>>
        %dma_start3A_170 = tpu.memref_slice %arg4[%add3A_165] : memref<320000xi32, #tpu.memory_space<hbm>> -> memref<128xi32, #tpu.memory_space<hbm>>
        %dma_start3A_171 = arith.constant 0 : i32
        %dma_start3A_172 = tpu.memref_slice %arg10[%dma_start3A_166, %dma_start3A_171] : memref<3x128xi32, #tpu.memory_space<vmem>> -> memref<1x128xi32, #tpu.memory_space<vmem>>
        %dma_start3A_173 = tpu.memref_squeeze %dma_start3A_172 : memref<1x128xi32, #tpu.memory_space<vmem>> -> memref<128xi32, #tpu.memory_space<vmem>>
        %dma_start3A_174 = tpu.memref_slice %arg4[%add3A_165] : memref<320000xi32, #tpu.memory_space<hbm>> -> memref<128xi32, #tpu.memory_space<hbm>>
        tpu.enqueue_dma source(%dma_start3A_174 : memref<128xi32, #tpu.memory_space<hbm>>) target(%dma_start3A_173 : memref<128xi32, #tpu.memory_space<vmem>>) target_semaphore(%arg18 : memref<!tpu.dma_semaphore, #tpu.memory_space<semaphore_mem>>)
        %add3A_175 = arith.constant 128 : i32
        %add3A_176 = arith.addi %mul3A_161, %add3A_175 : i32
        %dma_start3A_177 = arith.constant 1 : i32
        %dma_start3A_178 = arith.constant 0 : i32
        %dma_start3A_179 = tpu.memref_slice %arg10[%dma_start3A_177, %dma_start3A_178] : memref<3x128xi32, #tpu.memory_space<vmem>> -> memref<1x128xi32, #tpu.memory_space<vmem>>
        %dma_start3A_180 = tpu.memref_squeeze %dma_start3A_179 : memref<1x128xi32, #tpu.memory_space<vmem>> -> memref<128xi32, #tpu.memory_space<vmem>>
        %dma_start3A_181 = tpu.memref_slice %arg4[%add3A_176] : memref<320000xi32, #tpu.memory_space<hbm>> -> memref<128xi32, #tpu.memory_space<hbm>>
        %dma_start3A_182 = arith.constant 0 : i32
        %dma_start3A_183 = tpu.memref_slice %arg10[%dma_start3A_177, %dma_start3A_182] : memref<3x128xi32, #tpu.memory_space<vmem>> -> memref<1x128xi32, #tpu.memory_space<vmem>>
        %dma_start3A_184 = tpu.memref_squeeze %dma_start3A_183 : memref<1x128xi32, #tpu.memory_space<vmem>> -> memref<128xi32, #tpu.memory_space<vmem>>
        %dma_start3A_185 = tpu.memref_slice %arg4[%add3A_176] : memref<320000xi32, #tpu.memory_space<hbm>> -> memref<128xi32, #tpu.memory_space<hbm>>
        tpu.enqueue_dma source(%dma_start3A_185 : memref<128xi32, #tpu.memory_space<hbm>>) target(%dma_start3A_184 : memref<128xi32, #tpu.memory_space<vmem>>) target_semaphore(%arg18 : memref<!tpu.dma_semaphore, #tpu.memory_space<semaphore_mem>>)
        %add3A_186 = arith.constant 256 : i32
        %add3A_187 = arith.addi %mul3A_161, %add3A_186 : i32
        %dma_start3A_188 = arith.constant 2 : i32
        %dma_start3A_189 = arith.constant 0 : i32
        %dma_start3A_190 = tpu.memref_slice %arg10[%dma_start3A_188, %dma_start3A_189] : memref<3x128xi32, #tpu.memory_space<vmem>> -> memref<1x128xi32, #tpu.memory_space<vmem>>
        %dma_start3A_191 = tpu.memref_squeeze %dma_start3A_190 : memref<1x128xi32, #tpu.memory_space<vmem>> -> memref<128xi32, #tpu.memory_space<vmem>>
        %dma_start3A_192 = tpu.memref_slice %arg4[%add3A_187] : memref<320000xi32, #tpu.memory_space<hbm>> -> memref<128xi32, #tpu.memory_space<hbm>>
        %dma_start3A_193 = arith.constant 0 : i32
        %dma_start3A_194 = tpu.memref_slice %arg10[%dma_start3A_188, %dma_start3A_193] : memref<3x128xi32, #tpu.memory_space<vmem>> -> memref<1x128xi32, #tpu.memory_space<vmem>>
        %dma_start3A_195 = tpu.memref_squeeze %dma_start3A_194 : memref<1x128xi32, #tpu.memory_space<vmem>> -> memref<128xi32, #tpu.memory_space<vmem>>
        %dma_start3A_196 = tpu.memref_slice %arg4[%add3A_187] : memref<320000xi32, #tpu.memory_space<hbm>> -> memref<128xi32, #tpu.memory_space<hbm>>
        tpu.enqueue_dma source(%dma_start3A_196 : memref<128xi32, #tpu.memory_space<hbm>>) target(%dma_start3A_195 : memref<128xi32, #tpu.memory_space<vmem>>) target_semaphore(%arg18 : memref<!tpu.dma_semaphore, #tpu.memory_space<semaphore_mem>>)
      } else {
      }
      %dma_wait3A_113 = arith.constant 0 : i32
      %dma_wait3A_114 = arith.constant 0 : i32
      %dma_wait3A_115 = tpu.memref_slice %arg2[%dma_wait3A_113, %dma_wait3A_114] : memref<10000x128xf32, #tpu.memory_space<hbm>> -> memref<128x128xf32, #tpu.memory_space<hbm>>
      %dma_wait3A_116 = arith.constant 0 : i32
      %dma_wait3A_117 = arith.constant 0 : i32
      %dma_wait3A_118 = tpu.memref_slice %arg2[%dma_wait3A_116, %dma_wait3A_117] : memref<10000x128xf32, #tpu.memory_space<hbm>> -> memref<128x128xf32, #tpu.memory_space<hbm>>
      tpu.wait_dma2 semaphore(%arg15 : memref<!tpu.dma_semaphore, #tpu.memory_space<semaphore_mem>>) src(%dma_wait3A_118 : memref<128x128xf32, #tpu.memory_space<hbm>>) dst(%arg12 : memref<128x128xf32, #tpu.memory_space<vmem>>)
      %run_scoped3A_119 = arith.constant 0 : i32
      "tpu.region"() ({
        %run_scoped3A_155 = tpu.sem_alloc : memref<!tpu.dma_semaphore, #tpu.memory_space<semaphore_mem>>
        %dma_start3A_156 = arith.constant 0 : i32
        %dma_start3A_157 = tpu.memref_slice %arg11[%run_scoped3A_119, %dma_start3A_156] : memref<3x128xi32, #tpu.memory_space<vmem>> -> memref<1x128xi32, #tpu.memory_space<vmem>>
        %dma_start3A_158 = tpu.memref_squeeze %dma_start3A_157 : memref<1x128xi32, #tpu.memory_space<vmem>> -> memref<128xi32, #tpu.memory_space<vmem>>
        %dma_start3A_159 = arith.constant 0 : i32
        %dma_start3A_160 = arith.constant 0 : i32
        %dma_start3A_161 = tpu.memref_slice %arg7[%dma_start3A_159, %dma_start3A_160] : memref<10000x128xf32, #tpu.memory_space<vmem_shared>> -> memref<10000x128xf32, #tpu.memory_space<vmem_shared>>
        tpu.enqueue_indirect_dma source(%arg12 : memref<128x128xf32, #tpu.memory_space<vmem>>) target(%dma_start3A_161 : memref<10000x128xf32, #tpu.memory_space<vmem_shared>>) offsets(%dma_start3A_158 : memref<128xi32, #tpu.memory_space<vmem>>) semaphore(%run_scoped3A_155 : memref<!tpu.dma_semaphore, #tpu.memory_space<semaphore_mem>>) {add = true}
        %dma_wait3A_162 = arith.constant 0 : i32
        %dma_wait3A_163 = tpu.memref_slice %arg11[%run_scoped3A_119, %dma_wait3A_162] : memref<3x128xi32, #tpu.memory_space<vmem>> -> memref<1x128xi32, #tpu.memory_space<vmem>>
        %dma_wait3A_164 = tpu.memref_squeeze %dma_wait3A_163 : memref<1x128xi32, #tpu.memory_space<vmem>> -> memref<128xi32, #tpu.memory_space<vmem>>
        %dma_wait3A_165 = arith.constant 0 : i32
        %dma_wait3A_166 = arith.constant 0 : i32
        %dma_wait3A_167 = tpu.memref_slice %arg7[%dma_wait3A_165, %dma_wait3A_166] : memref<10000x128xf32, #tpu.memory_space<vmem_shared>> -> memref<10000x128xf32, #tpu.memory_space<vmem_shared>>
        tpu.wait_indirect_dma semaphore(%run_scoped3A_155 : memref<!tpu.dma_semaphore, #tpu.memory_space<semaphore_mem>>) src(%arg12 : memref<128x128xf32, #tpu.memory_space<vmem>>) dst(%dma_wait3A_167 : memref<10000x128xf32, #tpu.memory_space<vmem_shared>>)
        tpu.yield
      }) : () -> ()
      %add3A_120 = arith.constant 1 : i32
      %add3A_121 = arith.addi %add3A_105, %add3A_120 : i32
      %lt3A_122 = arith.constant 26 : i32
      %lt3A_123 = arith.cmpi slt, %add3A_121, %lt3A_122 : i32
      %convert_element_type3A_124 = arith.extui %lt3A_123 : i1 to i32
      %cond3A_125 = arith.constant 0 : i32
      %cond3A_126 = arith.cmpi ne, %convert_element_type3A_124, %cond3A_125 : i32
      scf.if %cond3A_126 {
        %dma_wait3A_155 = arith.constant 0 : i32
        %dma_wait3A_156 = tpu.memref_slice %arg3[%dma_wait3A_155] : memref<320000xi32, #tpu.memory_space<hbm>> -> memref<384xi32, #tpu.memory_space<hbm>>
        %dma_wait3A_157 = arith.constant 0 : i32
        %dma_wait3A_158 = tpu.memref_slice %arg3[%dma_wait3A_157] : memref<320000xi32, #tpu.memory_space<hbm>> -> memref<384xi32, #tpu.memory_space<hbm>>
        tpu.wait_dma2 semaphore(%arg18 : memref<!tpu.dma_semaphore, #tpu.memory_space<semaphore_mem>>) src(%dma_wait3A_158 : memref<384xi32, #tpu.memory_space<hbm>>) dst(%arg8 : memref<384xi32, #tpu.memory_space<vmem>>)
        %dma_wait3A_159 = arith.constant 0 : i32
        %dma_wait3A_160 = arith.constant 0 : i32
        %dma_wait3A_161 = tpu.memref_slice %arg10[%dma_wait3A_159, %dma_wait3A_160] : memref<3x128xi32, #tpu.memory_space<vmem>> -> memref<1x128xi32, #tpu.memory_space<vmem>>
        %dma_wait3A_162 = tpu.memref_squeeze %dma_wait3A_161 : memref<1x128xi32, #tpu.memory_space<vmem>> -> memref<128xi32, #tpu.memory_space<vmem>>
        %dma_wait3A_163 = arith.constant 0 : i32
        %dma_wait3A_164 = tpu.memref_slice %arg3[%dma_wait3A_163] : memref<320000xi32, #tpu.memory_space<hbm>> -> memref<128xi32, #tpu.memory_space<hbm>>
        %dma_wait3A_165 = arith.constant 0 : i32
        %dma_wait3A_166 = tpu.memref_slice %arg10[%dma_wait3A_159, %dma_wait3A_165] : memref<3x128xi32, #tpu.memory_space<vmem>> -> memref<1x128xi32, #tpu.memory_space<vmem>>
        %dma_wait3A_167 = tpu.memref_squeeze %dma_wait3A_166 : memref<1x128xi32, #tpu.memory_space<vmem>> -> memref<128xi32, #tpu.memory_space<vmem>>
        %dma_wait3A_168 = arith.constant 0 : i32
        %dma_wait3A_169 = tpu.memref_slice %arg3[%dma_wait3A_168] : memref<320000xi32, #tpu.memory_space<hbm>> -> memref<128xi32, #tpu.memory_space<hbm>>
        tpu.wait_dma2 semaphore(%arg18 : memref<!tpu.dma_semaphore, #tpu.memory_space<semaphore_mem>>) src(%dma_wait3A_169 : memref<128xi32, #tpu.memory_space<hbm>>) dst(%dma_wait3A_167 : memref<128xi32, #tpu.memory_space<vmem>>)
        %dma_wait3A_170 = arith.constant 1 : i32
        %dma_wait3A_171 = arith.constant 0 : i32
        %dma_wait3A_172 = tpu.memref_slice %arg10[%dma_wait3A_170, %dma_wait3A_171] : memref<3x128xi32, #tpu.memory_space<vmem>> -> memref<1x128xi32, #tpu.memory_space<vmem>>
        %dma_wait3A_173 = tpu.memref_squeeze %dma_wait3A_172 : memref<1x128xi32, #tpu.memory_space<vmem>> -> memref<128xi32, #tpu.memory_space<vmem>>
        %dma_wait3A_174 = arith.constant 0 : i32
        %dma_wait3A_175 = tpu.memref_slice %arg3[%dma_wait3A_174] : memref<320000xi32, #tpu.memory_space<hbm>> -> memref<128xi32, #tpu.memory_space<hbm>>
        %dma_wait3A_176 = arith.constant 0 : i32
        %dma_wait3A_177 = tpu.memref_slice %arg10[%dma_wait3A_170, %dma_wait3A_176] : memref<3x128xi32, #tpu.memory_space<vmem>> -> memref<1x128xi32, #tpu.memory_space<vmem>>
        %dma_wait3A_178 = tpu.memref_squeeze %dma_wait3A_177 : memref<1x128xi32, #tpu.memory_space<vmem>> -> memref<128xi32, #tpu.memory_space<vmem>>
        %dma_wait3A_179 = arith.constant 0 : i32
        %dma_wait3A_180 = tpu.memref_slice %arg3[%dma_wait3A_179] : memref<320000xi32, #tpu.memory_space<hbm>> -> memref<128xi32, #tpu.memory_space<hbm>>
        tpu.wait_dma2 semaphore(%arg18 : memref<!tpu.dma_semaphore, #tpu.memory_space<semaphore_mem>>) src(%dma_wait3A_180 : memref<128xi32, #tpu.memory_space<hbm>>) dst(%dma_wait3A_178 : memref<128xi32, #tpu.memory_space<vmem>>)
        %dma_wait3A_181 = arith.constant 2 : i32
        %dma_wait3A_182 = arith.constant 0 : i32
        %dma_wait3A_183 = tpu.memref_slice %arg10[%dma_wait3A_181, %dma_wait3A_182] : memref<3x128xi32, #tpu.memory_space<vmem>> -> memref<1x128xi32, #tpu.memory_space<vmem>>
        %dma_wait3A_184 = tpu.memref_squeeze %dma_wait3A_183 : memref<1x128xi32, #tpu.memory_space<vmem>> -> memref<128xi32, #tpu.memory_space<vmem>>
        %dma_wait3A_185 = arith.constant 0 : i32
        %dma_wait3A_186 = tpu.memref_slice %arg3[%dma_wait3A_185] : memref<320000xi32, #tpu.memory_space<hbm>> -> memref<128xi32, #tpu.memory_space<hbm>>
        %dma_wait3A_187 = arith.constant 0 : i32
        %dma_wait3A_188 = tpu.memref_slice %arg10[%dma_wait3A_181, %dma_wait3A_187] : memref<3x128xi32, #tpu.memory_space<vmem>> -> memref<1x128xi32, #tpu.memory_space<vmem>>
        %dma_wait3A_189 = tpu.memref_squeeze %dma_wait3A_188 : memref<1x128xi32, #tpu.memory_space<vmem>> -> memref<128xi32, #tpu.memory_space<vmem>>
        %dma_wait3A_190 = arith.constant 0 : i32
        %dma_wait3A_191 = tpu.memref_slice %arg3[%dma_wait3A_190] : memref<320000xi32, #tpu.memory_space<hbm>> -> memref<128xi32, #tpu.memory_space<hbm>>
        tpu.wait_dma2 semaphore(%arg18 : memref<!tpu.dma_semaphore, #tpu.memory_space<semaphore_mem>>) src(%dma_wait3A_191 : memref<128xi32, #tpu.memory_space<hbm>>) dst(%dma_wait3A_189 : memref<128xi32, #tpu.memory_space<vmem>>)
        %dma_start3A_192 = arith.constant 0 : i32
        %dma_start3A_193 = tpu.memref_slice %arg8[%dma_start3A_192] : memref<384xi32, #tpu.memory_space<vmem>> -> memref<128xi32, #tpu.memory_space<vmem>>
        %dma_start3A_194 = arith.constant 0 : i32
        %dma_start3A_195 = arith.constant 0 : i32
        %dma_start3A_196 = tpu.memref_slice %arg2[%dma_start3A_194, %dma_start3A_195] : memref<10000x128xf32, #tpu.memory_space<hbm>> -> memref<10000x128xf32, #tpu.memory_space<hbm>>
        tpu.enqueue_indirect_dma source(%dma_start3A_196 : memref<10000x128xf32, #tpu.memory_space<hbm>>) target(%arg12 : memref<128x128xf32, #tpu.memory_space<vmem>>) offsets(%dma_start3A_193 : memref<128xi32, #tpu.memory_space<vmem>>) semaphore(%arg15 : memref<!tpu.dma_semaphore, #tpu.memory_space<semaphore_mem>>)
      } else {
      }
      %dma_wait3A_127 = arith.constant 0 : i32
      %dma_wait3A_128 = arith.constant 0 : i32
      %dma_wait3A_129 = tpu.memref_slice %arg2[%dma_wait3A_127, %dma_wait3A_128] : memref<10000x128xf32, #tpu.memory_space<hbm>> -> memref<128x128xf32, #tpu.memory_space<hbm>>
      %dma_wait3A_130 = arith.constant 0 : i32
      %dma_wait3A_131 = arith.constant 0 : i32
      %dma_wait3A_132 = tpu.memref_slice %arg2[%dma_wait3A_130, %dma_wait3A_131] : memref<10000x128xf32, #tpu.memory_space<hbm>> -> memref<128x128xf32, #tpu.memory_space<hbm>>
      tpu.wait_dma2 semaphore(%arg16 : memref<!tpu.dma_semaphore, #tpu.memory_space<semaphore_mem>>) src(%dma_wait3A_132 : memref<128x128xf32, #tpu.memory_space<hbm>>) dst(%arg13 : memref<128x128xf32, #tpu.memory_space<vmem>>)
      %run_scoped3A_133 = arith.constant 1 : i32
      "tpu.region"() ({
        %run_scoped3A_155 = tpu.sem_alloc : memref<!tpu.dma_semaphore, #tpu.memory_space<semaphore_mem>>
        %dma_start3A_156 = arith.constant 0 : i32
        %dma_start3A_157 = tpu.memref_slice %arg11[%run_scoped3A_133, %dma_start3A_156] : memref<3x128xi32, #tpu.memory_space<vmem>> -> memref<1x128xi32, #tpu.memory_space<vmem>>
        %dma_start3A_158 = tpu.memref_squeeze %dma_start3A_157 : memref<1x128xi32, #tpu.memory_space<vmem>> -> memref<128xi32, #tpu.memory_space<vmem>>
        %dma_start3A_159 = arith.constant 0 : i32
        %dma_start3A_160 = arith.constant 0 : i32
        %dma_start3A_161 = tpu.memref_slice %arg7[%dma_start3A_159, %dma_start3A_160] : memref<10000x128xf32, #tpu.memory_space<vmem_shared>> -> memref<10000x128xf32, #tpu.memory_space<vmem_shared>>
        tpu.enqueue_indirect_dma source(%arg13 : memref<128x128xf32, #tpu.memory_space<vmem>>) target(%dma_start3A_161 : memref<10000x128xf32, #tpu.memory_space<vmem_shared>>) offsets(%dma_start3A_158 : memref<128xi32, #tpu.memory_space<vmem>>) semaphore(%run_scoped3A_155 : memref<!tpu.dma_semaphore, #tpu.memory_space<semaphore_mem>>) {add = true}
        %dma_wait3A_162 = arith.constant 0 : i32
        %dma_wait3A_163 = tpu.memref_slice %arg11[%run_scoped3A_133, %dma_wait3A_162] : memref<3x128xi32, #tpu.memory_space<vmem>> -> memref<1x128xi32, #tpu.memory_space<vmem>>
        %dma_wait3A_164 = tpu.memref_squeeze %dma_wait3A_163 : memref<1x128xi32, #tpu.memory_space<vmem>> -> memref<128xi32, #tpu.memory_space<vmem>>
        %dma_wait3A_165 = arith.constant 0 : i32
        %dma_wait3A_166 = arith.constant 0 : i32
        %dma_wait3A_167 = tpu.memref_slice %arg7[%dma_wait3A_165, %dma_wait3A_166] : memref<10000x128xf32, #tpu.memory_space<vmem_shared>> -> memref<10000x128xf32, #tpu.memory_space<vmem_shared>>
        tpu.wait_indirect_dma semaphore(%run_scoped3A_155 : memref<!tpu.dma_semaphore, #tpu.memory_space<semaphore_mem>>) src(%arg13 : memref<128x128xf32, #tpu.memory_space<vmem>>) dst(%dma_wait3A_167 : memref<10000x128xf32, #tpu.memory_space<vmem_shared>>)
        tpu.yield
      }) : () -> ()
      %add3A_134 = arith.constant 1 : i32
      %add3A_135 = arith.addi %add3A_105, %add3A_134 : i32
      %lt3A_136 = arith.constant 26 : i32
      %lt3A_137 = arith.cmpi slt, %add3A_135, %lt3A_136 : i32
      %convert_element_type3A_138 = arith.extui %lt3A_137 : i1 to i32
      %cond3A_139 = arith.constant 0 : i32
      %cond3A_140 = arith.cmpi ne, %convert_element_type3A_138, %cond3A_139 : i32
      scf.if %cond3A_140 {
        %dma_start3A_155 = arith.constant 128 : i32
        %dma_start3A_156 = tpu.memref_slice %arg8[%dma_start3A_155] : memref<384xi32, #tpu.memory_space<vmem>> -> memref<128xi32, #tpu.memory_space<vmem>>
        %dma_start3A_157 = arith.constant 0 : i32
        %dma_start3A_158 = arith.constant 0 : i32
        %dma_start3A_159 = tpu.memref_slice %arg2[%dma_start3A_157, %dma_start3A_158] : memref<10000x128xf32, #tpu.memory_space<hbm>> -> memref<10000x128xf32, #tpu.memory_space<hbm>>
        tpu.enqueue_indirect_dma source(%dma_start3A_159 : memref<10000x128xf32, #tpu.memory_space<hbm>>) target(%arg13 : memref<128x128xf32, #tpu.memory_space<vmem>>) offsets(%dma_start3A_156 : memref<128xi32, #tpu.memory_space<vmem>>) semaphore(%arg16 : memref<!tpu.dma_semaphore, #tpu.memory_space<semaphore_mem>>)
      } else {
      }
      %dma_wait3A_141 = arith.constant 0 : i32
      %dma_wait3A_142 = arith.constant 0 : i32
      %dma_wait3A_143 = tpu.memref_slice %arg2[%dma_wait3A_141, %dma_wait3A_142] : memref<10000x128xf32, #tpu.memory_space<hbm>> -> memref<128x128xf32, #tpu.memory_space<hbm>>
      %dma_wait3A_144 = arith.constant 0 : i32
      %dma_wait3A_145 = arith.constant 0 : i32
      %dma_wait3A_146 = tpu.memref_slice %arg2[%dma_wait3A_144, %dma_wait3A_145] : memref<10000x128xf32, #tpu.memory_space<hbm>> -> memref<128x128xf32, #tpu.memory_space<hbm>>
      tpu.wait_dma2 semaphore(%arg17 : memref<!tpu.dma_semaphore, #tpu.memory_space<semaphore_mem>>) src(%dma_wait3A_146 : memref<128x128xf32, #tpu.memory_space<hbm>>) dst(%arg14 : memref<128x128xf32, #tpu.memory_space<vmem>>)
      %run_scoped3A_147 = arith.constant 2 : i32
      "tpu.region"() ({
        %run_scoped3A_155 = tpu.sem_alloc : memref<!tpu.dma_semaphore, #tpu.memory_space<semaphore_mem>>
        %dma_start3A_156 = arith.constant 0 : i32
        %dma_start3A_157 = tpu.memref_slice %arg11[%run_scoped3A_147, %dma_start3A_156] : memref<3x128xi32, #tpu.memory_space<vmem>> -> memref<1x128xi32, #tpu.memory_space<vmem>>
        %dma_start3A_158 = tpu.memref_squeeze %dma_start3A_157 : memref<1x128xi32, #tpu.memory_space<vmem>> -> memref<128xi32, #tpu.memory_space<vmem>>
        %dma_start3A_159 = arith.constant 0 : i32
        %dma_start3A_160 = arith.constant 0 : i32
        %dma_start3A_161 = tpu.memref_slice %arg7[%dma_start3A_159, %dma_start3A_160] : memref<10000x128xf32, #tpu.memory_space<vmem_shared>> -> memref<10000x128xf32, #tpu.memory_space<vmem_shared>>
        tpu.enqueue_indirect_dma source(%arg14 : memref<128x128xf32, #tpu.memory_space<vmem>>) target(%dma_start3A_161 : memref<10000x128xf32, #tpu.memory_space<vmem_shared>>) offsets(%dma_start3A_158 : memref<128xi32, #tpu.memory_space<vmem>>) semaphore(%run_scoped3A_155 : memref<!tpu.dma_semaphore, #tpu.memory_space<semaphore_mem>>) {add = true}
        %dma_wait3A_162 = arith.constant 0 : i32
        %dma_wait3A_163 = tpu.memref_slice %arg11[%run_scoped3A_147, %dma_wait3A_162] : memref<3x128xi32, #tpu.memory_space<vmem>> -> memref<1x128xi32, #tpu.memory_space<vmem>>
        %dma_wait3A_164 = tpu.memref_squeeze %dma_wait3A_163 : memref<1x128xi32, #tpu.memory_space<vmem>> -> memref<128xi32, #tpu.memory_space<vmem>>
        %dma_wait3A_165 = arith.constant 0 : i32
        %dma_wait3A_166 = arith.constant 0 : i32
        %dma_wait3A_167 = tpu.memref_slice %arg7[%dma_wait3A_165, %dma_wait3A_166] : memref<10000x128xf32, #tpu.memory_space<vmem_shared>> -> memref<10000x128xf32, #tpu.memory_space<vmem_shared>>
        tpu.wait_indirect_dma semaphore(%run_scoped3A_155 : memref<!tpu.dma_semaphore, #tpu.memory_space<semaphore_mem>>) src(%arg14 : memref<128x128xf32, #tpu.memory_space<vmem>>) dst(%dma_wait3A_167 : memref<10000x128xf32, #tpu.memory_space<vmem_shared>>)
        tpu.yield
      }) : () -> ()
      %add3A_148 = arith.constant 1 : i32
      %add3A_149 = arith.addi %add3A_105, %add3A_148 : i32
      %lt3A_150 = arith.constant 26 : i32
      %lt3A_151 = arith.cmpi slt, %add3A_149, %lt3A_150 : i32
      %convert_element_type3A_152 = arith.extui %lt3A_151 : i1 to i32
      %cond3A_153 = arith.constant 0 : i32
      %cond3A_154 = arith.cmpi ne, %convert_element_type3A_152, %cond3A_153 : i32
      scf.if %cond3A_154 {
        %dma_start3A_155 = arith.constant 256 : i32
        %dma_start3A_156 = tpu.memref_slice %arg8[%dma_start3A_155] : memref<384xi32, #tpu.memory_space<vmem>> -> memref<128xi32, #tpu.memory_space<vmem>>
        %dma_start3A_157 = arith.constant 0 : i32
        %dma_start3A_158 = arith.constant 0 : i32
        %dma_start3A_159 = tpu.memref_slice %arg2[%dma_start3A_157, %dma_start3A_158] : memref<10000x128xf32, #tpu.memory_space<hbm>> -> memref<10000x128xf32, #tpu.memory_space<hbm>>
        tpu.enqueue_indirect_dma source(%dma_start3A_159 : memref<10000x128xf32, #tpu.memory_space<hbm>>) target(%arg14 : memref<128x128xf32, #tpu.memory_space<vmem>>) offsets(%dma_start3A_156 : memref<128xi32, #tpu.memory_space<vmem>>) semaphore(%arg17 : memref<!tpu.dma_semaphore, #tpu.memory_space<semaphore_mem>>)
      } else {
      }
    }
    %scan3A_40 = arith.constant 13 : i32
    %lt3A = arith.constant 4 : i32
    %lt3A_41 = arith.cmpi slt, %add3A, %lt3A : i32
    %convert_element_type3A_42 = arith.extui %lt3A_41 : i1 to i32
    %cond3A_43 = arith.constant 0 : i32
    %cond3A_44 = arith.cmpi ne, %convert_element_type3A_42, %cond3A_43 : i32
    scf.if %cond3A_44 {
      %add3A_51 = arith.constant 2496 : i32
      %add3A_52 = arith.addi %add3A_51, %add3A : i32
      %mul3A_53 = arith.constant 128 : i32
      %mul3A_54 = arith.muli %add3A_52, %mul3A_53 : i32
      "tpu.region"() ({
        %run_scoped3A_66 = tpu.sem_alloc : memref<!tpu.dma_semaphore, #tpu.memory_space<semaphore_mem>>
        %dma_start3A_67 = arith.constant 0 : i32
        %dma_start3A_68 = tpu.memref_slice %arg8[%dma_start3A_67] : memref<384xi32, #tpu.memory_space<vmem>> -> memref<128xi32, #tpu.memory_space<vmem>>
        %dma_start3A_69 = tpu.memref_slice %arg3[%mul3A_54] : memref<320000xi32, #tpu.memory_space<hbm>> -> memref<128xi32, #tpu.memory_space<hbm>>
        %dma_start3A_70 = arith.constant 0 : i32
        %dma_start3A_71 = tpu.memref_slice %arg8[%dma_start3A_70] : memref<384xi32, #tpu.memory_space<vmem>> -> memref<128xi32, #tpu.memory_space<vmem>>
        %dma_start3A_72 = tpu.memref_slice %arg3[%mul3A_54] : memref<320000xi32, #tpu.memory_space<hbm>> -> memref<128xi32, #tpu.memory_space<hbm>>
        tpu.enqueue_dma source(%dma_start3A_72 : memref<128xi32, #tpu.memory_space<hbm>>) target(%dma_start3A_71 : memref<128xi32, #tpu.memory_space<vmem>>) target_semaphore(%run_scoped3A_66 : memref<!tpu.dma_semaphore, #tpu.memory_space<semaphore_mem>>)
        %dma_wait3A_73 = arith.constant 0 : i32
        %dma_wait3A_74 = tpu.memref_slice %arg8[%dma_wait3A_73] : memref<384xi32, #tpu.memory_space<vmem>> -> memref<128xi32, #tpu.memory_space<vmem>>
        %dma_wait3A_75 = tpu.memref_slice %arg3[%mul3A_54] : memref<320000xi32, #tpu.memory_space<hbm>> -> memref<128xi32, #tpu.memory_space<hbm>>
        %dma_wait3A_76 = arith.constant 0 : i32
        %dma_wait3A_77 = tpu.memref_slice %arg8[%dma_wait3A_76] : memref<384xi32, #tpu.memory_space<vmem>> -> memref<128xi32, #tpu.memory_space<vmem>>
        %dma_wait3A_78 = tpu.memref_slice %arg3[%mul3A_54] : memref<320000xi32, #tpu.memory_space<hbm>> -> memref<128xi32, #tpu.memory_space<hbm>>
        tpu.wait_dma2 semaphore(%run_scoped3A_66 : memref<!tpu.dma_semaphore, #tpu.memory_space<semaphore_mem>>) src(%dma_wait3A_78 : memref<128xi32, #tpu.memory_space<hbm>>) dst(%dma_wait3A_77 : memref<128xi32, #tpu.memory_space<vmem>>)
        tpu.yield
      }) : () -> ()
      %run_scoped3A_55 = arith.constant 0 : i32
      "tpu.region"() ({
        %run_scoped3A_66 = tpu.sem_alloc : memref<!tpu.dma_semaphore, #tpu.memory_space<semaphore_mem>>
        %dma_start3A_67 = arith.constant 0 : i32
        %dma_start3A_68 = tpu.memref_slice %arg10[%run_scoped3A_55, %dma_start3A_67] : memref<3x128xi32, #tpu.memory_space<vmem>> -> memref<1x128xi32, #tpu.memory_space<vmem>>
        %dma_start3A_69 = tpu.memref_squeeze %dma_start3A_68 : memref<1x128xi32, #tpu.memory_space<vmem>> -> memref<128xi32, #tpu.memory_space<vmem>>
        %dma_start3A_70 = tpu.memref_slice %arg4[%mul3A_54] : memref<320000xi32, #tpu.memory_space<hbm>> -> memref<128xi32, #tpu.memory_space<hbm>>
        %dma_start3A_71 = arith.constant 0 : i32
        %dma_start3A_72 = tpu.memref_slice %arg10[%run_scoped3A_55, %dma_start3A_71] : memref<3x128xi32, #tpu.memory_space<vmem>> -> memref<1x128xi32, #tpu.memory_space<vmem>>
        %dma_start3A_73 = tpu.memref_squeeze %dma_start3A_72 : memref<1x128xi32, #tpu.memory_space<vmem>> -> memref<128xi32, #tpu.memory_space<vmem>>
        %dma_start3A_74 = tpu.memref_slice %arg4[%mul3A_54] : memref<320000xi32, #tpu.memory_space<hbm>> -> memref<128xi32, #tpu.memory_space<hbm>>
        tpu.enqueue_dma source(%dma_start3A_74 : memref<128xi32, #tpu.memory_space<hbm>>) target(%dma_start3A_73 : memref<128xi32, #tpu.memory_space<vmem>>) target_semaphore(%run_scoped3A_66 : memref<!tpu.dma_semaphore, #tpu.memory_space<semaphore_mem>>)
        %dma_wait3A_75 = arith.constant 0 : i32
        %dma_wait3A_76 = tpu.memref_slice %arg10[%run_scoped3A_55, %dma_wait3A_75] : memref<3x128xi32, #tpu.memory_space<vmem>> -> memref<1x128xi32, #tpu.memory_space<vmem>>
        %dma_wait3A_77 = tpu.memref_squeeze %dma_wait3A_76 : memref<1x128xi32, #tpu.memory_space<vmem>> -> memref<128xi32, #tpu.memory_space<vmem>>
        %dma_wait3A_78 = tpu.memref_slice %arg4[%mul3A_54] : memref<320000xi32, #tpu.memory_space<hbm>> -> memref<128xi32, #tpu.memory_space<hbm>>
        %dma_wait3A_79 = arith.constant 0 : i32
        %dma_wait3A_80 = tpu.memref_slice %arg10[%run_scoped3A_55, %dma_wait3A_79] : memref<3x128xi32, #tpu.memory_space<vmem>> -> memref<1x128xi32, #tpu.memory_space<vmem>>
        %dma_wait3A_81 = tpu.memref_squeeze %dma_wait3A_80 : memref<1x128xi32, #tpu.memory_space<vmem>> -> memref<128xi32, #tpu.memory_space<vmem>>
        %dma_wait3A_82 = tpu.memref_slice %arg4[%mul3A_54] : memref<320000xi32, #tpu.memory_space<hbm>> -> memref<128xi32, #tpu.memory_space<hbm>>
        tpu.wait_dma2 semaphore(%run_scoped3A_66 : memref<!tpu.dma_semaphore, #tpu.memory_space<semaphore_mem>>) src(%dma_wait3A_82 : memref<128xi32, #tpu.memory_space<hbm>>) dst(%dma_wait3A_81 : memref<128xi32, #tpu.memory_space<vmem>>)
        tpu.yield
      }) : () -> ()
      %dma_start3A_56 = arith.constant 0 : i32
      %dma_start3A_57 = tpu.memref_slice %arg8[%dma_start3A_56] : memref<384xi32, #tpu.memory_space<vmem>> -> memref<128xi32, #tpu.memory_space<vmem>>
      %dma_start3A_58 = arith.constant 0 : i32
      %dma_start3A_59 = arith.constant 0 : i32
      %dma_start3A_60 = tpu.memref_slice %arg2[%dma_start3A_58, %dma_start3A_59] : memref<10000x128xf32, #tpu.memory_space<hbm>> -> memref<10000x128xf32, #tpu.memory_space<hbm>>
      tpu.enqueue_indirect_dma source(%dma_start3A_60 : memref<10000x128xf32, #tpu.memory_space<hbm>>) target(%arg12 : memref<128x128xf32, #tpu.memory_space<vmem>>) offsets(%dma_start3A_57 : memref<128xi32, #tpu.memory_space<vmem>>) semaphore(%arg15 : memref<!tpu.dma_semaphore, #tpu.memory_space<semaphore_mem>>)
      %dma_wait3A = arith.constant 0 : i32
      %dma_wait3A_61 = tpu.memref_slice %arg8[%dma_wait3A] : memref<384xi32, #tpu.memory_space<vmem>> -> memref<128xi32, #tpu.memory_space<vmem>>
      %dma_wait3A_62 = arith.constant 0 : i32
      %dma_wait3A_63 = arith.constant 0 : i32
      %dma_wait3A_64 = tpu.memref_slice %arg2[%dma_wait3A_62, %dma_wait3A_63] : memref<10000x128xf32, #tpu.memory_space<hbm>> -> memref<10000x128xf32, #tpu.memory_space<hbm>>
      tpu.wait_indirect_dma semaphore(%arg15 : memref<!tpu.dma_semaphore, #tpu.memory_space<semaphore_mem>>) src(%dma_wait3A_64 : memref<10000x128xf32, #tpu.memory_space<hbm>>) dst(%arg12 : memref<128x128xf32, #tpu.memory_space<vmem>>)
      %run_scoped3A_65 = arith.constant 0 : i32
      "tpu.region"() ({
        %run_scoped3A_66 = tpu.sem_alloc : memref<!tpu.dma_semaphore, #tpu.memory_space<semaphore_mem>>
        %dma_start3A_67 = arith.constant 0 : i32
        %dma_start3A_68 = tpu.memref_slice %arg10[%run_scoped3A_65, %dma_start3A_67] : memref<3x128xi32, #tpu.memory_space<vmem>> -> memref<1x128xi32, #tpu.memory_space<vmem>>
        %dma_start3A_69 = tpu.memref_squeeze %dma_start3A_68 : memref<1x128xi32, #tpu.memory_space<vmem>> -> memref<128xi32, #tpu.memory_space<vmem>>
        %dma_start3A_70 = arith.constant 0 : i32
        %dma_start3A_71 = arith.constant 0 : i32
        %dma_start3A_72 = tpu.memref_slice %arg7[%dma_start3A_70, %dma_start3A_71] : memref<10000x128xf32, #tpu.memory_space<vmem_shared>> -> memref<10000x128xf32, #tpu.memory_space<vmem_shared>>
        tpu.enqueue_indirect_dma source(%arg12 : memref<128x128xf32, #tpu.memory_space<vmem>>) target(%dma_start3A_72 : memref<10000x128xf32, #tpu.memory_space<vmem_shared>>) offsets(%dma_start3A_69 : memref<128xi32, #tpu.memory_space<vmem>>) semaphore(%run_scoped3A_66 : memref<!tpu.dma_semaphore, #tpu.memory_space<semaphore_mem>>) {add = true}
        %dma_wait3A_73 = arith.constant 0 : i32
        %dma_wait3A_74 = tpu.memref_slice %arg10[%run_scoped3A_65, %dma_wait3A_73] : memref<3x128xi32, #tpu.memory_space<vmem>> -> memref<1x128xi32, #tpu.memory_space<vmem>>
        %dma_wait3A_75 = tpu.memref_squeeze %dma_wait3A_74 : memref<1x128xi32, #tpu.memory_space<vmem>> -> memref<128xi32, #tpu.memory_space<vmem>>
        %dma_wait3A_76 = arith.constant 0 : i32
        %dma_wait3A_77 = arith.constant 0 : i32
        %dma_wait3A_78 = tpu.memref_slice %arg7[%dma_wait3A_76, %dma_wait3A_77] : memref<10000x128xf32, #tpu.memory_space<vmem_shared>> -> memref<10000x128xf32, #tpu.memory_space<vmem_shared>>
        tpu.wait_indirect_dma semaphore(%run_scoped3A_66 : memref<!tpu.dma_semaphore, #tpu.memory_space<semaphore_mem>>) src(%arg12 : memref<128x128xf32, #tpu.memory_space<vmem>>) dst(%dma_wait3A_78 : memref<10000x128xf32, #tpu.memory_space<vmem_shared>>)
        tpu.yield
      }) : () -> ()
    } else {
    }
    %barrier3A_45 = arith.constant 0 : index
    tpu.barrier barrier_id(%barrier3A_45)
    "tpu.region"() ({
      %run_scoped3A_51 = tpu.sem_alloc : memref<!tpu.dma_semaphore, #tpu.memory_space<semaphore_mem>>
      %dma_start3A_52 = arith.constant 0 : i32
      %dma_start3A_53 = tpu.memref_slice %arg6[%arg0, %mul3A_4, %dma_start3A_52] : memref<2x10000x128xf32, #tpu.memory_space<hbm>> -> memref<1x624x128xf32, #tpu.memory_space<hbm>>
      %dma_start3A_54 = tpu.memref_squeeze %dma_start3A_53 : memref<1x624x128xf32, #tpu.memory_space<hbm>> -> memref<624x128xf32, #tpu.memory_space<hbm>>
      %dma_start3A_55 = arith.constant 0 : i32
      %dma_start3A_56 = tpu.memref_slice %arg7[%mul3A_4, %dma_start3A_55] : memref<10000x128xf32, #tpu.memory_space<vmem_shared>> -> memref<624x128xf32, #tpu.memory_space<vmem_shared>>
      tpu.enqueue_dma source(%dma_start3A_56 : memref<624x128xf32, #tpu.memory_space<vmem_shared>>) target(%dma_start3A_54 : memref<624x128xf32, #tpu.memory_space<hbm>>) target_semaphore(%run_scoped3A_51 : memref<!tpu.dma_semaphore, #tpu.memory_space<semaphore_mem>>)
      %dma_wait3A = arith.constant 0 : i32
      %dma_wait3A_57 = tpu.memref_slice %arg6[%arg0, %mul3A_4, %dma_wait3A] : memref<2x10000x128xf32, #tpu.memory_space<hbm>> -> memref<1x624x128xf32, #tpu.memory_space<hbm>>
      %dma_wait3A_58 = tpu.memref_squeeze %dma_wait3A_57 : memref<1x624x128xf32, #tpu.memory_space<hbm>> -> memref<624x128xf32, #tpu.memory_space<hbm>>
      %dma_wait3A_59 = arith.constant 0 : i32
      %dma_wait3A_60 = tpu.memref_slice %arg7[%mul3A_4, %dma_wait3A_59] : memref<10000x128xf32, #tpu.memory_space<vmem_shared>> -> memref<624x128xf32, #tpu.memory_space<vmem_shared>>
      tpu.wait_dma2 semaphore(%run_scoped3A_51 : memref<!tpu.dma_semaphore, #tpu.memory_space<semaphore_mem>>) src(%dma_wait3A_60 : memref<624x128xf32, #tpu.memory_space<vmem_shared>>) dst(%dma_wait3A_58 : memref<624x128xf32, #tpu.memory_space<hbm>>)
      tpu.yield
    }) : () -> ()
    %eq3A_46 = arith.constant 15 : i32
    %eq3A_47 = arith.cmpi eq, %arg1, %eq3A_46 : i32
    %convert_element_type3A_48 = arith.extui %eq3A_47 : i1 to i32
    %cond3A_49 = arith.constant 0 : i32
    %cond3A_50 = arith.cmpi ne, %convert_element_type3A_48, %cond3A_49 : i32
    scf.if %cond3A_50 {
      "tpu.region"() ({
        %run_scoped3A_51 = tpu.sem_alloc : memref<!tpu.dma_semaphore, #tpu.memory_space<semaphore_mem>>
        %dma_start3A_52 = arith.constant 9984 : i32
        %dma_start3A_53 = arith.constant 0 : i32
        %dma_start3A_54 = tpu.memref_slice %arg6[%arg0, %dma_start3A_52, %dma_start3A_53] : memref<2x10000x128xf32, #tpu.memory_space<hbm>> -> memref<1x16x128xf32, #tpu.memory_space<hbm>>
        %dma_start3A_55 = tpu.memref_squeeze %dma_start3A_54 : memref<1x16x128xf32, #tpu.memory_space<hbm>> -> memref<16x128xf32, #tpu.memory_space<hbm>>
        %dma_start3A_56 = arith.constant 9984 : i32
        %dma_start3A_57 = arith.constant 0 : i32
        %dma_start3A_58 = tpu.memref_slice %arg7[%dma_start3A_56, %dma_start3A_57] : memref<10000x128xf32, #tpu.memory_space<vmem_shared>> -> memref<16x128xf32, #tpu.memory_space<vmem_shared>>
        tpu.enqueue_dma source(%dma_start3A_58 : memref<16x128xf32, #tpu.memory_space<vmem_shared>>) target(%dma_start3A_55 : memref<16x128xf32, #tpu.memory_space<hbm>>) target_semaphore(%run_scoped3A_51 : memref<!tpu.dma_semaphore, #tpu.memory_space<semaphore_mem>>)
        %dma_wait3A = arith.constant 9984 : i32
        %dma_wait3A_59 = arith.constant 0 : i32
        %dma_wait3A_60 = tpu.memref_slice %arg6[%arg0, %dma_wait3A, %dma_wait3A_59] : memref<2x10000x128xf32, #tpu.memory_space<hbm>> -> memref<1x16x128xf32, #tpu.memory_space<hbm>>
        %dma_wait3A_61 = tpu.memref_squeeze %dma_wait3A_60 : memref<1x16x128xf32, #tpu.memory_space<hbm>> -> memref<16x128xf32, #tpu.memory_space<hbm>>
        %dma_wait3A_62 = arith.constant 9984 : i32
        %dma_wait3A_63 = arith.constant 0 : i32
        %dma_wait3A_64 = tpu.memref_slice %arg7[%dma_wait3A_62, %dma_wait3A_63] : memref<10000x128xf32, #tpu.memory_space<vmem_shared>> -> memref<16x128xf32, #tpu.memory_space<vmem_shared>>
        tpu.wait_dma2 semaphore(%run_scoped3A_51 : memref<!tpu.dma_semaphore, #tpu.memory_space<semaphore_mem>>) src(%dma_wait3A_64 : memref<16x128xf32, #tpu.memory_space<vmem_shared>>) dst(%dma_wait3A_61 : memref<16x128xf32, #tpu.memory_space<hbm>>)
        tpu.yield
      }) : () -> ()
    } else {
    }
    return
  }
}

#map = affine_map<(d0, d1) -> (0, 0)>
#map1 = affine_map<(d0, d1) -> (0)>
#map2 = affine_map<(d0, d1) -> (0, 0, 0)>
module attributes {stable_mosaic.version = 14 : i64} {
  func.func @layer(%arg0: i32, %arg1: i32, %arg2: memref<10000x128xf32, #tpu.memory_space<hbm>>, %arg3: memref<320000xi32, #tpu.memory_space<hbm>>, %arg4: memref<320000xi32, #tpu.memory_space<hbm>>, %arg5: memref<10000x128xf32, #tpu.memory_space<hbm>>, %arg6: memref<2x10000x128xf32, #tpu.memory_space<hbm>>, %arg7: memref<10000x128xf32, #tpu.memory_space<vmem_shared>>, %arg8: memref<384xi32, #tpu.memory_space<vmem>>, %arg9: memref<384xi32, #tpu.memory_space<vmem>>, %arg10: memref<3x128xi32, #tpu.memory_space<vmem>>, %arg11: memref<3x128xi32, #tpu.memory_space<vmem>>, %arg12: memref<128x128xf32, #tpu.memory_space<vmem>>, %arg13: memref<128x128xf32, #tpu.memory_space<vmem>>, %arg14: memref<128x128xf32, #tpu.memory_space<vmem>>, %arg15: memref<!tpu.dma_semaphore, #tpu.memory_space<semaphore_mem>>, %arg16: memref<!tpu.dma_semaphore, #tpu.memory_space<semaphore_mem>>, %arg17: memref<!tpu.dma_semaphore, #tpu.memory_space<semaphore_mem>>, %arg18: memref<!tpu.dma_semaphore, #tpu.memory_space<semaphore_mem>>, %arg19: memref<!tpu.dma_semaphore, #tpu.memory_space<semaphore_mem>>) attributes {dimension_semantics = [#tpu.dimension_semantics<core_parallel>, #tpu.dimension_semantics<subcore_parallel>], iteration_bounds = array<i64: 2, 16>, scalar_prefetch = 0 : i64, scratch_operands = 13 : i64, tpu.core_type = #tpu.core_type<sc_vector_subcore>, window_params = [{transform_indices = #map}, {transform_indices = #map1}, {transform_indices = #map1}, {transform_indices = #map}, {transform_indices = #map2}]} {
    %mul3A = arith.constant 2 : i32
    %mul3A_0 = arith.muli %arg1, %mul3A : i32
    %add3A = arith.addi %mul3A_0, %arg0 : i32
    %mul3A_1 = arith.constant 78 : i32
    %mul3A_2 = arith.muli %add3A, %mul3A_1 : i32
    %mul3A_3 = arith.constant 624 : i32
    %mul3A_4 = arith.muli %arg1, %mul3A_3 : i32
    "tpu.region"() ({
      %run_scoped3A_51 = tpu.sem_alloc : memref<!tpu.dma_semaphore, #tpu.memory_space<semaphore_mem>>
      %dma_start3A_52 = arith.constant 0 : i32
      %dma_start3A_53 = tpu.memref_slice %arg7[%mul3A_4, %dma_start3A_52] : memref<10000x128xf32, #tpu.memory_space<vmem_shared>> -> memref<624x128xf32, #tpu.memory_space<vmem_shared>>
      %dma_start3A_54 = arith.constant 0 : i32
      %dma_start3A_55 = tpu.memref_slice %arg5[%mul3A_4, %dma_start3A_54] : memref<10000x128xf32, #tpu.memory_space<hbm>> -> memref<624x128xf32, #tpu.memory_space<hbm>>
      tpu.enqueue_dma source(%dma_start3A_55 : memref<624x128xf32, #tpu.memory_space<hbm>>) target(%dma_start3A_53 : memref<624x128xf32, #tpu.memory_space<vmem_shared>>) target_semaphore(%run_scoped3A_51 : memref<!tpu.dma_semaphore, #tpu.memory_space<semaphore_mem>>)
      %dma_wait3A = arith.constant 0 : i32
      %dma_wait3A_56 = tpu.memref_slice %arg7[%mul3A_4, %dma_wait3A] : memref<10000x128xf32, #tpu.memory_space<vmem_shared>> -> memref<624x128xf32, #tpu.memory_space<vmem_shared>>
      %dma_wait3A_57 = arith.constant 0 : i32
      %dma_wait3A_58 = tpu.memref_slice %arg5[%mul3A_4, %dma_wait3A_57] : memref<10000x128xf32, #tpu.memory_space<hbm>> -> memref<624x128xf32, #tpu.memory_space<hbm>>
      tpu.wait_dma2 semaphore(%run_scoped3A_51 : memref<!tpu.dma_semaphore, #tpu.memory_space<semaphore_mem>>) src(%dma_wait3A_58 : memref<624x128xf32, #tpu.memory_space<hbm>>) dst(%dma_wait3A_56 : memref<624x128xf32, #tpu.memory_space<vmem_shared>>)
      tpu.yield
    }) : () -> ()
    %eq3A = arith.constant 15 : i32
    %eq3A_5 = arith.cmpi eq, %arg1, %eq3A : i32
    %convert_element_type3A = arith.extui %eq3A_5 : i1 to i32
    %cond3A = arith.constant 0 : i32
    %cond3A_6 = arith.cmpi ne, %convert_element_type3A, %cond3A : i32
    scf.if %cond3A_6 {
      "tpu.region"() ({
        %run_scoped3A_51 = tpu.sem_alloc : memref<!tpu.dma_semaphore, #tpu.memory_space<semaphore_mem>>
        %dma_start3A_52 = arith.constant 9984 : i32
        %dma_start3A_53 = arith.constant 0 : i32
        %dma_start3A_54 = tpu.memref_slice %arg7[%dma_start3A_52, %dma_start3A_53] : memref<10000x128xf32, #tpu.memory_space<vmem_shared>> -> memref<16x128xf32, #tpu.memory_space<vmem_shared>>
        %dma_start3A_55 = arith.constant 9984 : i32
        %dma_start3A_56 = arith.constant 0 : i32
        %dma_start3A_57 = tpu.memref_slice %arg5[%dma_start3A_55, %dma_start3A_56] : memref<10000x128xf32, #tpu.memory_space<hbm>> -> memref<16x128xf32, #tpu.memory_space<hbm>>
        tpu.enqueue_dma source(%dma_start3A_57 : memref<16x128xf32, #tpu.memory_space<hbm>>) target(%dma_start3A_54 : memref<16x128xf32, #tpu.memory_space<vmem_shared>>) target_semaphore(%run_scoped3A_51 : memref<!tpu.dma_semaphore, #tpu.memory_space<semaphore_mem>>)
        %dma_wait3A = arith.constant 9984 : i32
        %dma_wait3A_58 = arith.constant 0 : i32
        %dma_wait3A_59 = tpu.memref_slice %arg7[%dma_wait3A, %dma_wait3A_58] : memref<10000x128xf32, #tpu.memory_space<vmem_shared>> -> memref<16x128xf32, #tpu.memory_space<vmem_shared>>
        %dma_wait3A_60 = arith.constant 9984 : i32
        %dma_wait3A_61 = arith.constant 0 : i32
        %dma_wait3A_62 = tpu.memref_slice %arg5[%dma_wait3A_60, %dma_wait3A_61] : memref<10000x128xf32, #tpu.memory_space<hbm>> -> memref<16x128xf32, #tpu.memory_space<hbm>>
        tpu.wait_dma2 semaphore(%run_scoped3A_51 : memref<!tpu.dma_semaphore, #tpu.memory_space<semaphore_mem>>) src(%dma_wait3A_62 : memref<16x128xf32, #tpu.memory_space<hbm>>) dst(%dma_wait3A_59 : memref<16x128xf32, #tpu.memory_space<vmem_shared>>)
        tpu.yield
      }) : () -> ()
    } else {
    }
    %mul3A_7 = arith.constant 128 : i32
    %mul3A_8 = arith.muli %mul3A_2, %mul3A_7 : i32
    "tpu.region"() ({
      %run_scoped3A_51 = tpu.sem_alloc : memref<!tpu.dma_semaphore, #tpu.memory_space<semaphore_mem>>
      %dma_start3A_52 = tpu.memref_slice %arg3[%mul3A_8] : memref<320000xi32, #tpu.memory_space<hbm>> -> memref<384xi32, #tpu.memory_space<hbm>>
      %dma_start3A_53 = tpu.memref_slice %arg3[%mul3A_8] : memref<320000xi32, #tpu.memory_space<hbm>> -> memref<384xi32, #tpu.memory_space<hbm>>
      tpu.enqueue_dma source(%dma_start3A_53 : memref<384xi32, #tpu.memory_space<hbm>>) target(%arg8 : memref<384xi32, #tpu.memory_space<vmem>>) target_semaphore(%run_scoped3A_51 : memref<!tpu.dma_semaphore, #tpu.memory_space<semaphore_mem>>)
      %dma_wait3A = tpu.memref_slice %arg3[%mul3A_8] : memref<320000xi32, #tpu.memory_space<hbm>> -> memref<384xi32, #tpu.memory_space<hbm>>
      %dma_wait3A_54 = tpu.memref_slice %arg3[%mul3A_8] : memref<320000xi32, #tpu.memory_space<hbm>> -> memref<384xi32, #tpu.memory_space<hbm>>
      tpu.wait_dma2 semaphore(%run_scoped3A_51 : memref<!tpu.dma_semaphore, #tpu.memory_space<semaphore_mem>>) src(%dma_wait3A_54 : memref<384xi32, #tpu.memory_space<hbm>>) dst(%arg8 : memref<384xi32, #tpu.memory_space<vmem>>)
      tpu.yield
    }) : () -> ()
    %add3A_9 = arith.constant 0 : i32
    %add3A_10 = arith.addi %mul3A_2, %add3A_9 : i32
    %mul3A_11 = arith.constant 128 : i32
    %mul3A_12 = arith.muli %add3A_10, %mul3A_11 : i32
    %run_scoped3A = arith.constant 0 : i32
    "tpu.region"() ({
      %run_scoped3A_51 = tpu.sem_alloc : memref<!tpu.dma_semaphore, #tpu.memory_space<semaphore_mem>>
      %dma_start3A_52 = arith.constant 0 : i32
      %dma_start3A_53 = tpu.memref_slice %arg10[%run_scoped3A, %dma_start3A_52] : memref<3x128xi32, #tpu.memory_space<vmem>> -> memref<1x128xi32, #tpu.memory_space<vmem>>
      %dma_start3A_54 = tpu.memref_squeeze %dma_start3A_53 : memref<1x128xi32, #tpu.memory_space<vmem>> -> memref<128xi32, #tpu.memory_space<vmem>>
      %dma_start3A_55 = tpu.memref_slice %arg4[%mul3A_12] : memref<320000xi32, #tpu.memory_space<hbm>> -> memref<128xi32, #tpu.memory_space<hbm>>
      %dma_start3A_56 = arith.constant 0 : i32
      %dma_start3A_57 = tpu.memref_slice %arg10[%run_scoped3A, %dma_start3A_56] : memref<3x128xi32, #tpu.memory_space<vmem>> -> memref<1x128xi32, #tpu.memory_space<vmem>>
      %dma_start3A_58 = tpu.memref_squeeze %dma_start3A_57 : memref<1x128xi32, #tpu.memory_space<vmem>> -> memref<128xi32, #tpu.memory_space<vmem>>
      %dma_start3A_59 = tpu.memref_slice %arg4[%mul3A_12] : memref<320000xi32, #tpu.memory_space<hbm>> -> memref<128xi32, #tpu.memory_space<hbm>>
      tpu.enqueue_dma source(%dma_start3A_59 : memref<128xi32, #tpu.memory_space<hbm>>) target(%dma_start3A_58 : memref<128xi32, #tpu.memory_space<vmem>>) target_semaphore(%run_scoped3A_51 : memref<!tpu.dma_semaphore, #tpu.memory_space<semaphore_mem>>)
      %dma_wait3A = arith.constant 0 : i32
      %dma_wait3A_60 = tpu.memref_slice %arg10[%run_scoped3A, %dma_wait3A] : memref<3x128xi32, #tpu.memory_space<vmem>> -> memref<1x128xi32, #tpu.memory_space<vmem>>
      %dma_wait3A_61 = tpu.memref_squeeze %dma_wait3A_60 : memref<1x128xi32, #tpu.memory_space<vmem>> -> memref<128xi32, #tpu.memory_space<vmem>>
      %dma_wait3A_62 = tpu.memref_slice %arg4[%mul3A_12] : memref<320000xi32, #tpu.memory_space<hbm>> -> memref<128xi32, #tpu.memory_space<hbm>>
      %dma_wait3A_63 = arith.constant 0 : i32
      %dma_wait3A_64 = tpu.memref_slice %arg10[%run_scoped3A, %dma_wait3A_63] : memref<3x128xi32, #tpu.memory_space<vmem>> -> memref<1x128xi32, #tpu.memory_space<vmem>>
      %dma_wait3A_65 = tpu.memref_squeeze %dma_wait3A_64 : memref<1x128xi32, #tpu.memory_space<vmem>> -> memref<128xi32, #tpu.memory_space<vmem>>
      %dma_wait3A_66 = tpu.memref_slice %arg4[%mul3A_12] : memref<320000xi32, #tpu.memory_space<hbm>> -> memref<128xi32, #tpu.memory_space<hbm>>
      tpu.wait_dma2 semaphore(%run_scoped3A_51 : memref<!tpu.dma_semaphore, #tpu.memory_space<semaphore_mem>>) src(%dma_wait3A_66 : memref<128xi32, #tpu.memory_space<hbm>>) dst(%dma_wait3A_65 : memref<128xi32, #tpu.memory_space<vmem>>)
      tpu.yield
    }) : () -> ()
    %add3A_13 = arith.constant 1 : i32
    %add3A_14 = arith.addi %mul3A_2, %add3A_13 : i32
    %mul3A_15 = arith.constant 128 : i32
    %mul3A_16 = arith.muli %add3A_14, %mul3A_15 : i32
    %run_scoped3A_17 = arith.constant 1 : i32
    "tpu.region"() ({
      %run_scoped3A_51 = tpu.sem_alloc : memref<!tpu.dma_semaphore, #tpu.memory_space<semaphore_mem>>
      %dma_start3A_52 = arith.constant 0 : i32
      %dma_start3A_53 = tpu.memref_slice %arg10[%run_scoped3A_17, %dma_start3A_52] : memref<3x128xi32, #tpu.memory_space<vmem>> -> memref<1x128xi32, #tpu.memory_space<vmem>>
      %dma_start3A_54 = tpu.memref_squeeze %dma_start3A_53 : memref<1x128xi32, #tpu.memory_space<vmem>> -> memref<128xi32, #tpu.memory_space<vmem>>
      %dma_start3A_55 = tpu.memref_slice %arg4[%mul3A_16] : memref<320000xi32, #tpu.memory_space<hbm>> -> memref<128xi32, #tpu.memory_space<hbm>>
      %dma_start3A_56 = arith.constant 0 : i32
      %dma_start3A_57 = tpu.memref_slice %arg10[%run_scoped3A_17, %dma_start3A_56] : memref<3x128xi32, #tpu.memory_space<vmem>> -> memref<1x128xi32, #tpu.memory_space<vmem>>
      %dma_start3A_58 = tpu.memref_squeeze %dma_start3A_57 : memref<1x128xi32, #tpu.memory_space<vmem>> -> memref<128xi32, #tpu.memory_space<vmem>>
      %dma_start3A_59 = tpu.memref_slice %arg4[%mul3A_16] : memref<320000xi32, #tpu.memory_space<hbm>> -> memref<128xi32, #tpu.memory_space<hbm>>
      tpu.enqueue_dma source(%dma_start3A_59 : memref<128xi32, #tpu.memory_space<hbm>>) target(%dma_start3A_58 : memref<128xi32, #tpu.memory_space<vmem>>) target_semaphore(%run_scoped3A_51 : memref<!tpu.dma_semaphore, #tpu.memory_space<semaphore_mem>>)
      %dma_wait3A = arith.constant 0 : i32
      %dma_wait3A_60 = tpu.memref_slice %arg10[%run_scoped3A_17, %dma_wait3A] : memref<3x128xi32, #tpu.memory_space<vmem>> -> memref<1x128xi32, #tpu.memory_space<vmem>>
      %dma_wait3A_61 = tpu.memref_squeeze %dma_wait3A_60 : memref<1x128xi32, #tpu.memory_space<vmem>> -> memref<128xi32, #tpu.memory_space<vmem>>
      %dma_wait3A_62 = tpu.memref_slice %arg4[%mul3A_16] : memref<320000xi32, #tpu.memory_space<hbm>> -> memref<128xi32, #tpu.memory_space<hbm>>
      %dma_wait3A_63 = arith.constant 0 : i32
      %dma_wait3A_64 = tpu.memref_slice %arg10[%run_scoped3A_17, %dma_wait3A_63] : memref<3x128xi32, #tpu.memory_space<vmem>> -> memref<1x128xi32, #tpu.memory_space<vmem>>
      %dma_wait3A_65 = tpu.memref_squeeze %dma_wait3A_64 : memref<1x128xi32, #tpu.memory_space<vmem>> -> memref<128xi32, #tpu.memory_space<vmem>>
      %dma_wait3A_66 = tpu.memref_slice %arg4[%mul3A_16] : memref<320000xi32, #tpu.memory_space<hbm>> -> memref<128xi32, #tpu.memory_space<hbm>>
      tpu.wait_dma2 semaphore(%run_scoped3A_51 : memref<!tpu.dma_semaphore, #tpu.memory_space<semaphore_mem>>) src(%dma_wait3A_66 : memref<128xi32, #tpu.memory_space<hbm>>) dst(%dma_wait3A_65 : memref<128xi32, #tpu.memory_space<vmem>>)
      tpu.yield
    }) : () -> ()
    %add3A_18 = arith.constant 2 : i32
    %add3A_19 = arith.addi %mul3A_2, %add3A_18 : i32
    %mul3A_20 = arith.constant 128 : i32
    %mul3A_21 = arith.muli %add3A_19, %mul3A_20 : i32
    %run_scoped3A_22 = arith.constant 2 : i32
    "tpu.region"() ({
      %run_scoped3A_51 = tpu.sem_alloc : memref<!tpu.dma_semaphore, #tpu.memory_space<semaphore_mem>>
      %dma_start3A_52 = arith.constant 0 : i32
      %dma_start3A_53 = tpu.memref_slice %arg10[%run_scoped3A_22, %dma_start3A_52] : memref<3x128xi32, #tpu.memory_space<vmem>> -> memref<1x128xi32, #tpu.memory_space<vmem>>
      %dma_start3A_54 = tpu.memref_squeeze %dma_start3A_53 : memref<1x128xi32, #tpu.memory_space<vmem>> -> memref<128xi32, #tpu.memory_space<vmem>>
      %dma_start3A_55 = tpu.memref_slice %arg4[%mul3A_21] : memref<320000xi32, #tpu.memory_space<hbm>> -> memref<128xi32, #tpu.memory_space<hbm>>
      %dma_start3A_56 = arith.constant 0 : i32
      %dma_start3A_57 = tpu.memref_slice %arg10[%run_scoped3A_22, %dma_start3A_56] : memref<3x128xi32, #tpu.memory_space<vmem>> -> memref<1x128xi32, #tpu.memory_space<vmem>>
      %dma_start3A_58 = tpu.memref_squeeze %dma_start3A_57 : memref<1x128xi32, #tpu.memory_space<vmem>> -> memref<128xi32, #tpu.memory_space<vmem>>
      %dma_start3A_59 = tpu.memref_slice %arg4[%mul3A_21] : memref<320000xi32, #tpu.memory_space<hbm>> -> memref<128xi32, #tpu.memory_space<hbm>>
      tpu.enqueue_dma source(%dma_start3A_59 : memref<128xi32, #tpu.memory_space<hbm>>) target(%dma_start3A_58 : memref<128xi32, #tpu.memory_space<vmem>>) target_semaphore(%run_scoped3A_51 : memref<!tpu.dma_semaphore, #tpu.memory_space<semaphore_mem>>)
      %dma_wait3A = arith.constant 0 : i32
      %dma_wait3A_60 = tpu.memref_slice %arg10[%run_scoped3A_22, %dma_wait3A] : memref<3x128xi32, #tpu.memory_space<vmem>> -> memref<1x128xi32, #tpu.memory_space<vmem>>
      %dma_wait3A_61 = tpu.memref_squeeze %dma_wait3A_60 : memref<1x128xi32, #tpu.memory_space<vmem>> -> memref<128xi32, #tpu.memory_space<vmem>>
      %dma_wait3A_62 = tpu.memref_slice %arg4[%mul3A_21] : memref<320000xi32, #tpu.memory_space<hbm>> -> memref<128xi32, #tpu.memory_space<hbm>>
      %dma_wait3A_63 = arith.constant 0 : i32
      %dma_wait3A_64 = tpu.memref_slice %arg10[%run_scoped3A_22, %dma_wait3A_63] : memref<3x128xi32, #tpu.memory_space<vmem>> -> memref<1x128xi32, #tpu.memory_space<vmem>>
      %dma_wait3A_65 = tpu.memref_squeeze %dma_wait3A_64 : memref<1x128xi32, #tpu.memory_space<vmem>> -> memref<128xi32, #tpu.memory_space<vmem>>
      %dma_wait3A_66 = tpu.memref_slice %arg4[%mul3A_21] : memref<320000xi32, #tpu.memory_space<hbm>> -> memref<128xi32, #tpu.memory_space<hbm>>
      tpu.wait_dma2 semaphore(%run_scoped3A_51 : memref<!tpu.dma_semaphore, #tpu.memory_space<semaphore_mem>>) src(%dma_wait3A_66 : memref<128xi32, #tpu.memory_space<hbm>>) dst(%dma_wait3A_65 : memref<128xi32, #tpu.memory_space<vmem>>)
      tpu.yield
    }) : () -> ()
    %barrier3A = arith.constant 0 : index
    tpu.barrier barrier_id(%barrier3A)
    %dma_start3A = arith.constant 0 : i32
    %dma_start3A_23 = tpu.memref_slice %arg8[%dma_start3A] : memref<384xi32, #tpu.memory_space<vmem>> -> memref<128xi32, #tpu.memory_space<vmem>>
    %dma_start3A_24 = arith.constant 0 : i32
    %dma_start3A_25 = arith.constant 0 : i32
    %dma_start3A_26 = tpu.memref_slice %arg2[%dma_start3A_24, %dma_start3A_25] : memref<10000x128xf32, #tpu.memory_space<hbm>> -> memref<10000x128xf32, #tpu.memory_space<hbm>>
    tpu.enqueue_indirect_dma source(%dma_start3A_26 : memref<10000x128xf32, #tpu.memory_space<hbm>>) target(%arg12 : memref<128x128xf32, #tpu.memory_space<vmem>>) offsets(%dma_start3A_23 : memref<128xi32, #tpu.memory_space<vmem>>) semaphore(%arg15 : memref<!tpu.dma_semaphore, #tpu.memory_space<semaphore_mem>>)
    %dma_start3A_27 = arith.constant 128 : i32
    %dma_start3A_28 = tpu.memref_slice %arg8[%dma_start3A_27] : memref<384xi32, #tpu.memory_space<vmem>> -> memref<128xi32, #tpu.memory_space<vmem>>
    %dma_start3A_29 = arith.constant 0 : i32
    %dma_start3A_30 = arith.constant 0 : i32
    %dma_start3A_31 = tpu.memref_slice %arg2[%dma_start3A_29, %dma_start3A_30] : memref<10000x128xf32, #tpu.memory_space<hbm>> -> memref<10000x128xf32, #tpu.memory_space<hbm>>
    tpu.enqueue_indirect_dma source(%dma_start3A_31 : memref<10000x128xf32, #tpu.memory_space<hbm>>) target(%arg13 : memref<128x128xf32, #tpu.memory_space<vmem>>) offsets(%dma_start3A_28 : memref<128xi32, #tpu.memory_space<vmem>>) semaphore(%arg16 : memref<!tpu.dma_semaphore, #tpu.memory_space<semaphore_mem>>)
    %dma_start3A_32 = arith.constant 256 : i32
    %dma_start3A_33 = tpu.memref_slice %arg8[%dma_start3A_32] : memref<384xi32, #tpu.memory_space<vmem>> -> memref<128xi32, #tpu.memory_space<vmem>>
    %dma_start3A_34 = arith.constant 0 : i32
    %dma_start3A_35 = arith.constant 0 : i32
    %dma_start3A_36 = tpu.memref_slice %arg2[%dma_start3A_34, %dma_start3A_35] : memref<10000x128xf32, #tpu.memory_space<hbm>> -> memref<10000x128xf32, #tpu.memory_space<hbm>>
    tpu.enqueue_indirect_dma source(%dma_start3A_36 : memref<10000x128xf32, #tpu.memory_space<hbm>>) target(%arg14 : memref<128x128xf32, #tpu.memory_space<vmem>>) offsets(%dma_start3A_33 : memref<128xi32, #tpu.memory_space<vmem>>) semaphore(%arg17 : memref<!tpu.dma_semaphore, #tpu.memory_space<semaphore_mem>>)
    %scan3A = arith.constant 0 : i32
    %scan3A_37 = arith.constant 13 : i32
    %scan3A_38 = arith.addi %scan3A, %scan3A_37 : i32
    %scan3A_39 = arith.constant 1 : i32
    scf.for %scan3A_51 = %scan3A to %scan3A_38 step %scan3A_39  : i32 {
      %mul3A_52 = arith.constant 2 : i32
      %mul3A_53 = arith.muli %mul3A_52, %scan3A_51 : i32
      %add3A_54 = arith.constant 1 : i32
      %add3A_55 = arith.addi %mul3A_53, %add3A_54 : i32
      %lt3A_56 = arith.constant 26 : i32
      %lt3A_57 = arith.cmpi slt, %add3A_55, %lt3A_56 : i32
      %convert_element_type3A_58 = arith.extui %lt3A_57 : i1 to i32
      %cond3A_59 = arith.constant 0 : i32
      %cond3A_60 = arith.cmpi ne, %convert_element_type3A_58, %cond3A_59 : i32
      scf.if %cond3A_60 {
        %add3A_155 = arith.constant 1 : i32
        %add3A_156 = arith.addi %mul3A_53, %add3A_155 : i32
        %mul3A_157 = arith.constant 3 : i32
        %mul3A_158 = arith.muli %add3A_156, %mul3A_157 : i32
        %add3A_159 = arith.addi %mul3A_2, %mul3A_158 : i32
        %mul3A_160 = arith.constant 128 : i32
        %mul3A_161 = arith.muli %add3A_159, %mul3A_160 : i32
        %dma_start3A_162 = tpu.memref_slice %arg3[%mul3A_161] : memref<320000xi32, #tpu.memory_space<hbm>> -> memref<384xi32, #tpu.memory_space<hbm>>
        %dma_start3A_163 = tpu.memref_slice %arg3[%mul3A_161] : memref<320000xi32, #tpu.memory_space<hbm>> -> memref<384xi32, #tpu.memory_space<hbm>>
        tpu.enqueue_dma source(%dma_start3A_163 : memref<384xi32, #tpu.memory_space<hbm>>) target(%arg9 : memref<384xi32, #tpu.memory_space<vmem>>) target_semaphore(%arg19 : memref<!tpu.dma_semaphore, #tpu.memory_space<semaphore_mem>>)
        %add3A_164 = arith.constant 0 : i32
        %add3A_165 = arith.addi %mul3A_161, %add3A_164 : i32
        %dma_start3A_166 = arith.constant 0 : i32
        %dma_start3A_167 = arith.constant 0 : i32
        %dma_start3A_168 = tpu.memref_slice %arg11[%dma_start3A_166, %dma_start3A_167] : memref<3x128xi32, #tpu.memory_space<vmem>> -> memref<1x128xi32, #tpu.memory_space<vmem>>
        %dma_start3A_169 = tpu.memref_squeeze %dma_start3A_168 : memref<1x128xi32, #tpu.memory_space<vmem>> -> memref<128xi32, #tpu.memory_space<vmem>>
        %dma_start3A_170 = tpu.memref_slice %arg4[%add3A_165] : memref<320000xi32, #tpu.memory_space<hbm>> -> memref<128xi32, #tpu.memory_space<hbm>>
        %dma_start3A_171 = arith.constant 0 : i32
        %dma_start3A_172 = tpu.memref_slice %arg11[%dma_start3A_166, %dma_start3A_171] : memref<3x128xi32, #tpu.memory_space<vmem>> -> memref<1x128xi32, #tpu.memory_space<vmem>>
        %dma_start3A_173 = tpu.memref_squeeze %dma_start3A_172 : memref<1x128xi32, #tpu.memory_space<vmem>> -> memref<128xi32, #tpu.memory_space<vmem>>
        %dma_start3A_174 = tpu.memref_slice %arg4[%add3A_165] : memref<320000xi32, #tpu.memory_space<hbm>> -> memref<128xi32, #tpu.memory_space<hbm>>
        tpu.enqueue_dma source(%dma_start3A_174 : memref<128xi32, #tpu.memory_space<hbm>>) target(%dma_start3A_173 : memref<128xi32, #tpu.memory_space<vmem>>) target_semaphore(%arg19 : memref<!tpu.dma_semaphore, #tpu.memory_space<semaphore_mem>>)
        %add3A_175 = arith.constant 128 : i32
        %add3A_176 = arith.addi %mul3A_161, %add3A_175 : i32
        %dma_start3A_177 = arith.constant 1 : i32
        %dma_start3A_178 = arith.constant 0 : i32
        %dma_start3A_179 = tpu.memref_slice %arg11[%dma_start3A_177, %dma_start3A_178] : memref<3x128xi32, #tpu.memory_space<vmem>> -> memref<1x128xi32, #tpu.memory_space<vmem>>
        %dma_start3A_180 = tpu.memref_squeeze %dma_start3A_179 : memref<1x128xi32, #tpu.memory_space<vmem>> -> memref<128xi32, #tpu.memory_space<vmem>>
        %dma_start3A_181 = tpu.memref_slice %arg4[%add3A_176] : memref<320000xi32, #tpu.memory_space<hbm>> -> memref<128xi32, #tpu.memory_space<hbm>>
        %dma_start3A_182 = arith.constant 0 : i32
        %dma_start3A_183 = tpu.memref_slice %arg11[%dma_start3A_177, %dma_start3A_182] : memref<3x128xi32, #tpu.memory_space<vmem>> -> memref<1x128xi32, #tpu.memory_space<vmem>>
        %dma_start3A_184 = tpu.memref_squeeze %dma_start3A_183 : memref<1x128xi32, #tpu.memory_space<vmem>> -> memref<128xi32, #tpu.memory_space<vmem>>
        %dma_start3A_185 = tpu.memref_slice %arg4[%add3A_176] : memref<320000xi32, #tpu.memory_space<hbm>> -> memref<128xi32, #tpu.memory_space<hbm>>
        tpu.enqueue_dma source(%dma_start3A_185 : memref<128xi32, #tpu.memory_space<hbm>>) target(%dma_start3A_184 : memref<128xi32, #tpu.memory_space<vmem>>) target_semaphore(%arg19 : memref<!tpu.dma_semaphore, #tpu.memory_space<semaphore_mem>>)
        %add3A_186 = arith.constant 256 : i32
        %add3A_187 = arith.addi %mul3A_161, %add3A_186 : i32
        %dma_start3A_188 = arith.constant 2 : i32
        %dma_start3A_189 = arith.constant 0 : i32
        %dma_start3A_190 = tpu.memref_slice %arg11[%dma_start3A_188, %dma_start3A_189] : memref<3x128xi32, #tpu.memory_space<vmem>> -> memref<1x128xi32, #tpu.memory_space<vmem>>
        %dma_start3A_191 = tpu.memref_squeeze %dma_start3A_190 : memref<1x128xi32, #tpu.memory_space<vmem>> -> memref<128xi32, #tpu.memory_space<vmem>>
        %dma_start3A_192 = tpu.memref_slice %arg4[%add3A_187] : memref<320000xi32, #tpu.memory_space<hbm>> -> memref<128xi32, #tpu.memory_space<hbm>>
        %dma_start3A_193 = arith.constant 0 : i32
        %dma_start3A_194 = tpu.memref_slice %arg11[%dma_start3A_188, %dma_start3A_193] : memref<3x128xi32, #tpu.memory_space<vmem>> -> memref<1x128xi32, #tpu.memory_space<vmem>>
        %dma_start3A_195 = tpu.memref_squeeze %dma_start3A_194 : memref<1x128xi32, #tpu.memory_space<vmem>> -> memref<128xi32, #tpu.memory_space<vmem>>
        %dma_start3A_196 = tpu.memref_slice %arg4[%add3A_187] : memref<320000xi32, #tpu.memory_space<hbm>> -> memref<128xi32, #tpu.memory_space<hbm>>
        tpu.enqueue_dma source(%dma_start3A_196 : memref<128xi32, #tpu.memory_space<hbm>>) target(%dma_start3A_195 : memref<128xi32, #tpu.memory_space<vmem>>) target_semaphore(%arg19 : memref<!tpu.dma_semaphore, #tpu.memory_space<semaphore_mem>>)
      } else {
      }
      %dma_wait3A = arith.constant 0 : i32
      %dma_wait3A_61 = arith.constant 0 : i32
      %dma_wait3A_62 = tpu.memref_slice %arg2[%dma_wait3A, %dma_wait3A_61] : memref<10000x128xf32, #tpu.memory_space<hbm>> -> memref<128x128xf32, #tpu.memory_space<hbm>>
      %dma_wait3A_63 = arith.constant 0 : i32
      %dma_wait3A_64 = arith.constant 0 : i32
      %dma_wait3A_65 = tpu.memref_slice %arg2[%dma_wait3A_63, %dma_wait3A_64] : memref<10000x128xf32, #tpu.memory_space<hbm>> -> memref<128x128xf32, #tpu.memory_space<hbm>>
      tpu.wait_dma2 semaphore(%arg15 : memref<!tpu.dma_semaphore, #tpu.memory_space<semaphore_mem>>) src(%dma_wait3A_65 : memref<128x128xf32, #tpu.memory_space<hbm>>) dst(%arg12 : memref<128x128xf32, #tpu.memory_space<vmem>>)
      %run_scoped3A_66 = arith.constant 0 : i32
      "tpu.region"() ({
        %run_scoped3A_155 = tpu.sem_alloc : memref<!tpu.dma_semaphore, #tpu.memory_space<semaphore_mem>>
        %dma_start3A_156 = arith.constant 0 : i32
        %dma_start3A_157 = tpu.memref_slice %arg10[%run_scoped3A_66, %dma_start3A_156] : memref<3x128xi32, #tpu.memory_space<vmem>> -> memref<1x128xi32, #tpu.memory_space<vmem>>
        %dma_start3A_158 = tpu.memref_squeeze %dma_start3A_157 : memref<1x128xi32, #tpu.memory_space<vmem>> -> memref<128xi32, #tpu.memory_space<vmem>>
        %dma_start3A_159 = arith.constant 0 : i32
        %dma_start3A_160 = arith.constant 0 : i32
        %dma_start3A_161 = tpu.memref_slice %arg7[%dma_start3A_159, %dma_start3A_160] : memref<10000x128xf32, #tpu.memory_space<vmem_shared>> -> memref<10000x128xf32, #tpu.memory_space<vmem_shared>>
        tpu.enqueue_indirect_dma source(%arg12 : memref<128x128xf32, #tpu.memory_space<vmem>>) target(%dma_start3A_161 : memref<10000x128xf32, #tpu.memory_space<vmem_shared>>) offsets(%dma_start3A_158 : memref<128xi32, #tpu.memory_space<vmem>>) semaphore(%run_scoped3A_155 : memref<!tpu.dma_semaphore, #tpu.memory_space<semaphore_mem>>) {add = true}
        %dma_wait3A_162 = arith.constant 0 : i32
        %dma_wait3A_163 = tpu.memref_slice %arg10[%run_scoped3A_66, %dma_wait3A_162] : memref<3x128xi32, #tpu.memory_space<vmem>> -> memref<1x128xi32, #tpu.memory_space<vmem>>
        %dma_wait3A_164 = tpu.memref_squeeze %dma_wait3A_163 : memref<1x128xi32, #tpu.memory_space<vmem>> -> memref<128xi32, #tpu.memory_space<vmem>>
        %dma_wait3A_165 = arith.constant 0 : i32
        %dma_wait3A_166 = arith.constant 0 : i32
        %dma_wait3A_167 = tpu.memref_slice %arg7[%dma_wait3A_165, %dma_wait3A_166] : memref<10000x128xf32, #tpu.memory_space<vmem_shared>> -> memref<10000x128xf32, #tpu.memory_space<vmem_shared>>
        tpu.wait_indirect_dma semaphore(%run_scoped3A_155 : memref<!tpu.dma_semaphore, #tpu.memory_space<semaphore_mem>>) src(%arg12 : memref<128x128xf32, #tpu.memory_space<vmem>>) dst(%dma_wait3A_167 : memref<10000x128xf32, #tpu.memory_space<vmem_shared>>)
        tpu.yield
      }) : () -> ()
      %add3A_67 = arith.constant 1 : i32
      %add3A_68 = arith.addi %mul3A_53, %add3A_67 : i32
      %lt3A_69 = arith.constant 26 : i32
      %lt3A_70 = arith.cmpi slt, %add3A_68, %lt3A_69 : i32
      %convert_element_type3A_71 = arith.extui %lt3A_70 : i1 to i32
      %cond3A_72 = arith.constant 0 : i32
      %cond3A_73 = arith.cmpi ne, %convert_element_type3A_71, %cond3A_72 : i32
      scf.if %cond3A_73 {
        %dma_wait3A_155 = arith.constant 0 : i32
        %dma_wait3A_156 = tpu.memref_slice %arg3[%dma_wait3A_155] : memref<320000xi32, #tpu.memory_space<hbm>> -> memref<384xi32, #tpu.memory_space<hbm>>
        %dma_wait3A_157 = arith.constant 0 : i32
        %dma_wait3A_158 = tpu.memref_slice %arg3[%dma_wait3A_157] : memref<320000xi32, #tpu.memory_space<hbm>> -> memref<384xi32, #tpu.memory_space<hbm>>
        tpu.wait_dma2 semaphore(%arg19 : memref<!tpu.dma_semaphore, #tpu.memory_space<semaphore_mem>>) src(%dma_wait3A_158 : memref<384xi32, #tpu.memory_space<hbm>>) dst(%arg9 : memref<384xi32, #tpu.memory_space<vmem>>)
        %dma_wait3A_159 = arith.constant 0 : i32
        %dma_wait3A_160 = arith.constant 0 : i32
        %dma_wait3A_161 = tpu.memref_slice %arg11[%dma_wait3A_159, %dma_wait3A_160] : memref<3x128xi32, #tpu.memory_space<vmem>> -> memref<1x128xi32, #tpu.memory_space<vmem>>
        %dma_wait3A_162 = tpu.memref_squeeze %dma_wait3A_161 : memref<1x128xi32, #tpu.memory_space<vmem>> -> memref<128xi32, #tpu.memory_space<vmem>>
        %dma_wait3A_163 = arith.constant 0 : i32
        %dma_wait3A_164 = tpu.memref_slice %arg3[%dma_wait3A_163] : memref<320000xi32, #tpu.memory_space<hbm>> -> memref<128xi32, #tpu.memory_space<hbm>>
        %dma_wait3A_165 = arith.constant 0 : i32
        %dma_wait3A_166 = tpu.memref_slice %arg11[%dma_wait3A_159, %dma_wait3A_165] : memref<3x128xi32, #tpu.memory_space<vmem>> -> memref<1x128xi32, #tpu.memory_space<vmem>>
        %dma_wait3A_167 = tpu.memref_squeeze %dma_wait3A_166 : memref<1x128xi32, #tpu.memory_space<vmem>> -> memref<128xi32, #tpu.memory_space<vmem>>
        %dma_wait3A_168 = arith.constant 0 : i32
        %dma_wait3A_169 = tpu.memref_slice %arg3[%dma_wait3A_168] : memref<320000xi32, #tpu.memory_space<hbm>> -> memref<128xi32, #tpu.memory_space<hbm>>
        tpu.wait_dma2 semaphore(%arg19 : memref<!tpu.dma_semaphore, #tpu.memory_space<semaphore_mem>>) src(%dma_wait3A_169 : memref<128xi32, #tpu.memory_space<hbm>>) dst(%dma_wait3A_167 : memref<128xi32, #tpu.memory_space<vmem>>)
        %dma_wait3A_170 = arith.constant 1 : i32
        %dma_wait3A_171 = arith.constant 0 : i32
        %dma_wait3A_172 = tpu.memref_slice %arg11[%dma_wait3A_170, %dma_wait3A_171] : memref<3x128xi32, #tpu.memory_space<vmem>> -> memref<1x128xi32, #tpu.memory_space<vmem>>
        %dma_wait3A_173 = tpu.memref_squeeze %dma_wait3A_172 : memref<1x128xi32, #tpu.memory_space<vmem>> -> memref<128xi32, #tpu.memory_space<vmem>>
        %dma_wait3A_174 = arith.constant 0 : i32
        %dma_wait3A_175 = tpu.memref_slice %arg3[%dma_wait3A_174] : memref<320000xi32, #tpu.memory_space<hbm>> -> memref<128xi32, #tpu.memory_space<hbm>>
        %dma_wait3A_176 = arith.constant 0 : i32
        %dma_wait3A_177 = tpu.memref_slice %arg11[%dma_wait3A_170, %dma_wait3A_176] : memref<3x128xi32, #tpu.memory_space<vmem>> -> memref<1x128xi32, #tpu.memory_space<vmem>>
        %dma_wait3A_178 = tpu.memref_squeeze %dma_wait3A_177 : memref<1x128xi32, #tpu.memory_space<vmem>> -> memref<128xi32, #tpu.memory_space<vmem>>
        %dma_wait3A_179 = arith.constant 0 : i32
        %dma_wait3A_180 = tpu.memref_slice %arg3[%dma_wait3A_179] : memref<320000xi32, #tpu.memory_space<hbm>> -> memref<128xi32, #tpu.memory_space<hbm>>
        tpu.wait_dma2 semaphore(%arg19 : memref<!tpu.dma_semaphore, #tpu.memory_space<semaphore_mem>>) src(%dma_wait3A_180 : memref<128xi32, #tpu.memory_space<hbm>>) dst(%dma_wait3A_178 : memref<128xi32, #tpu.memory_space<vmem>>)
        %dma_wait3A_181 = arith.constant 2 : i32
        %dma_wait3A_182 = arith.constant 0 : i32
        %dma_wait3A_183 = tpu.memref_slice %arg11[%dma_wait3A_181, %dma_wait3A_182] : memref<3x128xi32, #tpu.memory_space<vmem>> -> memref<1x128xi32, #tpu.memory_space<vmem>>
        %dma_wait3A_184 = tpu.memref_squeeze %dma_wait3A_183 : memref<1x128xi32, #tpu.memory_space<vmem>> -> memref<128xi32, #tpu.memory_space<vmem>>
        %dma_wait3A_185 = arith.constant 0 : i32
        %dma_wait3A_186 = tpu.memref_slice %arg3[%dma_wait3A_185] : memref<320000xi32, #tpu.memory_space<hbm>> -> memref<128xi32, #tpu.memory_space<hbm>>
        %dma_wait3A_187 = arith.constant 0 : i32
        %dma_wait3A_188 = tpu.memref_slice %arg11[%dma_wait3A_181, %dma_wait3A_187] : memref<3x128xi32, #tpu.memory_space<vmem>> -> memref<1x128xi32, #tpu.memory_space<vmem>>
        %dma_wait3A_189 = tpu.memref_squeeze %dma_wait3A_188 : memref<1x128xi32, #tpu.memory_space<vmem>> -> memref<128xi32, #tpu.memory_space<vmem>>
        %dma_wait3A_190 = arith.constant 0 : i32
        %dma_wait3A_191 = tpu.memref_slice %arg3[%dma_wait3A_190] : memref<320000xi32, #tpu.memory_space<hbm>> -> memref<128xi32, #tpu.memory_space<hbm>>
        tpu.wait_dma2 semaphore(%arg19 : memref<!tpu.dma_semaphore, #tpu.memory_space<semaphore_mem>>) src(%dma_wait3A_191 : memref<128xi32, #tpu.memory_space<hbm>>) dst(%dma_wait3A_189 : memref<128xi32, #tpu.memory_space<vmem>>)
        %dma_start3A_192 = arith.constant 0 : i32
        %dma_start3A_193 = tpu.memref_slice %arg9[%dma_start3A_192] : memref<384xi32, #tpu.memory_space<vmem>> -> memref<128xi32, #tpu.memory_space<vmem>>
        %dma_start3A_194 = arith.constant 0 : i32
        %dma_start3A_195 = arith.constant 0 : i32
        %dma_start3A_196 = tpu.memref_slice %arg2[%dma_start3A_194, %dma_start3A_195] : memref<10000x128xf32, #tpu.memory_space<hbm>> -> memref<10000x128xf32, #tpu.memory_space<hbm>>
        tpu.enqueue_indirect_dma source(%dma_start3A_196 : memref<10000x128xf32, #tpu.memory_space<hbm>>) target(%arg12 : memref<128x128xf32, #tpu.memory_space<vmem>>) offsets(%dma_start3A_193 : memref<128xi32, #tpu.memory_space<vmem>>) semaphore(%arg15 : memref<!tpu.dma_semaphore, #tpu.memory_space<semaphore_mem>>)
      } else {
      }
      %dma_wait3A_74 = arith.constant 0 : i32
      %dma_wait3A_75 = arith.constant 0 : i32
      %dma_wait3A_76 = tpu.memref_slice %arg2[%dma_wait3A_74, %dma_wait3A_75] : memref<10000x128xf32, #tpu.memory_space<hbm>> -> memref<128x128xf32, #tpu.memory_space<hbm>>
      %dma_wait3A_77 = arith.constant 0 : i32
      %dma_wait3A_78 = arith.constant 0 : i32
      %dma_wait3A_79 = tpu.memref_slice %arg2[%dma_wait3A_77, %dma_wait3A_78] : memref<10000x128xf32, #tpu.memory_space<hbm>> -> memref<128x128xf32, #tpu.memory_space<hbm>>
      tpu.wait_dma2 semaphore(%arg16 : memref<!tpu.dma_semaphore, #tpu.memory_space<semaphore_mem>>) src(%dma_wait3A_79 : memref<128x128xf32, #tpu.memory_space<hbm>>) dst(%arg13 : memref<128x128xf32, #tpu.memory_space<vmem>>)
      %run_scoped3A_80 = arith.constant 1 : i32
      "tpu.region"() ({
        %run_scoped3A_155 = tpu.sem_alloc : memref<!tpu.dma_semaphore, #tpu.memory_space<semaphore_mem>>
        %dma_start3A_156 = arith.constant 0 : i32
        %dma_start3A_157 = tpu.memref_slice %arg10[%run_scoped3A_80, %dma_start3A_156] : memref<3x128xi32, #tpu.memory_space<vmem>> -> memref<1x128xi32, #tpu.memory_space<vmem>>
        %dma_start3A_158 = tpu.memref_squeeze %dma_start3A_157 : memref<1x128xi32, #tpu.memory_space<vmem>> -> memref<128xi32, #tpu.memory_space<vmem>>
        %dma_start3A_159 = arith.constant 0 : i32
        %dma_start3A_160 = arith.constant 0 : i32
        %dma_start3A_161 = tpu.memref_slice %arg7[%dma_start3A_159, %dma_start3A_160] : memref<10000x128xf32, #tpu.memory_space<vmem_shared>> -> memref<10000x128xf32, #tpu.memory_space<vmem_shared>>
        tpu.enqueue_indirect_dma source(%arg13 : memref<128x128xf32, #tpu.memory_space<vmem>>) target(%dma_start3A_161 : memref<10000x128xf32, #tpu.memory_space<vmem_shared>>) offsets(%dma_start3A_158 : memref<128xi32, #tpu.memory_space<vmem>>) semaphore(%run_scoped3A_155 : memref<!tpu.dma_semaphore, #tpu.memory_space<semaphore_mem>>) {add = true}
        %dma_wait3A_162 = arith.constant 0 : i32
        %dma_wait3A_163 = tpu.memref_slice %arg10[%run_scoped3A_80, %dma_wait3A_162] : memref<3x128xi32, #tpu.memory_space<vmem>> -> memref<1x128xi32, #tpu.memory_space<vmem>>
        %dma_wait3A_164 = tpu.memref_squeeze %dma_wait3A_163 : memref<1x128xi32, #tpu.memory_space<vmem>> -> memref<128xi32, #tpu.memory_space<vmem>>
        %dma_wait3A_165 = arith.constant 0 : i32
        %dma_wait3A_166 = arith.constant 0 : i32
        %dma_wait3A_167 = tpu.memref_slice %arg7[%dma_wait3A_165, %dma_wait3A_166] : memref<10000x128xf32, #tpu.memory_space<vmem_shared>> -> memref<10000x128xf32, #tpu.memory_space<vmem_shared>>
        tpu.wait_indirect_dma semaphore(%run_scoped3A_155 : memref<!tpu.dma_semaphore, #tpu.memory_space<semaphore_mem>>) src(%arg13 : memref<128x128xf32, #tpu.memory_space<vmem>>) dst(%dma_wait3A_167 : memref<10000x128xf32, #tpu.memory_space<vmem_shared>>)
        tpu.yield
      }) : () -> ()
      %add3A_81 = arith.constant 1 : i32
      %add3A_82 = arith.addi %mul3A_53, %add3A_81 : i32
      %lt3A_83 = arith.constant 26 : i32
      %lt3A_84 = arith.cmpi slt, %add3A_82, %lt3A_83 : i32
      %convert_element_type3A_85 = arith.extui %lt3A_84 : i1 to i32
      %cond3A_86 = arith.constant 0 : i32
      %cond3A_87 = arith.cmpi ne, %convert_element_type3A_85, %cond3A_86 : i32
      scf.if %cond3A_87 {
        %dma_start3A_155 = arith.constant 128 : i32
        %dma_start3A_156 = tpu.memref_slice %arg9[%dma_start3A_155] : memref<384xi32, #tpu.memory_space<vmem>> -> memref<128xi32, #tpu.memory_space<vmem>>
        %dma_start3A_157 = arith.constant 0 : i32
        %dma_start3A_158 = arith.constant 0 : i32
        %dma_start3A_159 = tpu.memref_slice %arg2[%dma_start3A_157, %dma_start3A_158] : memref<10000x128xf32, #tpu.memory_space<hbm>> -> memref<10000x128xf32, #tpu.memory_space<hbm>>
        tpu.enqueue_indirect_dma source(%dma_start3A_159 : memref<10000x128xf32, #tpu.memory_space<hbm>>) target(%arg13 : memref<128x128xf32, #tpu.memory_space<vmem>>) offsets(%dma_start3A_156 : memref<128xi32, #tpu.memory_space<vmem>>) semaphore(%arg16 : memref<!tpu.dma_semaphore, #tpu.memory_space<semaphore_mem>>)
      } else {
      }
      %dma_wait3A_88 = arith.constant 0 : i32
      %dma_wait3A_89 = arith.constant 0 : i32
      %dma_wait3A_90 = tpu.memref_slice %arg2[%dma_wait3A_88, %dma_wait3A_89] : memref<10000x128xf32, #tpu.memory_space<hbm>> -> memref<128x128xf32, #tpu.memory_space<hbm>>
      %dma_wait3A_91 = arith.constant 0 : i32
      %dma_wait3A_92 = arith.constant 0 : i32
      %dma_wait3A_93 = tpu.memref_slice %arg2[%dma_wait3A_91, %dma_wait3A_92] : memref<10000x128xf32, #tpu.memory_space<hbm>> -> memref<128x128xf32, #tpu.memory_space<hbm>>
      tpu.wait_dma2 semaphore(%arg17 : memref<!tpu.dma_semaphore, #tpu.memory_space<semaphore_mem>>) src(%dma_wait3A_93 : memref<128x128xf32, #tpu.memory_space<hbm>>) dst(%arg14 : memref<128x128xf32, #tpu.memory_space<vmem>>)
      %run_scoped3A_94 = arith.constant 2 : i32
      "tpu.region"() ({
        %run_scoped3A_155 = tpu.sem_alloc : memref<!tpu.dma_semaphore, #tpu.memory_space<semaphore_mem>>
        %dma_start3A_156 = arith.constant 0 : i32
        %dma_start3A_157 = tpu.memref_slice %arg10[%run_scoped3A_94, %dma_start3A_156] : memref<3x128xi32, #tpu.memory_space<vmem>> -> memref<1x128xi32, #tpu.memory_space<vmem>>
        %dma_start3A_158 = tpu.memref_squeeze %dma_start3A_157 : memref<1x128xi32, #tpu.memory_space<vmem>> -> memref<128xi32, #tpu.memory_space<vmem>>
        %dma_start3A_159 = arith.constant 0 : i32
        %dma_start3A_160 = arith.constant 0 : i32
        %dma_start3A_161 = tpu.memref_slice %arg7[%dma_start3A_159, %dma_start3A_160] : memref<10000x128xf32, #tpu.memory_space<vmem_shared>> -> memref<10000x128xf32, #tpu.memory_space<vmem_shared>>
        tpu.enqueue_indirect_dma source(%arg14 : memref<128x128xf32, #tpu.memory_space<vmem>>) target(%dma_start3A_161 : memref<10000x128xf32, #tpu.memory_space<vmem_shared>>) offsets(%dma_start3A_158 : memref<128xi32, #tpu.memory_space<vmem>>) semaphore(%run_scoped3A_155 : memref<!tpu.dma_semaphore, #tpu.memory_space<semaphore_mem>>) {add = true}
        %dma_wait3A_162 = arith.constant 0 : i32
        %dma_wait3A_163 = tpu.memref_slice %arg10[%run_scoped3A_94, %dma_wait3A_162] : memref<3x128xi32, #tpu.memory_space<vmem>> -> memref<1x128xi32, #tpu.memory_space<vmem>>
        %dma_wait3A_164 = tpu.memref_squeeze %dma_wait3A_163 : memref<1x128xi32, #tpu.memory_space<vmem>> -> memref<128xi32, #tpu.memory_space<vmem>>
        %dma_wait3A_165 = arith.constant 0 : i32
        %dma_wait3A_166 = arith.constant 0 : i32
        %dma_wait3A_167 = tpu.memref_slice %arg7[%dma_wait3A_165, %dma_wait3A_166] : memref<10000x128xf32, #tpu.memory_space<vmem_shared>> -> memref<10000x128xf32, #tpu.memory_space<vmem_shared>>
        tpu.wait_indirect_dma semaphore(%run_scoped3A_155 : memref<!tpu.dma_semaphore, #tpu.memory_space<semaphore_mem>>) src(%arg14 : memref<128x128xf32, #tpu.memory_space<vmem>>) dst(%dma_wait3A_167 : memref<10000x128xf32, #tpu.memory_space<vmem_shared>>)
        tpu.yield
      }) : () -> ()
      %add3A_95 = arith.constant 1 : i32
      %add3A_96 = arith.addi %mul3A_53, %add3A_95 : i32
      %lt3A_97 = arith.constant 26 : i32
      %lt3A_98 = arith.cmpi slt, %add3A_96, %lt3A_97 : i32
      %convert_element_type3A_99 = arith.extui %lt3A_98 : i1 to i32
      %cond3A_100 = arith.constant 0 : i32
      %cond3A_101 = arith.cmpi ne, %convert_element_type3A_99, %cond3A_100 : i32
      scf.if %cond3A_101 {
        %dma_start3A_155 = arith.constant 256 : i32
        %dma_start3A_156 = tpu.memref_slice %arg9[%dma_start3A_155] : memref<384xi32, #tpu.memory_space<vmem>> -> memref<128xi32, #tpu.memory_space<vmem>>
        %dma_start3A_157 = arith.constant 0 : i32
        %dma_start3A_158 = arith.constant 0 : i32
        %dma_start3A_159 = tpu.memref_slice %arg2[%dma_start3A_157, %dma_start3A_158] : memref<10000x128xf32, #tpu.memory_space<hbm>> -> memref<10000x128xf32, #tpu.memory_space<hbm>>
        tpu.enqueue_indirect_dma source(%dma_start3A_159 : memref<10000x128xf32, #tpu.memory_space<hbm>>) target(%arg14 : memref<128x128xf32, #tpu.memory_space<vmem>>) offsets(%dma_start3A_156 : memref<128xi32, #tpu.memory_space<vmem>>) semaphore(%arg17 : memref<!tpu.dma_semaphore, #tpu.memory_space<semaphore_mem>>)
      } else {
      }
      %mul3A_102 = arith.constant 2 : i32
      %mul3A_103 = arith.muli %mul3A_102, %scan3A_51 : i32
      %add3A_104 = arith.constant 1 : i32
      %add3A_105 = arith.addi %mul3A_103, %add3A_104 : i32
      %add3A_106 = arith.constant 1 : i32
      %add3A_107 = arith.addi %add3A_105, %add3A_106 : i32
      %lt3A_108 = arith.constant 26 : i32
      %lt3A_109 = arith.cmpi slt, %add3A_107, %lt3A_108 : i32
      %convert_element_type3A_110 = arith.extui %lt3A_109 : i1 to i32
      %cond3A_111 = arith.constant 0 : i32
      %cond3A_112 = arith.cmpi ne, %convert_element_type3A_110, %cond3A_111 : i32
      scf.if %cond3A_112 {
        %add3A_155 = arith.constant 1 : i32
        %add3A_156 = arith.addi %add3A_105, %add3A_155 : i32
        %mul3A_157 = arith.constant 3 : i32
        %mul3A_158 = arith.muli %add3A_156, %mul3A_157 : i32
        %add3A_159 = arith.addi %mul3A_2, %mul3A_158 : i32
        %mul3A_160 = arith.constant 128 : i32
        %mul3A_161 = arith.muli %add3A_159, %mul3A_160 : i32
        %dma_start3A_162 = tpu.memref_slice %arg3[%mul3A_161] : memref<320000xi32, #tpu.memory_space<hbm>> -> memref<384xi32, #tpu.memory_space<hbm>>
        %dma_start3A_163 = tpu.memref_slice %arg3[%mul3A_161] : memref<320000xi32, #tpu.memory_space<hbm>> -> memref<384xi32, #tpu.memory_space<hbm>>
        tpu.enqueue_dma source(%dma_start3A_163 : memref<384xi32, #tpu.memory_space<hbm>>) target(%arg8 : memref<384xi32, #tpu.memory_space<vmem>>) target_semaphore(%arg18 : memref<!tpu.dma_semaphore, #tpu.memory_space<semaphore_mem>>)
        %add3A_164 = arith.constant 0 : i32
        %add3A_165 = arith.addi %mul3A_161, %add3A_164 : i32
        %dma_start3A_166 = arith.constant 0 : i32
        %dma_start3A_167 = arith.constant 0 : i32
        %dma_start3A_168 = tpu.memref_slice %arg10[%dma_start3A_166, %dma_start3A_167] : memref<3x128xi32, #tpu.memory_space<vmem>> -> memref<1x128xi32, #tpu.memory_space<vmem>>
        %dma_start3A_169 = tpu.memref_squeeze %dma_start3A_168 : memref<1x128xi32, #tpu.memory_space<vmem>> -> memref<128xi32, #tpu.memory_space<vmem>>
        %dma_start3A_170 = tpu.memref_slice %arg4[%add3A_165] : memref<320000xi32, #tpu.memory_space<hbm>> -> memref<128xi32, #tpu.memory_space<hbm>>
        %dma_start3A_171 = arith.constant 0 : i32
        %dma_start3A_172 = tpu.memref_slice %arg10[%dma_start3A_166, %dma_start3A_171] : memref<3x128xi32, #tpu.memory_space<vmem>> -> memref<1x128xi32, #tpu.memory_space<vmem>>
        %dma_start3A_173 = tpu.memref_squeeze %dma_start3A_172 : memref<1x128xi32, #tpu.memory_space<vmem>> -> memref<128xi32, #tpu.memory_space<vmem>>
        %dma_start3A_174 = tpu.memref_slice %arg4[%add3A_165] : memref<320000xi32, #tpu.memory_space<hbm>> -> memref<128xi32, #tpu.memory_space<hbm>>
        tpu.enqueue_dma source(%dma_start3A_174 : memref<128xi32, #tpu.memory_space<hbm>>) target(%dma_start3A_173 : memref<128xi32, #tpu.memory_space<vmem>>) target_semaphore(%arg18 : memref<!tpu.dma_semaphore, #tpu.memory_space<semaphore_mem>>)
        %add3A_175 = arith.constant 128 : i32
        %add3A_176 = arith.addi %mul3A_161, %add3A_175 : i32
        %dma_start3A_177 = arith.constant 1 : i32
        %dma_start3A_178 = arith.constant 0 : i32
        %dma_start3A_179 = tpu.memref_slice %arg10[%dma_start3A_177, %dma_start3A_178] : memref<3x128xi32, #tpu.memory_space<vmem>> -> memref<1x128xi32, #tpu.memory_space<vmem>>
        %dma_start3A_180 = tpu.memref_squeeze %dma_start3A_179 : memref<1x128xi32, #tpu.memory_space<vmem>> -> memref<128xi32, #tpu.memory_space<vmem>>
        %dma_start3A_181 = tpu.memref_slice %arg4[%add3A_176] : memref<320000xi32, #tpu.memory_space<hbm>> -> memref<128xi32, #tpu.memory_space<hbm>>
        %dma_start3A_182 = arith.constant 0 : i32
        %dma_start3A_183 = tpu.memref_slice %arg10[%dma_start3A_177, %dma_start3A_182] : memref<3x128xi32, #tpu.memory_space<vmem>> -> memref<1x128xi32, #tpu.memory_space<vmem>>
        %dma_start3A_184 = tpu.memref_squeeze %dma_start3A_183 : memref<1x128xi32, #tpu.memory_space<vmem>> -> memref<128xi32, #tpu.memory_space<vmem>>
        %dma_start3A_185 = tpu.memref_slice %arg4[%add3A_176] : memref<320000xi32, #tpu.memory_space<hbm>> -> memref<128xi32, #tpu.memory_space<hbm>>
        tpu.enqueue_dma source(%dma_start3A_185 : memref<128xi32, #tpu.memory_space<hbm>>) target(%dma_start3A_184 : memref<128xi32, #tpu.memory_space<vmem>>) target_semaphore(%arg18 : memref<!tpu.dma_semaphore, #tpu.memory_space<semaphore_mem>>)
        %add3A_186 = arith.constant 256 : i32
        %add3A_187 = arith.addi %mul3A_161, %add3A_186 : i32
        %dma_start3A_188 = arith.constant 2 : i32
        %dma_start3A_189 = arith.constant 0 : i32
        %dma_start3A_190 = tpu.memref_slice %arg10[%dma_start3A_188, %dma_start3A_189] : memref<3x128xi32, #tpu.memory_space<vmem>> -> memref<1x128xi32, #tpu.memory_space<vmem>>
        %dma_start3A_191 = tpu.memref_squeeze %dma_start3A_190 : memref<1x128xi32, #tpu.memory_space<vmem>> -> memref<128xi32, #tpu.memory_space<vmem>>
        %dma_start3A_192 = tpu.memref_slice %arg4[%add3A_187] : memref<320000xi32, #tpu.memory_space<hbm>> -> memref<128xi32, #tpu.memory_space<hbm>>
        %dma_start3A_193 = arith.constant 0 : i32
        %dma_start3A_194 = tpu.memref_slice %arg10[%dma_start3A_188, %dma_start3A_193] : memref<3x128xi32, #tpu.memory_space<vmem>> -> memref<1x128xi32, #tpu.memory_space<vmem>>
        %dma_start3A_195 = tpu.memref_squeeze %dma_start3A_194 : memref<1x128xi32, #tpu.memory_space<vmem>> -> memref<128xi32, #tpu.memory_space<vmem>>
        %dma_start3A_196 = tpu.memref_slice %arg4[%add3A_187] : memref<320000xi32, #tpu.memory_space<hbm>> -> memref<128xi32, #tpu.memory_space<hbm>>
        tpu.enqueue_dma source(%dma_start3A_196 : memref<128xi32, #tpu.memory_space<hbm>>) target(%dma_start3A_195 : memref<128xi32, #tpu.memory_space<vmem>>) target_semaphore(%arg18 : memref<!tpu.dma_semaphore, #tpu.memory_space<semaphore_mem>>)
      } else {
      }
      %dma_wait3A_113 = arith.constant 0 : i32
      %dma_wait3A_114 = arith.constant 0 : i32
      %dma_wait3A_115 = tpu.memref_slice %arg2[%dma_wait3A_113, %dma_wait3A_114] : memref<10000x128xf32, #tpu.memory_space<hbm>> -> memref<128x128xf32, #tpu.memory_space<hbm>>
      %dma_wait3A_116 = arith.constant 0 : i32
      %dma_wait3A_117 = arith.constant 0 : i32
      %dma_wait3A_118 = tpu.memref_slice %arg2[%dma_wait3A_116, %dma_wait3A_117] : memref<10000x128xf32, #tpu.memory_space<hbm>> -> memref<128x128xf32, #tpu.memory_space<hbm>>
      tpu.wait_dma2 semaphore(%arg15 : memref<!tpu.dma_semaphore, #tpu.memory_space<semaphore_mem>>) src(%dma_wait3A_118 : memref<128x128xf32, #tpu.memory_space<hbm>>) dst(%arg12 : memref<128x128xf32, #tpu.memory_space<vmem>>)
      %run_scoped3A_119 = arith.constant 0 : i32
      "tpu.region"() ({
        %run_scoped3A_155 = tpu.sem_alloc : memref<!tpu.dma_semaphore, #tpu.memory_space<semaphore_mem>>
        %dma_start3A_156 = arith.constant 0 : i32
        %dma_start3A_157 = tpu.memref_slice %arg11[%run_scoped3A_119, %dma_start3A_156] : memref<3x128xi32, #tpu.memory_space<vmem>> -> memref<1x128xi32, #tpu.memory_space<vmem>>
        %dma_start3A_158 = tpu.memref_squeeze %dma_start3A_157 : memref<1x128xi32, #tpu.memory_space<vmem>> -> memref<128xi32, #tpu.memory_space<vmem>>
        %dma_start3A_159 = arith.constant 0 : i32
        %dma_start3A_160 = arith.constant 0 : i32
        %dma_start3A_161 = tpu.memref_slice %arg7[%dma_start3A_159, %dma_start3A_160] : memref<10000x128xf32, #tpu.memory_space<vmem_shared>> -> memref<10000x128xf32, #tpu.memory_space<vmem_shared>>
        tpu.enqueue_indirect_dma source(%arg12 : memref<128x128xf32, #tpu.memory_space<vmem>>) target(%dma_start3A_161 : memref<10000x128xf32, #tpu.memory_space<vmem_shared>>) offsets(%dma_start3A_158 : memref<128xi32, #tpu.memory_space<vmem>>) semaphore(%run_scoped3A_155 : memref<!tpu.dma_semaphore, #tpu.memory_space<semaphore_mem>>) {add = true}
        %dma_wait3A_162 = arith.constant 0 : i32
        %dma_wait3A_163 = tpu.memref_slice %arg11[%run_scoped3A_119, %dma_wait3A_162] : memref<3x128xi32, #tpu.memory_space<vmem>> -> memref<1x128xi32, #tpu.memory_space<vmem>>
        %dma_wait3A_164 = tpu.memref_squeeze %dma_wait3A_163 : memref<1x128xi32, #tpu.memory_space<vmem>> -> memref<128xi32, #tpu.memory_space<vmem>>
        %dma_wait3A_165 = arith.constant 0 : i32
        %dma_wait3A_166 = arith.constant 0 : i32
        %dma_wait3A_167 = tpu.memref_slice %arg7[%dma_wait3A_165, %dma_wait3A_166] : memref<10000x128xf32, #tpu.memory_space<vmem_shared>> -> memref<10000x128xf32, #tpu.memory_space<vmem_shared>>
        tpu.wait_indirect_dma semaphore(%run_scoped3A_155 : memref<!tpu.dma_semaphore, #tpu.memory_space<semaphore_mem>>) src(%arg12 : memref<128x128xf32, #tpu.memory_space<vmem>>) dst(%dma_wait3A_167 : memref<10000x128xf32, #tpu.memory_space<vmem_shared>>)
        tpu.yield
      }) : () -> ()
      %add3A_120 = arith.constant 1 : i32
      %add3A_121 = arith.addi %add3A_105, %add3A_120 : i32
      %lt3A_122 = arith.constant 26 : i32
      %lt3A_123 = arith.cmpi slt, %add3A_121, %lt3A_122 : i32
      %convert_element_type3A_124 = arith.extui %lt3A_123 : i1 to i32
      %cond3A_125 = arith.constant 0 : i32
      %cond3A_126 = arith.cmpi ne, %convert_element_type3A_124, %cond3A_125 : i32
      scf.if %cond3A_126 {
        %dma_wait3A_155 = arith.constant 0 : i32
        %dma_wait3A_156 = tpu.memref_slice %arg3[%dma_wait3A_155] : memref<320000xi32, #tpu.memory_space<hbm>> -> memref<384xi32, #tpu.memory_space<hbm>>
        %dma_wait3A_157 = arith.constant 0 : i32
        %dma_wait3A_158 = tpu.memref_slice %arg3[%dma_wait3A_157] : memref<320000xi32, #tpu.memory_space<hbm>> -> memref<384xi32, #tpu.memory_space<hbm>>
        tpu.wait_dma2 semaphore(%arg18 : memref<!tpu.dma_semaphore, #tpu.memory_space<semaphore_mem>>) src(%dma_wait3A_158 : memref<384xi32, #tpu.memory_space<hbm>>) dst(%arg8 : memref<384xi32, #tpu.memory_space<vmem>>)
        %dma_wait3A_159 = arith.constant 0 : i32
        %dma_wait3A_160 = arith.constant 0 : i32
        %dma_wait3A_161 = tpu.memref_slice %arg10[%dma_wait3A_159, %dma_wait3A_160] : memref<3x128xi32, #tpu.memory_space<vmem>> -> memref<1x128xi32, #tpu.memory_space<vmem>>
        %dma_wait3A_162 = tpu.memref_squeeze %dma_wait3A_161 : memref<1x128xi32, #tpu.memory_space<vmem>> -> memref<128xi32, #tpu.memory_space<vmem>>
        %dma_wait3A_163 = arith.constant 0 : i32
        %dma_wait3A_164 = tpu.memref_slice %arg3[%dma_wait3A_163] : memref<320000xi32, #tpu.memory_space<hbm>> -> memref<128xi32, #tpu.memory_space<hbm>>
        %dma_wait3A_165 = arith.constant 0 : i32
        %dma_wait3A_166 = tpu.memref_slice %arg10[%dma_wait3A_159, %dma_wait3A_165] : memref<3x128xi32, #tpu.memory_space<vmem>> -> memref<1x128xi32, #tpu.memory_space<vmem>>
        %dma_wait3A_167 = tpu.memref_squeeze %dma_wait3A_166 : memref<1x128xi32, #tpu.memory_space<vmem>> -> memref<128xi32, #tpu.memory_space<vmem>>
        %dma_wait3A_168 = arith.constant 0 : i32
        %dma_wait3A_169 = tpu.memref_slice %arg3[%dma_wait3A_168] : memref<320000xi32, #tpu.memory_space<hbm>> -> memref<128xi32, #tpu.memory_space<hbm>>
        tpu.wait_dma2 semaphore(%arg18 : memref<!tpu.dma_semaphore, #tpu.memory_space<semaphore_mem>>) src(%dma_wait3A_169 : memref<128xi32, #tpu.memory_space<hbm>>) dst(%dma_wait3A_167 : memref<128xi32, #tpu.memory_space<vmem>>)
        %dma_wait3A_170 = arith.constant 1 : i32
        %dma_wait3A_171 = arith.constant 0 : i32
        %dma_wait3A_172 = tpu.memref_slice %arg10[%dma_wait3A_170, %dma_wait3A_171] : memref<3x128xi32, #tpu.memory_space<vmem>> -> memref<1x128xi32, #tpu.memory_space<vmem>>
        %dma_wait3A_173 = tpu.memref_squeeze %dma_wait3A_172 : memref<1x128xi32, #tpu.memory_space<vmem>> -> memref<128xi32, #tpu.memory_space<vmem>>
        %dma_wait3A_174 = arith.constant 0 : i32
        %dma_wait3A_175 = tpu.memref_slice %arg3[%dma_wait3A_174] : memref<320000xi32, #tpu.memory_space<hbm>> -> memref<128xi32, #tpu.memory_space<hbm>>
        %dma_wait3A_176 = arith.constant 0 : i32
        %dma_wait3A_177 = tpu.memref_slice %arg10[%dma_wait3A_170, %dma_wait3A_176] : memref<3x128xi32, #tpu.memory_space<vmem>> -> memref<1x128xi32, #tpu.memory_space<vmem>>
        %dma_wait3A_178 = tpu.memref_squeeze %dma_wait3A_177 : memref<1x128xi32, #tpu.memory_space<vmem>> -> memref<128xi32, #tpu.memory_space<vmem>>
        %dma_wait3A_179 = arith.constant 0 : i32
        %dma_wait3A_180 = tpu.memref_slice %arg3[%dma_wait3A_179] : memref<320000xi32, #tpu.memory_space<hbm>> -> memref<128xi32, #tpu.memory_space<hbm>>
        tpu.wait_dma2 semaphore(%arg18 : memref<!tpu.dma_semaphore, #tpu.memory_space<semaphore_mem>>) src(%dma_wait3A_180 : memref<128xi32, #tpu.memory_space<hbm>>) dst(%dma_wait3A_178 : memref<128xi32, #tpu.memory_space<vmem>>)
        %dma_wait3A_181 = arith.constant 2 : i32
        %dma_wait3A_182 = arith.constant 0 : i32
        %dma_wait3A_183 = tpu.memref_slice %arg10[%dma_wait3A_181, %dma_wait3A_182] : memref<3x128xi32, #tpu.memory_space<vmem>> -> memref<1x128xi32, #tpu.memory_space<vmem>>
        %dma_wait3A_184 = tpu.memref_squeeze %dma_wait3A_183 : memref<1x128xi32, #tpu.memory_space<vmem>> -> memref<128xi32, #tpu.memory_space<vmem>>
        %dma_wait3A_185 = arith.constant 0 : i32
        %dma_wait3A_186 = tpu.memref_slice %arg3[%dma_wait3A_185] : memref<320000xi32, #tpu.memory_space<hbm>> -> memref<128xi32, #tpu.memory_space<hbm>>
        %dma_wait3A_187 = arith.constant 0 : i32
        %dma_wait3A_188 = tpu.memref_slice %arg10[%dma_wait3A_181, %dma_wait3A_187] : memref<3x128xi32, #tpu.memory_space<vmem>> -> memref<1x128xi32, #tpu.memory_space<vmem>>
        %dma_wait3A_189 = tpu.memref_squeeze %dma_wait3A_188 : memref<1x128xi32, #tpu.memory_space<vmem>> -> memref<128xi32, #tpu.memory_space<vmem>>
        %dma_wait3A_190 = arith.constant 0 : i32
        %dma_wait3A_191 = tpu.memref_slice %arg3[%dma_wait3A_190] : memref<320000xi32, #tpu.memory_space<hbm>> -> memref<128xi32, #tpu.memory_space<hbm>>
        tpu.wait_dma2 semaphore(%arg18 : memref<!tpu.dma_semaphore, #tpu.memory_space<semaphore_mem>>) src(%dma_wait3A_191 : memref<128xi32, #tpu.memory_space<hbm>>) dst(%dma_wait3A_189 : memref<128xi32, #tpu.memory_space<vmem>>)
        %dma_start3A_192 = arith.constant 0 : i32
        %dma_start3A_193 = tpu.memref_slice %arg8[%dma_start3A_192] : memref<384xi32, #tpu.memory_space<vmem>> -> memref<128xi32, #tpu.memory_space<vmem>>
        %dma_start3A_194 = arith.constant 0 : i32
        %dma_start3A_195 = arith.constant 0 : i32
        %dma_start3A_196 = tpu.memref_slice %arg2[%dma_start3A_194, %dma_start3A_195] : memref<10000x128xf32, #tpu.memory_space<hbm>> -> memref<10000x128xf32, #tpu.memory_space<hbm>>
        tpu.enqueue_indirect_dma source(%dma_start3A_196 : memref<10000x128xf32, #tpu.memory_space<hbm>>) target(%arg12 : memref<128x128xf32, #tpu.memory_space<vmem>>) offsets(%dma_start3A_193 : memref<128xi32, #tpu.memory_space<vmem>>) semaphore(%arg15 : memref<!tpu.dma_semaphore, #tpu.memory_space<semaphore_mem>>)
      } else {
      }
      %dma_wait3A_127 = arith.constant 0 : i32
      %dma_wait3A_128 = arith.constant 0 : i32
      %dma_wait3A_129 = tpu.memref_slice %arg2[%dma_wait3A_127, %dma_wait3A_128] : memref<10000x128xf32, #tpu.memory_space<hbm>> -> memref<128x128xf32, #tpu.memory_space<hbm>>
      %dma_wait3A_130 = arith.constant 0 : i32
      %dma_wait3A_131 = arith.constant 0 : i32
      %dma_wait3A_132 = tpu.memref_slice %arg2[%dma_wait3A_130, %dma_wait3A_131] : memref<10000x128xf32, #tpu.memory_space<hbm>> -> memref<128x128xf32, #tpu.memory_space<hbm>>
      tpu.wait_dma2 semaphore(%arg16 : memref<!tpu.dma_semaphore, #tpu.memory_space<semaphore_mem>>) src(%dma_wait3A_132 : memref<128x128xf32, #tpu.memory_space<hbm>>) dst(%arg13 : memref<128x128xf32, #tpu.memory_space<vmem>>)
      %run_scoped3A_133 = arith.constant 1 : i32
      "tpu.region"() ({
        %run_scoped3A_155 = tpu.sem_alloc : memref<!tpu.dma_semaphore, #tpu.memory_space<semaphore_mem>>
        %dma_start3A_156 = arith.constant 0 : i32
        %dma_start3A_157 = tpu.memref_slice %arg11[%run_scoped3A_133, %dma_start3A_156] : memref<3x128xi32, #tpu.memory_space<vmem>> -> memref<1x128xi32, #tpu.memory_space<vmem>>
        %dma_start3A_158 = tpu.memref_squeeze %dma_start3A_157 : memref<1x128xi32, #tpu.memory_space<vmem>> -> memref<128xi32, #tpu.memory_space<vmem>>
        %dma_start3A_159 = arith.constant 0 : i32
        %dma_start3A_160 = arith.constant 0 : i32
        %dma_start3A_161 = tpu.memref_slice %arg7[%dma_start3A_159, %dma_start3A_160] : memref<10000x128xf32, #tpu.memory_space<vmem_shared>> -> memref<10000x128xf32, #tpu.memory_space<vmem_shared>>
        tpu.enqueue_indirect_dma source(%arg13 : memref<128x128xf32, #tpu.memory_space<vmem>>) target(%dma_start3A_161 : memref<10000x128xf32, #tpu.memory_space<vmem_shared>>) offsets(%dma_start3A_158 : memref<128xi32, #tpu.memory_space<vmem>>) semaphore(%run_scoped3A_155 : memref<!tpu.dma_semaphore, #tpu.memory_space<semaphore_mem>>) {add = true}
        %dma_wait3A_162 = arith.constant 0 : i32
        %dma_wait3A_163 = tpu.memref_slice %arg11[%run_scoped3A_133, %dma_wait3A_162] : memref<3x128xi32, #tpu.memory_space<vmem>> -> memref<1x128xi32, #tpu.memory_space<vmem>>
        %dma_wait3A_164 = tpu.memref_squeeze %dma_wait3A_163 : memref<1x128xi32, #tpu.memory_space<vmem>> -> memref<128xi32, #tpu.memory_space<vmem>>
        %dma_wait3A_165 = arith.constant 0 : i32
        %dma_wait3A_166 = arith.constant 0 : i32
        %dma_wait3A_167 = tpu.memref_slice %arg7[%dma_wait3A_165, %dma_wait3A_166] : memref<10000x128xf32, #tpu.memory_space<vmem_shared>> -> memref<10000x128xf32, #tpu.memory_space<vmem_shared>>
        tpu.wait_indirect_dma semaphore(%run_scoped3A_155 : memref<!tpu.dma_semaphore, #tpu.memory_space<semaphore_mem>>) src(%arg13 : memref<128x128xf32, #tpu.memory_space<vmem>>) dst(%dma_wait3A_167 : memref<10000x128xf32, #tpu.memory_space<vmem_shared>>)
        tpu.yield
      }) : () -> ()
      %add3A_134 = arith.constant 1 : i32
      %add3A_135 = arith.addi %add3A_105, %add3A_134 : i32
      %lt3A_136 = arith.constant 26 : i32
      %lt3A_137 = arith.cmpi slt, %add3A_135, %lt3A_136 : i32
      %convert_element_type3A_138 = arith.extui %lt3A_137 : i1 to i32
      %cond3A_139 = arith.constant 0 : i32
      %cond3A_140 = arith.cmpi ne, %convert_element_type3A_138, %cond3A_139 : i32
      scf.if %cond3A_140 {
        %dma_start3A_155 = arith.constant 128 : i32
        %dma_start3A_156 = tpu.memref_slice %arg8[%dma_start3A_155] : memref<384xi32, #tpu.memory_space<vmem>> -> memref<128xi32, #tpu.memory_space<vmem>>
        %dma_start3A_157 = arith.constant 0 : i32
        %dma_start3A_158 = arith.constant 0 : i32
        %dma_start3A_159 = tpu.memref_slice %arg2[%dma_start3A_157, %dma_start3A_158] : memref<10000x128xf32, #tpu.memory_space<hbm>> -> memref<10000x128xf32, #tpu.memory_space<hbm>>
        tpu.enqueue_indirect_dma source(%dma_start3A_159 : memref<10000x128xf32, #tpu.memory_space<hbm>>) target(%arg13 : memref<128x128xf32, #tpu.memory_space<vmem>>) offsets(%dma_start3A_156 : memref<128xi32, #tpu.memory_space<vmem>>) semaphore(%arg16 : memref<!tpu.dma_semaphore, #tpu.memory_space<semaphore_mem>>)
      } else {
      }
      %dma_wait3A_141 = arith.constant 0 : i32
      %dma_wait3A_142 = arith.constant 0 : i32
      %dma_wait3A_143 = tpu.memref_slice %arg2[%dma_wait3A_141, %dma_wait3A_142] : memref<10000x128xf32, #tpu.memory_space<hbm>> -> memref<128x128xf32, #tpu.memory_space<hbm>>
      %dma_wait3A_144 = arith.constant 0 : i32
      %dma_wait3A_145 = arith.constant 0 : i32
      %dma_wait3A_146 = tpu.memref_slice %arg2[%dma_wait3A_144, %dma_wait3A_145] : memref<10000x128xf32, #tpu.memory_space<hbm>> -> memref<128x128xf32, #tpu.memory_space<hbm>>
      tpu.wait_dma2 semaphore(%arg17 : memref<!tpu.dma_semaphore, #tpu.memory_space<semaphore_mem>>) src(%dma_wait3A_146 : memref<128x128xf32, #tpu.memory_space<hbm>>) dst(%arg14 : memref<128x128xf32, #tpu.memory_space<vmem>>)
      %run_scoped3A_147 = arith.constant 2 : i32
      "tpu.region"() ({
        %run_scoped3A_155 = tpu.sem_alloc : memref<!tpu.dma_semaphore, #tpu.memory_space<semaphore_mem>>
        %dma_start3A_156 = arith.constant 0 : i32
        %dma_start3A_157 = tpu.memref_slice %arg11[%run_scoped3A_147, %dma_start3A_156] : memref<3x128xi32, #tpu.memory_space<vmem>> -> memref<1x128xi32, #tpu.memory_space<vmem>>
        %dma_start3A_158 = tpu.memref_squeeze %dma_start3A_157 : memref<1x128xi32, #tpu.memory_space<vmem>> -> memref<128xi32, #tpu.memory_space<vmem>>
        %dma_start3A_159 = arith.constant 0 : i32
        %dma_start3A_160 = arith.constant 0 : i32
        %dma_start3A_161 = tpu.memref_slice %arg7[%dma_start3A_159, %dma_start3A_160] : memref<10000x128xf32, #tpu.memory_space<vmem_shared>> -> memref<10000x128xf32, #tpu.memory_space<vmem_shared>>
        tpu.enqueue_indirect_dma source(%arg14 : memref<128x128xf32, #tpu.memory_space<vmem>>) target(%dma_start3A_161 : memref<10000x128xf32, #tpu.memory_space<vmem_shared>>) offsets(%dma_start3A_158 : memref<128xi32, #tpu.memory_space<vmem>>) semaphore(%run_scoped3A_155 : memref<!tpu.dma_semaphore, #tpu.memory_space<semaphore_mem>>) {add = true}
        %dma_wait3A_162 = arith.constant 0 : i32
        %dma_wait3A_163 = tpu.memref_slice %arg11[%run_scoped3A_147, %dma_wait3A_162] : memref<3x128xi32, #tpu.memory_space<vmem>> -> memref<1x128xi32, #tpu.memory_space<vmem>>
        %dma_wait3A_164 = tpu.memref_squeeze %dma_wait3A_163 : memref<1x128xi32, #tpu.memory_space<vmem>> -> memref<128xi32, #tpu.memory_space<vmem>>
        %dma_wait3A_165 = arith.constant 0 : i32
        %dma_wait3A_166 = arith.constant 0 : i32
        %dma_wait3A_167 = tpu.memref_slice %arg7[%dma_wait3A_165, %dma_wait3A_166] : memref<10000x128xf32, #tpu.memory_space<vmem_shared>> -> memref<10000x128xf32, #tpu.memory_space<vmem_shared>>
        tpu.wait_indirect_dma semaphore(%run_scoped3A_155 : memref<!tpu.dma_semaphore, #tpu.memory_space<semaphore_mem>>) src(%arg14 : memref<128x128xf32, #tpu.memory_space<vmem>>) dst(%dma_wait3A_167 : memref<10000x128xf32, #tpu.memory_space<vmem_shared>>)
        tpu.yield
      }) : () -> ()
      %add3A_148 = arith.constant 1 : i32
      %add3A_149 = arith.addi %add3A_105, %add3A_148 : i32
      %lt3A_150 = arith.constant 26 : i32
      %lt3A_151 = arith.cmpi slt, %add3A_149, %lt3A_150 : i32
      %convert_element_type3A_152 = arith.extui %lt3A_151 : i1 to i32
      %cond3A_153 = arith.constant 0 : i32
      %cond3A_154 = arith.cmpi ne, %convert_element_type3A_152, %cond3A_153 : i32
      scf.if %cond3A_154 {
        %dma_start3A_155 = arith.constant 256 : i32
        %dma_start3A_156 = tpu.memref_slice %arg8[%dma_start3A_155] : memref<384xi32, #tpu.memory_space<vmem>> -> memref<128xi32, #tpu.memory_space<vmem>>
        %dma_start3A_157 = arith.constant 0 : i32
        %dma_start3A_158 = arith.constant 0 : i32
        %dma_start3A_159 = tpu.memref_slice %arg2[%dma_start3A_157, %dma_start3A_158] : memref<10000x128xf32, #tpu.memory_space<hbm>> -> memref<10000x128xf32, #tpu.memory_space<hbm>>
        tpu.enqueue_indirect_dma source(%dma_start3A_159 : memref<10000x128xf32, #tpu.memory_space<hbm>>) target(%arg14 : memref<128x128xf32, #tpu.memory_space<vmem>>) offsets(%dma_start3A_156 : memref<128xi32, #tpu.memory_space<vmem>>) semaphore(%arg17 : memref<!tpu.dma_semaphore, #tpu.memory_space<semaphore_mem>>)
      } else {
      }
    }
    %scan3A_40 = arith.constant 13 : i32
    %lt3A = arith.constant 4 : i32
    %lt3A_41 = arith.cmpi slt, %add3A, %lt3A : i32
    %convert_element_type3A_42 = arith.extui %lt3A_41 : i1 to i32
    %cond3A_43 = arith.constant 0 : i32
    %cond3A_44 = arith.cmpi ne, %convert_element_type3A_42, %cond3A_43 : i32
    scf.if %cond3A_44 {
      %add3A_51 = arith.constant 2496 : i32
      %add3A_52 = arith.addi %add3A_51, %add3A : i32
      %mul3A_53 = arith.constant 128 : i32
      %mul3A_54 = arith.muli %add3A_52, %mul3A_53 : i32
      "tpu.region"() ({
        %run_scoped3A_66 = tpu.sem_alloc : memref<!tpu.dma_semaphore, #tpu.memory_space<semaphore_mem>>
        %dma_start3A_67 = arith.constant 0 : i32
        %dma_start3A_68 = tpu.memref_slice %arg8[%dma_start3A_67] : memref<384xi32, #tpu.memory_space<vmem>> -> memref<128xi32, #tpu.memory_space<vmem>>
        %dma_start3A_69 = tpu.memref_slice %arg3[%mul3A_54] : memref<320000xi32, #tpu.memory_space<hbm>> -> memref<128xi32, #tpu.memory_space<hbm>>
        %dma_start3A_70 = arith.constant 0 : i32
        %dma_start3A_71 = tpu.memref_slice %arg8[%dma_start3A_70] : memref<384xi32, #tpu.memory_space<vmem>> -> memref<128xi32, #tpu.memory_space<vmem>>
        %dma_start3A_72 = tpu.memref_slice %arg3[%mul3A_54] : memref<320000xi32, #tpu.memory_space<hbm>> -> memref<128xi32, #tpu.memory_space<hbm>>
        tpu.enqueue_dma source(%dma_start3A_72 : memref<128xi32, #tpu.memory_space<hbm>>) target(%dma_start3A_71 : memref<128xi32, #tpu.memory_space<vmem>>) target_semaphore(%run_scoped3A_66 : memref<!tpu.dma_semaphore, #tpu.memory_space<semaphore_mem>>)
        %dma_wait3A_73 = arith.constant 0 : i32
        %dma_wait3A_74 = tpu.memref_slice %arg8[%dma_wait3A_73] : memref<384xi32, #tpu.memory_space<vmem>> -> memref<128xi32, #tpu.memory_space<vmem>>
        %dma_wait3A_75 = tpu.memref_slice %arg3[%mul3A_54] : memref<320000xi32, #tpu.memory_space<hbm>> -> memref<128xi32, #tpu.memory_space<hbm>>
        %dma_wait3A_76 = arith.constant 0 : i32
        %dma_wait3A_77 = tpu.memref_slice %arg8[%dma_wait3A_76] : memref<384xi32, #tpu.memory_space<vmem>> -> memref<128xi32, #tpu.memory_space<vmem>>
        %dma_wait3A_78 = tpu.memref_slice %arg3[%mul3A_54] : memref<320000xi32, #tpu.memory_space<hbm>> -> memref<128xi32, #tpu.memory_space<hbm>>
        tpu.wait_dma2 semaphore(%run_scoped3A_66 : memref<!tpu.dma_semaphore, #tpu.memory_space<semaphore_mem>>) src(%dma_wait3A_78 : memref<128xi32, #tpu.memory_space<hbm>>) dst(%dma_wait3A_77 : memref<128xi32, #tpu.memory_space<vmem>>)
        tpu.yield
      }) : () -> ()
      %run_scoped3A_55 = arith.constant 0 : i32
      "tpu.region"() ({
        %run_scoped3A_66 = tpu.sem_alloc : memref<!tpu.dma_semaphore, #tpu.memory_space<semaphore_mem>>
        %dma_start3A_67 = arith.constant 0 : i32
        %dma_start3A_68 = tpu.memref_slice %arg10[%run_scoped3A_55, %dma_start3A_67] : memref<3x128xi32, #tpu.memory_space<vmem>> -> memref<1x128xi32, #tpu.memory_space<vmem>>
        %dma_start3A_69 = tpu.memref_squeeze %dma_start3A_68 : memref<1x128xi32, #tpu.memory_space<vmem>> -> memref<128xi32, #tpu.memory_space<vmem>>
        %dma_start3A_70 = tpu.memref_slice %arg4[%mul3A_54] : memref<320000xi32, #tpu.memory_space<hbm>> -> memref<128xi32, #tpu.memory_space<hbm>>
        %dma_start3A_71 = arith.constant 0 : i32
        %dma_start3A_72 = tpu.memref_slice %arg10[%run_scoped3A_55, %dma_start3A_71] : memref<3x128xi32, #tpu.memory_space<vmem>> -> memref<1x128xi32, #tpu.memory_space<vmem>>
        %dma_start3A_73 = tpu.memref_squeeze %dma_start3A_72 : memref<1x128xi32, #tpu.memory_space<vmem>> -> memref<128xi32, #tpu.memory_space<vmem>>
        %dma_start3A_74 = tpu.memref_slice %arg4[%mul3A_54] : memref<320000xi32, #tpu.memory_space<hbm>> -> memref<128xi32, #tpu.memory_space<hbm>>
        tpu.enqueue_dma source(%dma_start3A_74 : memref<128xi32, #tpu.memory_space<hbm>>) target(%dma_start3A_73 : memref<128xi32, #tpu.memory_space<vmem>>) target_semaphore(%run_scoped3A_66 : memref<!tpu.dma_semaphore, #tpu.memory_space<semaphore_mem>>)
        %dma_wait3A_75 = arith.constant 0 : i32
        %dma_wait3A_76 = tpu.memref_slice %arg10[%run_scoped3A_55, %dma_wait3A_75] : memref<3x128xi32, #tpu.memory_space<vmem>> -> memref<1x128xi32, #tpu.memory_space<vmem>>
        %dma_wait3A_77 = tpu.memref_squeeze %dma_wait3A_76 : memref<1x128xi32, #tpu.memory_space<vmem>> -> memref<128xi32, #tpu.memory_space<vmem>>
        %dma_wait3A_78 = tpu.memref_slice %arg4[%mul3A_54] : memref<320000xi32, #tpu.memory_space<hbm>> -> memref<128xi32, #tpu.memory_space<hbm>>
        %dma_wait3A_79 = arith.constant 0 : i32
        %dma_wait3A_80 = tpu.memref_slice %arg10[%run_scoped3A_55, %dma_wait3A_79] : memref<3x128xi32, #tpu.memory_space<vmem>> -> memref<1x128xi32, #tpu.memory_space<vmem>>
        %dma_wait3A_81 = tpu.memref_squeeze %dma_wait3A_80 : memref<1x128xi32, #tpu.memory_space<vmem>> -> memref<128xi32, #tpu.memory_space<vmem>>
        %dma_wait3A_82 = tpu.memref_slice %arg4[%mul3A_54] : memref<320000xi32, #tpu.memory_space<hbm>> -> memref<128xi32, #tpu.memory_space<hbm>>
        tpu.wait_dma2 semaphore(%run_scoped3A_66 : memref<!tpu.dma_semaphore, #tpu.memory_space<semaphore_mem>>) src(%dma_wait3A_82 : memref<128xi32, #tpu.memory_space<hbm>>) dst(%dma_wait3A_81 : memref<128xi32, #tpu.memory_space<vmem>>)
        tpu.yield
      }) : () -> ()
      %dma_start3A_56 = arith.constant 0 : i32
      %dma_start3A_57 = tpu.memref_slice %arg8[%dma_start3A_56] : memref<384xi32, #tpu.memory_space<vmem>> -> memref<128xi32, #tpu.memory_space<vmem>>
      %dma_start3A_58 = arith.constant 0 : i32
      %dma_start3A_59 = arith.constant 0 : i32
      %dma_start3A_60 = tpu.memref_slice %arg2[%dma_start3A_58, %dma_start3A_59] : memref<10000x128xf32, #tpu.memory_space<hbm>> -> memref<10000x128xf32, #tpu.memory_space<hbm>>
      tpu.enqueue_indirect_dma source(%dma_start3A_60 : memref<10000x128xf32, #tpu.memory_space<hbm>>) target(%arg12 : memref<128x128xf32, #tpu.memory_space<vmem>>) offsets(%dma_start3A_57 : memref<128xi32, #tpu.memory_space<vmem>>) semaphore(%arg15 : memref<!tpu.dma_semaphore, #tpu.memory_space<semaphore_mem>>)
      %dma_wait3A = arith.constant 0 : i32
      %dma_wait3A_61 = tpu.memref_slice %arg8[%dma_wait3A] : memref<384xi32, #tpu.memory_space<vmem>> -> memref<128xi32, #tpu.memory_space<vmem>>
      %dma_wait3A_62 = arith.constant 0 : i32
      %dma_wait3A_63 = arith.constant 0 : i32
      %dma_wait3A_64 = tpu.memref_slice %arg2[%dma_wait3A_62, %dma_wait3A_63] : memref<10000x128xf32, #tpu.memory_space<hbm>> -> memref<10000x128xf32, #tpu.memory_space<hbm>>
      tpu.wait_indirect_dma semaphore(%arg15 : memref<!tpu.dma_semaphore, #tpu.memory_space<semaphore_mem>>) src(%dma_wait3A_64 : memref<10000x128xf32, #tpu.memory_space<hbm>>) dst(%arg12 : memref<128x128xf32, #tpu.memory_space<vmem>>)
      %run_scoped3A_65 = arith.constant 0 : i32
      "tpu.region"() ({
        %run_scoped3A_66 = tpu.sem_alloc : memref<!tpu.dma_semaphore, #tpu.memory_space<semaphore_mem>>
        %dma_start3A_67 = arith.constant 0 : i32
        %dma_start3A_68 = tpu.memref_slice %arg10[%run_scoped3A_65, %dma_start3A_67] : memref<3x128xi32, #tpu.memory_space<vmem>> -> memref<1x128xi32, #tpu.memory_space<vmem>>
        %dma_start3A_69 = tpu.memref_squeeze %dma_start3A_68 : memref<1x128xi32, #tpu.memory_space<vmem>> -> memref<128xi32, #tpu.memory_space<vmem>>
        %dma_start3A_70 = arith.constant 0 : i32
        %dma_start3A_71 = arith.constant 0 : i32
        %dma_start3A_72 = tpu.memref_slice %arg7[%dma_start3A_70, %dma_start3A_71] : memref<10000x128xf32, #tpu.memory_space<vmem_shared>> -> memref<10000x128xf32, #tpu.memory_space<vmem_shared>>
        tpu.enqueue_indirect_dma source(%arg12 : memref<128x128xf32, #tpu.memory_space<vmem>>) target(%dma_start3A_72 : memref<10000x128xf32, #tpu.memory_space<vmem_shared>>) offsets(%dma_start3A_69 : memref<128xi32, #tpu.memory_space<vmem>>) semaphore(%run_scoped3A_66 : memref<!tpu.dma_semaphore, #tpu.memory_space<semaphore_mem>>) {add = true}
        %dma_wait3A_73 = arith.constant 0 : i32
        %dma_wait3A_74 = tpu.memref_slice %arg10[%run_scoped3A_65, %dma_wait3A_73] : memref<3x128xi32, #tpu.memory_space<vmem>> -> memref<1x128xi32, #tpu.memory_space<vmem>>
        %dma_wait3A_75 = tpu.memref_squeeze %dma_wait3A_74 : memref<1x128xi32, #tpu.memory_space<vmem>> -> memref<128xi32, #tpu.memory_space<vmem>>
        %dma_wait3A_76 = arith.constant 0 : i32
        %dma_wait3A_77 = arith.constant 0 : i32
        %dma_wait3A_78 = tpu.memref_slice %arg7[%dma_wait3A_76, %dma_wait3A_77] : memref<10000x128xf32, #tpu.memory_space<vmem_shared>> -> memref<10000x128xf32, #tpu.memory_space<vmem_shared>>
        tpu.wait_indirect_dma semaphore(%run_scoped3A_66 : memref<!tpu.dma_semaphore, #tpu.memory_space<semaphore_mem>>) src(%arg12 : memref<128x128xf32, #tpu.memory_space<vmem>>) dst(%dma_wait3A_78 : memref<10000x128xf32, #tpu.memory_space<vmem_shared>>)
        tpu.yield
      }) : () -> ()
    } else {
    }
    %barrier3A_45 = arith.constant 0 : index
    tpu.barrier barrier_id(%barrier3A_45)
    "tpu.region"() ({
      %run_scoped3A_51 = tpu.sem_alloc : memref<!tpu.dma_semaphore, #tpu.memory_space<semaphore_mem>>
      %dma_start3A_52 = arith.constant 0 : i32
      %dma_start3A_53 = tpu.memref_slice %arg6[%arg0, %mul3A_4, %dma_start3A_52] : memref<2x10000x128xf32, #tpu.memory_space<hbm>> -> memref<1x624x128xf32, #tpu.memory_space<hbm>>
      %dma_start3A_54 = tpu.memref_squeeze %dma_start3A_53 : memref<1x624x128xf32, #tpu.memory_space<hbm>> -> memref<624x128xf32, #tpu.memory_space<hbm>>
      %dma_start3A_55 = arith.constant 0 : i32
      %dma_start3A_56 = tpu.memref_slice %arg7[%mul3A_4, %dma_start3A_55] : memref<10000x128xf32, #tpu.memory_space<vmem_shared>> -> memref<624x128xf32, #tpu.memory_space<vmem_shared>>
      tpu.enqueue_dma source(%dma_start3A_56 : memref<624x128xf32, #tpu.memory_space<vmem_shared>>) target(%dma_start3A_54 : memref<624x128xf32, #tpu.memory_space<hbm>>) target_semaphore(%run_scoped3A_51 : memref<!tpu.dma_semaphore, #tpu.memory_space<semaphore_mem>>)
      %dma_wait3A = arith.constant 0 : i32
      %dma_wait3A_57 = tpu.memref_slice %arg6[%arg0, %mul3A_4, %dma_wait3A] : memref<2x10000x128xf32, #tpu.memory_space<hbm>> -> memref<1x624x128xf32, #tpu.memory_space<hbm>>
      %dma_wait3A_58 = tpu.memref_squeeze %dma_wait3A_57 : memref<1x624x128xf32, #tpu.memory_space<hbm>> -> memref<624x128xf32, #tpu.memory_space<hbm>>
      %dma_wait3A_59 = arith.constant 0 : i32
      %dma_wait3A_60 = tpu.memref_slice %arg7[%mul3A_4, %dma_wait3A_59] : memref<10000x128xf32, #tpu.memory_space<vmem_shared>> -> memref<624x128xf32, #tpu.memory_space<vmem_shared>>
      tpu.wait_dma2 semaphore(%run_scoped3A_51 : memref<!tpu.dma_semaphore, #tpu.memory_space<semaphore_mem>>) src(%dma_wait3A_60 : memref<624x128xf32, #tpu.memory_space<vmem_shared>>) dst(%dma_wait3A_58 : memref<624x128xf32, #tpu.memory_space<hbm>>)
      tpu.yield
    }) : () -> ()
    %eq3A_46 = arith.constant 15 : i32
    %eq3A_47 = arith.cmpi eq, %arg1, %eq3A_46 : i32
    %convert_element_type3A_48 = arith.extui %eq3A_47 : i1 to i32
    %cond3A_49 = arith.constant 0 : i32
    %cond3A_50 = arith.cmpi ne, %convert_element_type3A_48, %cond3A_49 : i32
    scf.if %cond3A_50 {
      "tpu.region"() ({
        %run_scoped3A_51 = tpu.sem_alloc : memref<!tpu.dma_semaphore, #tpu.memory_space<semaphore_mem>>
        %dma_start3A_52 = arith.constant 9984 : i32
        %dma_start3A_53 = arith.constant 0 : i32
        %dma_start3A_54 = tpu.memref_slice %arg6[%arg0, %dma_start3A_52, %dma_start3A_53] : memref<2x10000x128xf32, #tpu.memory_space<hbm>> -> memref<1x16x128xf32, #tpu.memory_space<hbm>>
        %dma_start3A_55 = tpu.memref_squeeze %dma_start3A_54 : memref<1x16x128xf32, #tpu.memory_space<hbm>> -> memref<16x128xf32, #tpu.memory_space<hbm>>
        %dma_start3A_56 = arith.constant 9984 : i32
        %dma_start3A_57 = arith.constant 0 : i32
        %dma_start3A_58 = tpu.memref_slice %arg7[%dma_start3A_56, %dma_start3A_57] : memref<10000x128xf32, #tpu.memory_space<vmem_shared>> -> memref<16x128xf32, #tpu.memory_space<vmem_shared>>
        tpu.enqueue_dma source(%dma_start3A_58 : memref<16x128xf32, #tpu.memory_space<vmem_shared>>) target(%dma_start3A_55 : memref<16x128xf32, #tpu.memory_space<hbm>>) target_semaphore(%run_scoped3A_51 : memref<!tpu.dma_semaphore, #tpu.memory_space<semaphore_mem>>)
        %dma_wait3A = arith.constant 9984 : i32
        %dma_wait3A_59 = arith.constant 0 : i32
        %dma_wait3A_60 = tpu.memref_slice %arg6[%arg0, %dma_wait3A, %dma_wait3A_59] : memref<2x10000x128xf32, #tpu.memory_space<hbm>> -> memref<1x16x128xf32, #tpu.memory_space<hbm>>
        %dma_wait3A_61 = tpu.memref_squeeze %dma_wait3A_60 : memref<1x16x128xf32, #tpu.memory_space<hbm>> -> memref<16x128xf32, #tpu.memory_space<hbm>>
        %dma_wait3A_62 = arith.constant 9984 : i32
        %dma_wait3A_63 = arith.constant 0 : i32
        %dma_wait3A_64 = tpu.memref_slice %arg7[%dma_wait3A_62, %dma_wait3A_63] : memref<10000x128xf32, #tpu.memory_space<vmem_shared>> -> memref<16x128xf32, #tpu.memory_space<vmem_shared>>
        tpu.wait_dma2 semaphore(%run_scoped3A_51 : memref<!tpu.dma_semaphore, #tpu.memory_space<semaphore_mem>>) src(%dma_wait3A_64 : memref<16x128xf32, #tpu.memory_space<vmem_shared>>) dst(%dma_wait3A_61 : memref<16x128xf32, #tpu.memory_space<hbm>>)
        tpu.yield
      }) : () -> ()
    } else {
    }
    return
  }
}

module attributes {stable_mosaic.version = 14 : i64} {
  func.func @_mm_relu_body(%arg0: i32, %arg1: memref<2000x128xf32, #tpu.memory_space<vmem>>, %arg2: memref<128x128xf32, #tpu.memory_space<vmem>>, %arg3: memref<1x128xf32, #tpu.memory_space<vmem>>, %arg4: memref<2000x128xf32, #tpu.memory_space<vmem>>) attributes {dimension_semantics = [#tpu.dimension_semantics<arbitrary>], iteration_bounds = array<i64: 5>, scalar_prefetch = 0 : i64, scratch_operands = 0 : i64, tpu.core_type = #tpu.core_type<tc>, window_params = [{transform_indices = @transform_0, window_bounds = array<i64: 2000, 128>}, {pipeline_mode = #tpu.pipeline_mode<synchronous>, transform_indices = @transform_1, window_bounds = array<i64: 128, 128>}, {pipeline_mode = #tpu.pipeline_mode<synchronous>, transform_indices = @transform_2, window_bounds = array<i64: 1, 128>}, {transform_indices = @transform_3, window_bounds = array<i64: 2000, 128>}]} {
    %get3A = arith.constant 0 : index
    %get3A_0 = arith.constant 0 : index
    %get3A_1 = vector.load %arg1[%get3A, %get3A_0] : memref<2000x128xf32, #tpu.memory_space<vmem>>, vector<2000x128xf32>
    %get3A_2 = arith.constant 0 : index
    %get3A_3 = arith.constant 0 : index
    %get3A_4 = vector.load %arg2[%get3A_2, %get3A_3] : memref<128x128xf32, #tpu.memory_space<vmem>>, vector<128x128xf32>
    %dot_general3A = arith.constant dense<0.000000e+00> : vector<2000x128xf32>
    %dot_general3A_5 = tpu.matmul %get3A_1, %get3A_4, %dot_general3A {dimension_numbers = #tpu.dot_dimension_numbers<[1], [0], [0], [1], [0, 0, 1, 1], [], []>, transpose_lhs_hint = false} : vector<2000x128xf32>, vector<128x128xf32>, vector<2000x128xf32> -> vector<2000x128xf32>
    %get3A_6 = arith.constant 0 : index
    %get3A_7 = arith.constant 0 : index
    %get3A_8 = vector.load %arg3[%get3A_6, %get3A_7] : memref<1x128xf32, #tpu.memory_space<vmem>>, vector<1x128xf32>
    %add3A = vector.broadcast %get3A_8 : vector<1x128xf32> to vector<2000x128xf32>
    %add3A_9 = arith.addf %dot_general3A_5, %add3A : vector<2000x128xf32>
    %max3A = arith.constant 0.000000e+00 : f32
    %max3A_10 = vector.broadcast %max3A : f32 to vector<2000x128xf32>
    %max3A_11 = arith.maximumf %add3A_9, %max3A_10 : vector<2000x128xf32>
    %swap3A = arith.constant 0 : index
    %swap3A_12 = arith.constant 0 : index
    %swap3A_13 = vector.load %arg4[%swap3A, %swap3A_12] : memref<2000x128xf32, #tpu.memory_space<vmem>>, vector<2000x128xf32>
    tpu.vector_store %arg4[%swap3A, %swap3A_12], %max3A_11 {strides = array<i32>} : memref<2000x128xf32, #tpu.memory_space<vmem>>, vector<2000x128xf32>,
    return
  }
  func.func @transform_0(%arg0: i32) -> (i32, i32) {
    %c0_i32 = arith.constant 0 : i32
    %c0_i32_0 = arith.constant 0 : i32
    return %arg0, %c0_i32 : i32, i32
  }
  func.func @transform_1(%arg0: i32) -> (i32, i32) {
    %c0_i32 = arith.constant 0 : i32
    %c0_i32_0 = arith.constant 0 : i32
    %c0_i32_1 = arith.constant 0 : i32
    return %c0_i32, %c0_i32_0 : i32, i32
  }
  func.func @transform_2(%arg0: i32) -> (i32, i32) {
    %c0_i32 = arith.constant 0 : i32
    %c0_i32_0 = arith.constant 0 : i32
    %c0_i32_1 = arith.constant 0 : i32
    return %c0_i32, %c0_i32_0 : i32, i32
  }
  func.func @transform_3(%arg0: i32) -> (i32, i32) {
    %c0_i32 = arith.constant 0 : i32
    %c0_i32_0 = arith.constant 0 : i32
    return %arg0, %c0_i32 : i32, i32
  }
}

module attributes {stable_mosaic.version = 14 : i64} {
  func.func @_pair_mm_relu_body(%arg0: i32, %arg1: memref<2x2000x128xf32, #tpu.memory_space<vmem>>, %arg2: memref<128x128xf32, #tpu.memory_space<vmem>>, %arg3: memref<1x128xf32, #tpu.memory_space<vmem>>, %arg4: memref<2000x128xf32, #tpu.memory_space<vmem>>) attributes {dimension_semantics = [#tpu.dimension_semantics<arbitrary>], iteration_bounds = array<i64: 5>, scalar_prefetch = 0 : i64, scratch_operands = 0 : i64, tpu.core_type = #tpu.core_type<tc>, window_params = [{transform_indices = @transform_0, window_bounds = array<i64: 2, 2000, 128>}, {pipeline_mode = #tpu.pipeline_mode<synchronous>, transform_indices = @transform_1, window_bounds = array<i64: 128, 128>}, {pipeline_mode = #tpu.pipeline_mode<synchronous>, transform_indices = @transform_2, window_bounds = array<i64: 1, 128>}, {transform_indices = @transform_3, window_bounds = array<i64: 2000, 128>}]} {
    %get3A = arith.constant 0 : index
    %get3A_0 = arith.constant 0 : index
    %get3A_1 = arith.constant 0 : index
    %get3A_2 = vector.load %arg1[%get3A, %get3A_0, %get3A_1] : memref<2x2000x128xf32, #tpu.memory_space<vmem>>, vector<1x2000x128xf32>
    %get3A_3 = vector.shape_cast %get3A_2 : vector<1x2000x128xf32> to vector<2000x128xf32>
    %get3A_4 = arith.constant 1 : index
    %get3A_5 = arith.constant 0 : index
    %get3A_6 = arith.constant 0 : index
    %get3A_7 = vector.load %arg1[%get3A_4, %get3A_5, %get3A_6] : memref<2x2000x128xf32, #tpu.memory_space<vmem>>, vector<1x2000x128xf32>
    %get3A_8 = vector.shape_cast %get3A_7 : vector<1x2000x128xf32> to vector<2000x128xf32>
    %add3A = arith.addf %get3A_3, %get3A_8 : vector<2000x128xf32>
    %get3A_9 = arith.constant 0 : index
    %get3A_10 = arith.constant 0 : index
    %get3A_11 = vector.load %arg2[%get3A_9, %get3A_10] : memref<128x128xf32, #tpu.memory_space<vmem>>, vector<128x128xf32>
    %dot_general3A = arith.constant dense<0.000000e+00> : vector<2000x128xf32>
    %dot_general3A_12 = tpu.matmul %add3A, %get3A_11, %dot_general3A {dimension_numbers = #tpu.dot_dimension_numbers<[1], [0], [0], [1], [0, 0, 1, 1], [], []>, transpose_lhs_hint = false} : vector<2000x128xf32>, vector<128x128xf32>, vector<2000x128xf32> -> vector<2000x128xf32>
    %get3A_13 = arith.constant 0 : index
    %get3A_14 = arith.constant 0 : index
    %get3A_15 = vector.load %arg3[%get3A_13, %get3A_14] : memref<1x128xf32, #tpu.memory_space<vmem>>, vector<1x128xf32>
    %add3A_16 = vector.broadcast %get3A_15 : vector<1x128xf32> to vector<2000x128xf32>
    %add3A_17 = arith.addf %dot_general3A_12, %add3A_16 : vector<2000x128xf32>
    %max3A = arith.constant 0.000000e+00 : f32
    %max3A_18 = vector.broadcast %max3A : f32 to vector<2000x128xf32>
    %max3A_19 = arith.maximumf %add3A_17, %max3A_18 : vector<2000x128xf32>
    %swap3A = arith.constant 0 : index
    %swap3A_20 = arith.constant 0 : index
    %swap3A_21 = vector.load %arg4[%swap3A, %swap3A_20] : memref<2000x128xf32, #tpu.memory_space<vmem>>, vector<2000x128xf32>
    tpu.vector_store %arg4[%swap3A, %swap3A_20], %max3A_19 {strides = array<i32>} : memref<2000x128xf32, #tpu.memory_space<vmem>>, vector<2000x128xf32>,
    return
  }
  func.func @transform_0(%arg0: i32) -> (i32, i32, i32) {
    %c0_i32 = arith.constant 0 : i32
    %c0_i32_0 = arith.constant 0 : i32
    %c0_i32_1 = arith.constant 0 : i32
    return %c0_i32, %arg0, %c0_i32_0 : i32, i32, i32
  }
  func.func @transform_1(%arg0: i32) -> (i32, i32) {
    %c0_i32 = arith.constant 0 : i32
    %c0_i32_0 = arith.constant 0 : i32
    %c0_i32_1 = arith.constant 0 : i32
    return %c0_i32, %c0_i32_0 : i32, i32
  }
  func.func @transform_2(%arg0: i32) -> (i32, i32) {
    %c0_i32 = arith.constant 0 : i32
    %c0_i32_0 = arith.constant 0 : i32
    %c0_i32_1 = arith.constant 0 : i32
    return %c0_i32, %c0_i32_0 : i32, i32
  }
  func.func @transform_3(%arg0: i32) -> (i32, i32) {
    %c0_i32 = arith.constant 0 : i32
    %c0_i32_0 = arith.constant 0 : i32
    return %arg0, %c0_i32 : i32, i32
  }
}

module attributes {stable_mosaic.version = 14 : i64} {
  func.func @_split_edges_body(%arg0: i32, %arg1: memref<2x320000xi32, #tpu.memory_space<vmem>>, %arg2: memref<320000xi32, #tpu.memory_space<vmem>>, %arg3: memref<320000xi32, #tpu.memory_space<vmem>>) attributes {dimension_semantics = [#tpu.dimension_semantics<arbitrary>], iteration_bounds = array<i64: 1>, scalar_prefetch = 0 : i64, scratch_operands = 0 : i64, tpu.core_type = #tpu.core_type<tc>, window_params = [{pipeline_mode = #tpu.pipeline_mode<synchronous>, transform_indices = @transform_0, window_bounds = array<i64: 2, 320000>}, {pipeline_mode = #tpu.pipeline_mode<synchronous>, transform_indices = @transform_1, window_bounds = array<i64: 320000>}, {pipeline_mode = #tpu.pipeline_mode<synchronous>, transform_indices = @transform_2, window_bounds = array<i64: 320000>}]} {
    %get3A = arith.constant 0 : index
    %get3A_0 = arith.constant 0 : index
    %get3A_1 = vector.load %arg1[%get3A, %get3A_0] : memref<2x320000xi32, #tpu.memory_space<vmem>>, vector<1x320000xi32>
    %get3A_2 = vector.shape_cast %get3A_1 : vector<1x320000xi32> to vector<320000xi32>
    %swap3A = arith.constant 0 : index
    %swap3A_3 = vector.load %arg2[%swap3A] : memref<320000xi32, #tpu.memory_space<vmem>>, vector<320000xi32>
    tpu.vector_store %arg2[%swap3A], %get3A_2 {strides = array<i32>} : memref<320000xi32, #tpu.memory_space<vmem>>, vector<320000xi32>,
    %get3A_4 = arith.constant 1 : index
    %get3A_5 = arith.constant 0 : index
    %get3A_6 = vector.load %arg1[%get3A_4, %get3A_5] : memref<2x320000xi32, #tpu.memory_space<vmem>>, vector<1x320000xi32>
    %get3A_7 = vector.shape_cast %get3A_6 : vector<1x320000xi32> to vector<320000xi32>
    %swap3A_8 = arith.constant 0 : index
    %swap3A_9 = vector.load %arg3[%swap3A_8] : memref<320000xi32, #tpu.memory_space<vmem>>, vector<320000xi32>
    tpu.vector_store %arg3[%swap3A_8], %get3A_7 {strides = array<i32>} : memref<320000xi32, #tpu.memory_space<vmem>>, vector<320000xi32>,
    return
  }
  func.func @transform_0(%arg0: i32) -> (i32, i32) {
    %c0_i32 = arith.constant 0 : i32
    %c0_i32_0 = arith.constant 0 : i32
    %c0_i32_1 = arith.constant 0 : i32
    return %c0_i32, %c0_i32_0 : i32, i32
  }
  func.func @transform_1(%arg0: i32) -> i32 {
    %c0_i32 = arith.constant 0 : i32
    %c0_i32_0 = arith.constant 0 : i32
    return %c0_i32 : i32
  }
  func.func @transform_2(%arg0: i32) -> i32 {
    %c0_i32 = arith.constant 0 : i32
    %c0_i32_0 = arith.constant 0 : i32
    return %c0_i32 : i32
  }
}

module attributes {stable_mosaic.version = 14 : i64} {
  func.func @_pair_mm_relu_body(%arg0: i32, %arg1: memref<2x2000x128xf32, #tpu.memory_space<vmem>>, %arg2: memref<128x128xf32, #tpu.memory_space<vmem>>, %arg3: memref<1x128xf32, #tpu.memory_space<vmem>>, %arg4: memref<2000x128xf32, #tpu.memory_space<vmem>>) attributes {dimension_semantics = [#tpu.dimension_semantics<arbitrary>], iteration_bounds = array<i64: 5>, scalar_prefetch = 0 : i64, scratch_operands = 0 : i64, tpu.core_type = #tpu.core_type<tc>, window_params = [{transform_indices = @transform_0, window_bounds = array<i64: 2, 2000, 128>}, {pipeline_mode = #tpu.pipeline_mode<synchronous>, transform_indices = @transform_1, window_bounds = array<i64: 128, 128>}, {pipeline_mode = #tpu.pipeline_mode<synchronous>, transform_indices = @transform_2, window_bounds = array<i64: 1, 128>}, {transform_indices = @transform_3, window_bounds = array<i64: 2000, 128>}]} {
    %get3A = arith.constant 0 : index
    %get3A_0 = arith.constant 0 : index
    %get3A_1 = arith.constant 0 : index
    %get3A_2 = vector.load %arg1[%get3A, %get3A_0, %get3A_1] : memref<2x2000x128xf32, #tpu.memory_space<vmem>>, vector<1x2000x128xf32>
    %get3A_3 = vector.shape_cast %get3A_2 : vector<1x2000x128xf32> to vector<2000x128xf32>
    %get3A_4 = arith.constant 1 : index
    %get3A_5 = arith.constant 0 : index
    %get3A_6 = arith.constant 0 : index
    %get3A_7 = vector.load %arg1[%get3A_4, %get3A_5, %get3A_6] : memref<2x2000x128xf32, #tpu.memory_space<vmem>>, vector<1x2000x128xf32>
    %get3A_8 = vector.shape_cast %get3A_7 : vector<1x2000x128xf32> to vector<2000x128xf32>
    %add3A = arith.addf %get3A_3, %get3A_8 : vector<2000x128xf32>
    %get3A_9 = arith.constant 0 : index
    %get3A_10 = arith.constant 0 : index
    %get3A_11 = vector.load %arg2[%get3A_9, %get3A_10] : memref<128x128xf32, #tpu.memory_space<vmem>>, vector<128x128xf32>
    %dot_general3A = arith.constant dense<0.000000e+00> : vector<2000x128xf32>
    %dot_general3A_12 = tpu.matmul %add3A, %get3A_11, %dot_general3A {dimension_numbers = #tpu.dot_dimension_numbers<[1], [0], [0], [1], [0, 0, 1, 1], [], []>, transpose_lhs_hint = false} : vector<2000x128xf32>, vector<128x128xf32>, vector<2000x128xf32> -> vector<2000x128xf32>
    %get3A_13 = arith.constant 0 : index
    %get3A_14 = arith.constant 0 : index
    %get3A_15 = vector.load %arg3[%get3A_13, %get3A_14] : memref<1x128xf32, #tpu.memory_space<vmem>>, vector<1x128xf32>
    %add3A_16 = vector.broadcast %get3A_15 : vector<1x128xf32> to vector<2000x128xf32>
    %add3A_17 = arith.addf %dot_general3A_12, %add3A_16 : vector<2000x128xf32>
    %max3A = arith.constant 0.000000e+00 : f32
    %max3A_18 = vector.broadcast %max3A : f32 to vector<2000x128xf32>
    %max3A_19 = arith.maximumf %add3A_17, %max3A_18 : vector<2000x128xf32>
    %swap3A = arith.constant 0 : index
    %swap3A_20 = arith.constant 0 : index
    %swap3A_21 = vector.load %arg4[%swap3A, %swap3A_20] : memref<2000x128xf32, #tpu.memory_space<vmem>>, vector<2000x128xf32>
    tpu.vector_store %arg4[%swap3A, %swap3A_20], %max3A_19 {strides = array<i32>} : memref<2000x128xf32, #tpu.memory_space<vmem>>, vector<2000x128xf32>,
    return
  }
  func.func @transform_0(%arg0: i32) -> (i32, i32, i32) {
    %c0_i32 = arith.constant 0 : i32
    %c0_i32_0 = arith.constant 0 : i32
    %c0_i32_1 = arith.constant 0 : i32
    return %c0_i32, %arg0, %c0_i32_0 : i32, i32, i32
  }
  func.func @transform_1(%arg0: i32) -> (i32, i32) {
    %c0_i32 = arith.constant 0 : i32
    %c0_i32_0 = arith.constant 0 : i32
    %c0_i32_1 = arith.constant 0 : i32
    return %c0_i32, %c0_i32_0 : i32, i32
  }
  func.func @transform_2(%arg0: i32) -> (i32, i32) {
    %c0_i32 = arith.constant 0 : i32
    %c0_i32_0 = arith.constant 0 : i32
    %c0_i32_1 = arith.constant 0 : i32
    return %c0_i32, %c0_i32_0 : i32, i32
  }
  func.func @transform_3(%arg0: i32) -> (i32, i32) {
    %c0_i32 = arith.constant 0 : i32
    %c0_i32_0 = arith.constant 0 : i32
    return %arg0, %c0_i32 : i32, i32
  }
}

</mosaic_0001>

<sc_bundles>
// kernel: kernel.11.cloned.1.call-start
scs
__scs_entry_jumppad:
0x0: {  	(pc) =	sbr.rel $0x88, $3  }
0x1: {  	(tag) =	ssettag $0x0;
	lr =	simm.s32 $0x1  }
0x2: {  	[smem:$0x3F99] =	sst lr;
	_ =	strace $0xD0000000  }
0x3: {  	_ = 	snop  }
0x4: {  	_ = 	snop  }
0x5: {  	_ = 	snop  }
0x6: {  	_ = 	snop  }
0x7: {  	_ = 	snop  }
__scs_overlays_trampoline_lowered:
0x8: {  	[smem:$0x3FA8] =	sst s0  }
0x9: {  	[smem:$0x3FA9] =	sst s1  }
0xa: {  	[smem:$0x3FAA] =	sst s2  }
0xb: {  	[smem:$0x3FAB] =	sst s3  }
0xc: {  	[smem:$0x3FAC] =	sst s4  }
0xd: {  	[smem:$0x3FAD] =	sst s5  }
0xe: {  	[smem:$0x3FAE] =	sst s6  }
0xf: {  	[smem:$0x3FAF] =	sst s7  }
0x10: {  	[smem:$0x3FB0] =	sst s8  }
0x11: {  	[smem:$0x3FB1] =	sst s9;
	s0 =	simm.s32 @!p0 $0x0  }
0x12: {  	s1 =	sld [smem:$0x3F97];
	s0 =	simm.s32 @p0 $0x1  }
0x13: {  	[smem:$0x3FB2] =	sst s0;
	s0 =	simm.s32 @!p1 $0x0  }
0x14: {  	s2 =	sld [smem:$0x3F96];
	s0 =	simm.s32 @p1 $0x1  }
0x15: {  	[smem:$0x3FB3] =	sst s0;
	s0 =	simm.s32 @!p2 $0x0  }
0x16: {  	s3 =	sld [smem:$0x3FDB];
	s0 =	simm.s32 @p2 $0x1  }
0x17: {  	s4 =	simm.s32 $0x1BF5;
	[smem:$0x3FB5] =	sst s0  }
0x18: {  	s0 =	sld [smem:$0x3F98];
	_ =	swait.ge [sflag:s4], $0x0  }
0x19: {  	s7 =	sld [smem:$0x3F99]  }
0x1a: {  	s8 =	sadd.s32 $0xFFFFE003, lr  }
0x1b: {  	s9 =	sadd.s32 $0xFFFFFEF7, lr;
	s5 =	simm.s32 $0xFFFFFFFF;
	p2 =	slt.u32 s8, $0xFFFFF086  }
0x1c: {  	p1 =	slt.u32 s9, $0xF7A;
	s5 =	simm.s32 @!p2 $0x0  }
0x1d: {  	s5 =	simm.s32 @p1 $0x1;
	p0 =	seq.s32 s7, s2  }
0x1e: {  	s7 =	smul.u32 @!p0 $0xF7A, s2;
	p2 =	seq.s32 @!p0 s5, $0x0  }
0x1f: {  	s9 =	smul.u32 $0xF7A, s1;
	s8 =	simm.s32 @!p0 $0x1BF5;
	p2 =	por !p2, p0  }
0x20: {  	[sflag:s8] =	ssyncset.s32 @!p0 $0xFFFFF086;
	s6 =	sadd.s32 @!p0 s3, s7;
	s7 =	simm.s32 @!p0 $0x108  }
0x21: {  	s3 =	sadd.s32 s3, s9;
	s6 =	sadd.s32 @!p0 $0x88, s6;
	s7 =	simm.s32 @p2 $0x1082  }
0x22: {  	[simem:s7], [sflag:s8] =	dma.local @!p0 [hbm:s6], $0xF7A  }
0x23: {  	s9 =	sor.u32 $0xD0000000, s2;
	s6 =	simm.s32 $0x108;
	_ =	swait.ge @!p0 [sflag:s8], $0x0  }
0x24: {  	s3 =	sadd.s32 $0x88, s3;
	s6 =	simm.s32 @!p1 $0x1082;
	[sflag:s4] =	ssyncset.s32 $0xFFFFF086  }
0x25: {  	[simem:s6], [sflag:s4] =	dma.local [hbm:s3], $0xF7A  }
0x26: {  	[smem:$0x3F99] =	sst s1;
	(tag) =	ssettag s2;
	_ =	strace s9  }
0x27: {  	s1 =	sld [smem:$0x3FA9]  }
0x28: {  	s2 =	sld [smem:$0x3FAA]  }
0x29: {  	s4 =	sld [smem:$0x3FAC]  }
0x2a: {  	p0 =	seq.s32 s5, $0x0;
	s5 =	sld [smem:$0x3FAD]  }
0x2b: {  	s6 =	sld [smem:$0x3FAE]  }
0x2c: {  	s7 =	sld [smem:$0x3FAF]  }
0x2d: {  	s3 =	simm.s32 $0x108;
	s8 =	sld [smem:$0x3FB0]  }
0x2e: {  	s3 =	simm.s32 @!p0 $0x1082;
	s9 =	sld [smem:$0x3FB1]  }
0x2f: {  	lr =	sadd.s32 s0, s3;
	s0 =	sld [smem:$0x3FA8]  }
0x30: {  	s3 =	sld [smem:$0x3FAB]  }
0x31: {  	[smem:$0x3FB4] =	sst s10  }
0x32: {  	s10 =	sld [smem:$0x3FB2];
	_ =	sdelay $0x3  }
0x33: {  	p0 =	seq.s32 s10, $0x1;
	s10 =	sld [smem:$0x3FB4];
	_ =	sdelay $0x3  }
0x34: {  	[smem:$0x3FB4] =	sst s10  }
0x35: {  	s10 =	sld [smem:$0x3FB3];
	_ =	sdelay $0x3  }
0x36: {  	p1 =	seq.s32 s10, $0x1;
	s10 =	sld [smem:$0x3FB4];
	_ =	sdelay $0x3  }
0x37: {  	[smem:$0x3FB4] =	sst s10  }
0x38: {  	s10 =	sld [smem:$0x3FB5]  }
0x39: {  	_ = 	snop;
	(pc) =	sbr.ind lr, $3  }
0x3a: {  	_ = 	snop  }
0x3b: {  	_ = 	snop  }
0x3c: {  	p2 =	seq.s32 s10, $0x1;
	s10 =	sld [smem:$0x3FB4]  }
0x3d: {  	_ =	shalt  }
0x3e: {  	_ =	shalt  }
0x3f: {  	_ =	shalt  }
0x40: {  	_ =	shalt  }
0x41: {  	_ =	shalt  }
0x42: {  	_ =	shalt  }
0x43: {  	_ =	shalt  }
0x44: {  	_ =	shalt  }
0x45: {  	_ =	shalt  }
0x46: {  	_ =	shalt  }
0x47: {  	_ =	shalt  }
0x48: {  	_ =	shalt  }
0x49: {  	_ =	shalt  }
0x4a: {  	_ =	shalt  }
0x4b: {  	_ =	shalt  }
0x4c: {  	_ =	shalt  }
0x4d: {  	_ =	shalt  }
0x4e: {  	_ =	shalt  }
0x4f: {  	_ =	shalt  }
0x50: {  	_ =	shalt  }
0x51: {  	_ =	shalt  }
0x52: {  	_ =	shalt  }
0x53: {  	_ =	shalt  }
0x54: {  	_ =	shalt  }
0x55: {  	_ =	shalt  }
0x56: {  	_ =	shalt  }
0x57: {  	_ =	shalt  }
0x58: {  	_ =	shalt  }
0x59: {  	_ =	shalt  }
0x5a: {  	_ =	shalt  }
0x5b: {  	_ =	shalt  }
0x5c: {  	_ =	shalt  }
0x5d: {  	_ =	shalt  }
0x5e: {  	_ =	shalt  }
0x5f: {  	_ =	shalt  }
0x60: {  	_ =	shalt  }
0x61: {  	_ =	shalt  }
0x62: {  	_ =	shalt  }
0x63: {  	_ =	shalt  }
0x64: {  	_ =	shalt  }
0x65: {  	_ =	shalt  }
0x66: {  	_ =	shalt  }
0x67: {  	_ =	shalt  }
0x68: {  	_ =	shalt  }
0x69: {  	_ =	shalt  }
0x6a: {  	_ =	shalt  }
0x6b: {  	_ =	shalt  }
0x6c: {  	_ =	shalt  }
0x6d: {  	_ =	shalt  }
0x6e: {  	_ =	shalt  }
0x6f: {  	_ =	shalt  }
0x70: {  	_ =	shalt  }
0x71: {  	_ =	shalt  }
0x72: {  	_ =	shalt  }
0x73: {  	_ =	shalt  }
0x74: {  	_ =	shalt  }
0x75: {  	_ =	shalt  }
0x76: {  	_ =	shalt  }
0x77: {  	_ =	shalt  }
0x78: {  	_ =	shalt  }
0x79: {  	_ =	shalt  }
0x7a: {  	_ =	shalt  }
0x7b: {  	_ =	shalt  }
0x7c: {  	_ =	shalt  }
0x7d: {  	_ =	shalt  }
0x7e: {  	_ =	shalt  }
0x7f: {  	_ =	shalt  }
0x80: {  	_ =	shalt  }
0x81: {  	_ =	shalt  }
0x82: {  	_ =	shalt  }
0x83: {  	_ =	shalt  }
0x84: {  	_ =	shalt  }
0x85: {  	_ =	shalt  }
0x86: {  	_ =	shalt  }
0x87: {  	_ =	shalt  }
.Lfunc_end0:
.L_simem_size_0:
called_computation.1_lowered:
.L_overlay_start_0:
0x88: {  	s2 =	sld [smem:$0x3FD9]  }
0x89: {  	s3 =	sld [smem:$0x3FFE];
	_ =	sdelay $0x1  }
0x8a: {  	s1 =	srdreg.scid  }
0x8b: {  	s0 =	sand.u32 $0x1, s1  }
0x8c: {  	s17 =	sshll.u32 s0, $0xA;
	s2 =	sadd.s32 s3, s2  }
0x8d: {  	s2 =	sadd.s32 s2, s17  }
0x8e: {  	[smem:$0x3FC0] =	sst s2  }
0x8f: {  	_ = 	snop  }
0x90: {  	s2 =	sld [smem:$0x3FD0];
	(tm) =	ssettm $0x1  }
0x91: {  	s18 =	sld [smem:$0x3FFB];
	_ =	sdelay $0x3  }
0x92: {  	_ =	strace s18  }
0x93: {  	s3 =	sld [smem:$0x3FFC];
	_ =	sdelay $0x3  }
0x94: {  	_ =	strace s3  }
0x95: {  	s3 =	sld [smem:$0x3FFD];
	_ =	sdelay $0x3  }
0x96: {  	_ =	strace s3  }
0x97: {  	_ =	strace $0x8FFFFFFF  }
0x98: {  	s19 =	sld [smem:$0x3FDB];
	_ =	sdelay $0x1  }
0x99: {  	s4 =	simm.s32 $_scs_section_size  }
0x9a: {  	s5 =	simm.s32 $_size__tile_overlayer_lowered;
	s6 =	simm.s32 $_tile_overlayer_lowered  }
0x9b: {  	s22 =	simm.s32 $0x1BFF;
	s21 =	sshll.u32 s6, $0x1;
	s3 =	sadd.s32 s4, s19  }
0x9c: {  	s7 =	simm.s32 $0x0;
	s20 =	sshll.u32 s5, $0x1;
	s5 =	sadd.s32 s21, s3  }
0x9d: {  	[timem:s7], [sflag:s22] =	dma.local [hbm:s5], s20  }
0x9e: {  	_ =	swait.ge [sflag:s22], s20  }
0x9f: {  	s4 =	ssub.s32 $0x0, s20;
	[sflag:s22] =	ssyncset.done $0x0  }
0xa0: {  	[sflag:s22] =	ssyncadd.s32 s4;
	_ =	sdelay $0x1  }
0xa1: {  	s23 =	simm.s32 $0x1B8B  }
0xa2: {  	_ =	swait.ge [sflag:s23], $0x1  }
0xa3: {  	[sflag:s23] =	ssyncset.done $0x0  }
0xa4: {  	s25 =	simm.s32 $0x1B8E;
	s24 =	sld [smem:$0x3FFE];
	[sflag:s23] =	ssyncadd.s32 $0xFFFFFFFF  }
0xa5: {  	s26 =	simm.s32 $execute0_lowered;
	[smem:$0x3FD2] =	sst s25  }
0xa6: {  	s5 =	sshll.u32 s26, $0x1;
	_ =	strace $0x80000049;
	[dreg:$0x1] =	wrdreg $0xFFFFFFFF  }
0xa7: {  	s28 =	simm.s32 $_size_execute0_lowered;
	s3 =	sadd.s32 s3, s5;
	[dreg:$0x0] =	wrdreg $0x0  }
0xa8: {  	s5 =	sshll.u32 s28, $0x1;
	[dreg:$0x2] =	wrdreg s3  }
0xa9: {  	[dreg:$0x3] =	wrdreg s5  }
0xaa: {  	[dreg:$0x4] =	wrdreg $0xC0  }
0xab: {  	_ =	task [dreg:s7], $0x5FFFF  }
0xac: {  	[dreg:$0x1] =	wrdreg $0xFFFFFFFF  }
0xad: {  	[dreg:$0x0] =	wrdreg $0x60  }
0xae: {  	[dreg:$0x2] =	wrdreg s2  }
0xaf: {  	[dreg:$0x3] =	wrdreg s24  }
0xb0: {  	[dreg:$0x4] =	wrdreg $0x0  }
0xb1: {  	[dreg:$0x5] =	wrdreg $0x9  }
0xb2: {  	_ =	task.clear_ibuf [dreg:s7], $0x6FFFF;
	_ =	strace $0x90000049  }
0xb3: {  	s29 =	simm.s32 $0x9;
	_ =	strace $0x8000004B  }
0xb4: {  	_ =	swait.ge [sflag:s29], $0x1  }
0xb5: {  	[sflag:s29] =	ssyncadd.s32 $0xFFFFFFFF  }
0xb6: {  	_ =	strace $0x9000004B  }
0xb7: {  	_ =	sfence  }
0xb8: {  	s30 =	sld [smem:$0x0];
	_ =	sdelay $0x2  }
0xb9: {  	s31 =	sshll.u32 s1, $0xD;
	s1 =	sshrl.u32 s1, $0x2  }
0xba: {  	s3 =	sand.u32 $0x4000, s31;
	s1 =	sadd.s32 s1, s30  }
0xbb: {  	s0 =	sor.u32 s3, s0;
	s1 =	sshll.u32 s1, $0x11  }
0xbc: {  	s0 =	sor.u32 s1, s0  }
0xbd: {  	s0 =	sadd.s32 $0x8F2B, s0  }
0xbe: {  	[sflag:s0] =	ssyncadd.remote.s32 $0x1  }
0xbf: {  	_ =	sfence.sel $0xFFFF  }
0xc0: {  	[dreg:$0x0] =	wrdreg $0xFFFFFFFF;
	(pc) =	sbr.abs _section_cstart, $3  }
0xc1: {  	[dreg:$0x1] =	wrdreg $0xFFFFFFFF  }
0xc2: {  	_ =	task.clear_ibuf [dreg:s7], $0x2FFFF;
	_ =	strace $0x9FFFFFFF  }
0xc3: {  	(tm) =	ssettm $0x7FFFFFFF  }
tec
execute0_lowered:
.L_overlay_start_1:
0x0: {  	(tag) =	ssettag $0x1  }
0x1: {  	s1 =	rddreg [dreg:$0x0]  }
0x2: {  	s0 =	rddreg [dreg:$0x1]  }
0x3: {  	s3 =	rddreg [dreg:$0x2]  }
0x4: {  	s4 =	simm.s32 $0x0;
	s19 =	stileid.u32;
	s7 =	srdreg.scid  }
0x5: {  	s31 =	simm.s32 $0x13C80;
	s28 =	simm.s32 $0x13B00;
	s2 =	smul.u32 $0x13800, s19  }
0x6: {  	[smem:$0x7FF] =	sst s4;
	s5 =	sadd.s32 $0x2600, s0;
	s9 =	smul.u32 $0x4E000, s19  }
0x7: {  	s6 =	sadd.s32 $0xC400, s0;
	s7 =	sand.u32 $0x1, s7;
	s25 =	smul.u32 $0x9C0, s19  }
0x8: {  	s10 =	sadd.s32 $0x3D400, s0;
	s13 =	sshll.u32 s19, $0x1;
	s26 =	smul.u32 $0x9C, s19  }
0x9: {  	s15 =	sshll.u32 s19, $0x6;
	s17 =	sadd.s32 $0xC410, s0;
	s21 =	smul.u32 $0x4E00, s19  }
0xa: {  	p0 =	sne.s32 s19, $0xF;
	p1 =	sgt.u32 s19, $0x1;
	s19 =	simm.s32 $0x1  }
0xb: {  	_ =	strace $0x8000004A;
	s11 =	ssub.s32 $0x2, s7;
	s24 =	smul.u32 $0x138800, s7  }
0xc: {  	s30 =	sor.u32 s7, s13;
	s29 =	sor.u32 $0x1C06, s15;
	s18 =	smul.u32 $0x4E0, s7  }
0xd: {  	s8 =	sshrl.u32 s2, $0x3;
	s12 =	sshrl.u32 s11, $0x1;
	s16 =	smul.u32 $0x4E0, s30  }
0xe: {  	s9 =	sshrl.u32 s9, $0x2;
	s13 =	smul.u32 $0x2700, s30;
	[dreg:$0x6] =	wrdreg s29  }
0xf: {  	s8 =	sadd.s32 s8, s0;
	s11 =	ssub.s32 s11, s12;
	s9 =	sadd.s32 s9, s3  }
0x10: {  	s12 =	sshll.u32 s30, $0x4;
	s2 =	sadd.s32 s2, s24;
	s0 =	sadd.s32 $0x3D200, s0  }
0x11: {  	[dreg:$0x4] =	wrdreg s9;
	s8 =	sadd.s32 $0x16200, s8;
	s14 =	sadd.s32 s5, s16  }
0x12: {  	s22 =	sadd.s32 s6, s16;
	s9 =	sadd.s32 s16, s17;
	[dreg:$0xe] =	wrdreg s0  }
0x13: {  	s23 =	sshrl.u32 s13, $0x3;
	s12 =	sor.u32 $0x9C00, s12;
	[dreg:$0x5] =	wrdreg s8  }
0x14: {  	s2 =	sshrl.u32 s2, $0x3;
	s16 =	smul.u32 $0x4E, s7;
	[dreg:$0x7] =	wrdreg s14  }
0x15: {  	s13 =	sshrl.u32 s24, $0x3;
	s7 =	smul.u32 $0x2700, s7;
	[dreg:$0x8] =	wrdreg s22  }
0x16: {  	s24 =	sadd.s32 $0x138000, s3;
	s0 =	simm.s32 $0x80;
	[dreg:$0x9] =	wrdreg s9  }
0x17: {  	s9 =	sadd.s32 s6, s23;
	s15 =	sadd.s32 s5, s12;
	[dreg:$0xd] =	wrdreg s24  }
0x18: {  	s2 =	sadd.s32 s10, s2;
	s30 =	sadd.s32 s10, s13;
	[dreg:$0xa] =	wrdreg s15  }
0x19: {  	s12 =	sadd.s32 s6, s12;
	s14 =	sadd.s32 s25, s6;
	[dreg:$0xb] =	wrdreg s2  }
0x1a: {  	s13 =	simm.s32 $0x13E80;
	[dreg:$0xc] =	wrdreg s12;
	s20 =	sadd.s32 s16, s26  }
0x1b: {  	s10 =	sadd.s32 s18, s14;
	s7 =	sadd.s32 s7, s21;
	s25 =	sadd.s32 $0x20, s9  }
0x1c: {  	s26 =	sadd.s32 $0x27000, s30;
	s30 =	smax.u32 s11, $0x1;
	s2 =	simm.s32 $0x13F80  }
0x1d: {  	s9 =	simm.s32 $0x1BF80;
	s11 =	simm.s32 $0x13D80;
	[dreg:$0xf] =	wrdreg s25  }
0x1e: {  	s21 =	simm.s32 $0x2;
	s12 =	sshll.u32 s20, $0x4;
	[dreg:$0x10] =	wrdreg s26  }
0x1f: {  	s23 =	sadd.s32 $0x200, s7;
	s7 =	sadd.s32 $0x280, s7;
	[dreg:$0x11] =	wrdreg s30  }
0x20: {  	s24 =	sadd.s32 $0x80, s10;
	s26 =	simm.s32 $0x6;
	s10 =	simm.s32 $0x13A00  }
0x21: {  	s20 =	simm.s32 $0x5;
	s22 =	sadd.s32 $0x60, s12;
	s12 =	sadd.s32 $0x20, s12  }
.Ltmp0:
0x22: {  	s8 =	sshrl.u32 s23, $0x3;
	s7 =	sshrl.u32 s7, $0x3;
	(pc) =	sbr.rel .LBB2_1-.Ltmp0, $4  }
0x23: {  	s23 =	simm.s32 $0x3;
	s14 =	sadd.s32 s22, s5;
	s5 =	sadd.s32 s12, s5  }
0x24: {  	s15 =	sadd.s32 s12, s17;
	s16 =	sadd.s32 s22, s6;
	s17 =	sadd.s32 s8, s6  }
0x25: {  	s18 =	sadd.s32 s7, s6;
	s6 =	simm.s32 $0x17F80;
	s12 =	simm.s32 $0x13E00  }
0x26: {  	s22 =	simm.s32 $0x13A80;
	s8 =	simm.s32 $0x0;
	s25 =	sadd.s32 $0x10, s5  }
.LBB2_4:
0x27: {  	_ =	swait.ge [sflag:s23], $0x4000  }
0x28: {  	[sflag:s23] =	ssyncset.done $0x0  }
0x29: {  	[sflag:s23] =	ssyncadd.s32 $0xFFFFC000  }
0x2a: {  	[spmem:s3] =	stream.indirect.scatter.add.f32 [tilespmem:s9], [sflag:$0x6], $0x80, s13, s0, $0xb8;
	[tilespmem:$0x1FF80] =	vst v63  }
0x2b: {  	_ =	swait.ge [sflag:s26], $0x4000  }
0x2c: {  	s5 =	simm.s32 @!p1 $0x0;
	[sflag:s26] =	ssyncset.done $0x0  }
0x2d: {  	s7 =	simm.s32 @!p1 $0x13880;
	s8 =	rddreg [dreg:$0xa];
	[sflag:s26] =	ssyncadd.s32 $0xFFFFC000  }
0x2e: {  	[tilespmem:s7], [sflag:$0x6] =	stream.linear.gather @!p1 [hbm4b:s8+s5], $0x80, $0x38;
	[tilespmem:$0x1FF80] =	vst v63  }
0x2f: {  	s8 =	simm.s32 @!p1 $0x6  }
0x30: {  	_ =	swait.ge @!p1 [sflag:s8], $0x80  }
0x31: {  	[sflag:s8] =	ssyncset.done @!p1 $0x0  }
0x32: {  	s29 =	simm.s32 @!p1 $0x13B80;
	s30 =	rddreg [dreg:$0xc];
	[sflag:s8] =	ssyncadd.s32 @!p1 $0xFFFFFF80  }
0x33: {  	[tilespmem:s29], [sflag:$0x6] =	stream.linear.gather @!p1 [hbm4b:s30+s5], $0x80, $0x38;
	[tilespmem:$0x1FF80] =	vst v63  }
0x34: {  	_ =	swait.ge @!p1 [sflag:s8], $0x80  }
0x35: {  	[sflag:s8] =	ssyncset.done @!p1 $0x0  }
0x36: {  	s5 =	simm.s32 @!p1 $0x80;
	s30 =	simm.s32 @!p1 $0x13F80;
	[sflag:s8] =	ssyncadd.s32 @!p1 $0xFFFFFF80  }
0x37: {  	[tilespmem:s30], [sflag:$0x1] =	stream.indirect.gather @!p1 [hbm4b:s1+s5], $0x80, s7, s5, $0xb8;
	[tilespmem:$0x1FF80] =	vst v63  }
0x38: {  	s7 =	simm.s32 @!p1 $0x1  }
0x39: {  	_ =	swait.ge @!p1 [sflag:s7], $0x4000  }
0x3a: {  	[sflag:s7] =	ssyncset.done @!p1 $0x0  }
0x3b: {  	[sflag:s7] =	ssyncadd.s32 @!p1 $0xFFFFC000  }
0x3c: {  	[spmem:s3] =	stream.indirect.scatter.add.f32 @!p1 [tilespmem:s30], [sflag:$0x6], $0x80, s29, s5, $0xb8;
	[tilespmem:$0x1FF80] =	vst v63  }
0x3d: {  	_ =	swait.ge @!p1 [sflag:s8], $0x4000  }
0x3e: {  	[sflag:s8] =	ssyncset.done @!p1 $0x0  }
0x3f: {  	[sflag:s8] =	ssyncadd.s32 @!p1 $0xFFFFC000  }
0x40: {  	[bflag:$0x0] =	sbarrier.arrive $0xFFFF  }
0x41: {  	s29 =	rddreg [dreg:$0x6]  }
0x42: {  	s8 =	rddreg [dreg:$0xb]  }
0x43: {  	s30 =	rddreg [dreg:$0x13]  }
0x44: {  	[hbm:s8], [sflag:s29] =	dma.local [spmem:s30], $0x2700  }
0x45: {  	_ =	swait.ge [sflag:s26], $0x2700  }
0x46: {  	[sflag:s26] =	ssyncset.done $0x0;
	s5 =	rddreg [dreg:$0x10]  }
0x47: {  	s7 =	rddreg [dreg:$0x14];
	[sflag:s26] =	ssyncadd.s32 $0xFFFFD900  }
0x48: {  	[hbm:s5], [sflag:s29] =	dma.local @!p0 [spmem:s7], $0x100  }
0x49: {  	s5 =	simm.s32 @!p0 $0x6  }
0x4a: {  	_ =	swait.ge @!p0 [sflag:s5], $0x100  }
0x4b: {  	s7 =	rddreg [dreg:$0x12]  }
0x4c: {  	s30 =	rddreg [dreg:$0x11];
	s8 =	sadd.s32 $0x1, s7  }
0x4d: {  	p2 =	sne.s32 s8, s30  }
.Ltmp1:
0x4e: {  	_ = 	snop;
	(pc) =	sbr.rel @!p2 .LBB2_5-.Ltmp1, $3  }
0x4f: {  	_ =	sdelay $0x1  }
0x50: {  	[sflag:s5] =	ssyncset.done @!p0 $0x0  }
0x51: {  	[sflag:s5] =	ssyncadd.s32 @!p0 $0xFFFFFF00  }
.LBB2_1:
0x52: {  	[dreg:$0x12] =	wrdreg s8  }
0x53: {  	s5 =	rddreg [dreg:$0x4]  }
0x54: {  	s30 =	rddreg [dreg:$0x5];
	s7 =	sshrl.u32 s5, $0x3  }
0x55: {  	[dreg:$0x13] =	wrdreg s7  }
0x56: {  	[spmem:s7], [sflag:s29] =	dma.local [hbm:s30], $0x2700  }
0x57: {  	_ =	swait.ge [sflag:s26], $0x2700  }
0x58: {  	s5 =	rddreg [dreg:$0xd]  }
0x59: {  	[sflag:s26] =	ssyncset.done $0x0;
	s7 =	sshrl.u32 @!p0 s5, $0x3;
	s5 =	rddreg [dreg:$0xe]  }
0x5a: {  	[sflag:s26] =	ssyncadd.s32 $0xFFFFD900;
	[dreg:$0x14] =	wrdreg s7  }
0x5b: {  	[spmem:s7], [sflag:s29] =	dma.local @!p0 [hbm:s5], $0x100  }
0x5c: {  	s7 =	simm.s32 @!p0 $0x6  }
0x5d: {  	_ =	swait.ge @!p0 [sflag:s7], $0x100  }
0x5e: {  	[sflag:s7] =	ssyncset.done @!p0 $0x0  }
0x5f: {  	s8 =	rddreg [dreg:$0x7];
	[sflag:s7] =	ssyncadd.s32 @!p0 $0xFFFFFF00;
	s7 =	simm.s32 $0x13880  }
0x60: {  	[tilespmem:s7], [sflag:$0x6] =	stream.linear.gather [hbm4b:s8+s4], $0x180, $0x38;
	[tilespmem:$0x1FF80] =	vst v63  }
0x61: {  	_ =	swait.ge [sflag:s26], $0x180  }
0x62: {  	[sflag:s26] =	ssyncset.done $0x0  }
0x63: {  	s30 =	simm.s32 $0x13B80;
	s29 =	rddreg [dreg:$0x8];
	[sflag:s26] =	ssyncadd.s32 $0xFFFFFE80  }
0x64: {  	[tilespmem:s30], [sflag:$0x6] =	stream.linear.gather [hbm4b:s29+s4], $0x80, $0x38;
	[tilespmem:$0x1FF80] =	vst v63  }
0x65: {  	_ =	swait.ge [sflag:s26], $0x80  }
0x66: {  	[sflag:s26] =	ssyncset.done $0x0  }
0x67: {  	s30 =	simm.s32 $0x13C00;
	s29 =	rddreg [dreg:$0x9];
	[sflag:s26] =	ssyncadd.s32 $0xFFFFFF80  }
0x68: {  	[tilespmem:s30], [sflag:$0x6] =	stream.linear.gather [hbm4b:s29+s4], $0x80, $0x38;
	[tilespmem:$0x1FF80] =	vst v63  }
0x69: {  	_ =	swait.ge [sflag:s26], $0x80  }
0x6a: {  	[sflag:s26] =	ssyncset.done $0x0  }
0x6b: {  	s8 =	rddreg [dreg:$0xf];
	[sflag:s26] =	ssyncadd.s32 $0xFFFFFF80  }
0x6c: {  	[tilespmem:s31], [sflag:$0x6] =	stream.linear.gather [hbm4b:s8+s4], $0x80, $0x38;
	[tilespmem:$0x1FF80] =	vst v63  }
0x6d: {  	_ =	swait.ge [sflag:s26], $0x80  }
0x6e: {  	[sflag:s26] =	ssyncset.done $0x0  }
0x6f: {  	[sflag:s26] =	ssyncadd.s32 $0xFFFFFF80  }
0x70: {  	[bflag:$0x0] =	sbarrier.arrive $0xFFFF  }
0x71: {  	[tilespmem:s2], [sflag:$0x1] =	stream.indirect.gather [hbm4b:s1+s0], $0x80, s7, s0, $0xb8;
	[tilespmem:$0x1FF80] =	vst v63  }
0x72: {  	s29 =	simm.s32 $0x13900  }
0x73: {  	[tilespmem:s6], [sflag:$0x2] =	stream.indirect.gather [hbm4b:s1+s0], $0x80, s29, s0, $0xb8;
	[tilespmem:$0x1FF80] =	vst v63  }
0x74: {  	s30 =	simm.s32 $0x13980;
	s7 =	simm.s32 $0x0  }
0x75: {  	[tilespmem:s9], [sflag:$0x3] =	stream.indirect.gather [hbm4b:s1+s0], $0x80, s30, s0, $0xb8;
	[tilespmem:$0x1FF80] =	vst v63  }
.LBB2_2:
0x76: {  	s5 =	sadd.s32 s7, s25  }
0x77: {  	[tilespmem:s10], [sflag:$0x5] =	stream.linear.gather [hbm4b:s5+s4], $0x180, $0x38;
	[tilespmem:$0x1FF80] =	vst v63  }
0x78: {  	s29 =	sadd.s32 s7, s15  }
0x79: {  	[tilespmem:s11], [sflag:$0x5] =	stream.linear.gather [hbm4b:s29+s4], $0x80, $0x38;
	[tilespmem:$0x1FF80] =	vst v63  }
0x7a: {  	s30 =	sadd.s32 s7, s17  }
0x7b: {  	[tilespmem:s12], [sflag:$0x5] =	stream.linear.gather [hbm4b:s30+s4], $0x80, $0x38;
	[tilespmem:$0x1FF80] =	vst v63  }
0x7c: {  	s8 =	sadd.s32 s7, s18  }
0x7d: {  	[tilespmem:s13], [sflag:$0x5] =	stream.linear.gather [hbm4b:s8+s4], $0x80, $0x38;
	[tilespmem:$0x1FF80] =	vst v63  }
0x7e: {  	_ =	swait.ge [sflag:s19], $0x4000  }
0x7f: {  	[sflag:s19] =	ssyncset.done $0x0  }
0x80: {  	s29 =	simm.s32 $0x13B80;
	[sflag:s19] =	ssyncadd.s32 $0xFFFFC000  }
0x81: {  	[spmem:s3] =	stream.indirect.scatter.add.f32 [tilespmem:s2], [sflag:$0x6], $0x80, s29, s0, $0xb8;
	[tilespmem:$0x1FF80] =	vst v63  }
0x82: {  	_ =	swait.ge [sflag:s26], $0x4000  }
0x83: {  	[sflag:s26] =	ssyncset.done $0x0  }
0x84: {  	[sflag:s26] =	ssyncadd.s32 $0xFFFFC000  }
0x85: {  	_ =	swait.ge [sflag:s20], $0x180  }
0x86: {  	[sflag:s20] =	ssyncset.done $0x0  }
0x87: {  	[sflag:s20] =	ssyncadd.s32 $0xFFFFFE80  }
0x88: {  	_ =	swait.ge [sflag:s20], $0x80  }
0x89: {  	[sflag:s20] =	ssyncset.done $0x0  }
0x8a: {  	[sflag:s20] =	ssyncadd.s32 $0xFFFFFF80  }
0x8b: {  	_ =	swait.ge [sflag:s20], $0x80  }
0x8c: {  	[sflag:s20] =	ssyncset.done $0x0  }
0x8d: {  	[sflag:s20] =	ssyncadd.s32 $0xFFFFFF80  }
0x8e: {  	_ =	swait.ge [sflag:s20], $0x80  }
0x8f: {  	[sflag:s20] =	ssyncset.done $0x0  }
0x90: {  	[sflag:s20] =	ssyncadd.s32 $0xFFFFFF80  }
0x91: {  	[tilespmem:s2], [sflag:$0x1] =	stream.indirect.gather [hbm4b:s1+s0], $0x80, s10, s0, $0xb8;
	[tilespmem:$0x1FF80] =	vst v63  }
0x92: {  	_ =	swait.ge [sflag:s21], $0x4000  }
0x93: {  	[sflag:s21] =	ssyncset.done $0x0  }
0x94: {  	s30 =	simm.s32 $0x13C00;
	[sflag:s21] =	ssyncadd.s32 $0xFFFFC000  }
0x95: {  	[spmem:s3] =	stream.indirect.scatter.add.f32 [tilespmem:s6], [sflag:$0x6], $0x80, s30, s0, $0xb8;
	[tilespmem:$0x1FF80] =	vst v63  }
0x96: {  	_ =	swait.ge [sflag:s26], $0x4000  }
0x97: {  	[sflag:s26] =	ssyncset.done $0x0  }
0x98: {  	[sflag:s26] =	ssyncadd.s32 $0xFFFFC000  }
0x99: {  	[tilespmem:s6], [sflag:$0x2] =	stream.indirect.gather [hbm4b:s1+s0], $0x80, s22, s0, $0xb8;
	[tilespmem:$0x1FF80] =	vst v63  }
0x9a: {  	_ =	swait.ge [sflag:s23], $0x4000  }
0x9b: {  	[sflag:s23] =	ssyncset.done $0x0  }
0x9c: {  	[sflag:s23] =	ssyncadd.s32 $0xFFFFC000  }
0x9d: {  	[spmem:s3] =	stream.indirect.scatter.add.f32 [tilespmem:s9], [sflag:$0x6], $0x80, s31, s0, $0xb8;
	[tilespmem:$0x1FF80] =	vst v63  }
0x9e: {  	_ =	swait.ge [sflag:s26], $0x4000  }
0x9f: {  	p2 =	seq.s32 s7, $0x480;
	[sflag:s26] =	ssyncset.done $0x0  }
0xa0: {  	s5 =	simm.s32 @p2 $0x1;
	[sflag:s26] =	ssyncadd.s32 $0xFFFFC000  }
0xa1: {  	[tilespmem:s9], [sflag:$0x3] =	stream.indirect.gather [hbm4b:s1+s0], $0x80, s28, s0, $0xb8;
	[tilespmem:$0x1FF80] =	vst v63  }
0xa2: {  	_ =	swait.ge @p2 [sflag:s5], $0x4000  }
0xa3: {  	s8 =	simm.s32 @p2 $0x13D80;
	[sflag:s5] =	ssyncset.done @p2 $0x0  }
0xa4: {  	s29 =	simm.s32 @p2 $0x13F80;
	[sflag:s5] =	ssyncadd.s32 @p2 $0xFFFFC000;
	s5 =	simm.s32 @p2 $0x80  }
0xa5: {  	[spmem:s3] =	stream.indirect.scatter.add.f32 @p2 [tilespmem:s29], [sflag:$0x6], $0x80, s8, s5, $0xb8;
	[tilespmem:$0x1FF80] =	vst v63  }
0xa6: {  	s5 =	simm.s32 @p2 $0x6  }
0xa7: {  	_ =	swait.ge @p2 [sflag:s5], $0x4000  }
0xa8: {  	s8 =	simm.s32 @!p2 $0x0;
	[sflag:s5] =	ssyncset.done @p2 $0x0  }
0xa9: {  	s29 =	simm.s32 @!p2 $0x13880;
	[sflag:s5] =	ssyncadd.s32 @p2 $0xFFFFC000;
	s5 =	sadd.s32 @!p2 s7, s14  }
0xaa: {  	[tilespmem:s29], [sflag:$0x4] =	stream.linear.gather @!p2 [hbm4b:s5+s8], $0x180, $0x38;
	[tilespmem:$0x1FF80] =	vst v63  }
0xab: {  	s30 =	simm.s32 @!p2 $0x13B80;
	s5 =	sadd.s32 @!p2 s7, s16  }
0xac: {  	[tilespmem:s30], [sflag:$0x4] =	stream.linear.gather @!p2 [hbm4b:s5+s8], $0x80, $0x38;
	[tilespmem:$0x1FF80] =	vst v63  }
0xad: {  	s5 =	sadd.s32 @!p2 $0x10, s5;
	s30 =	simm.s32 @!p2 $0x13C00  }
0xae: {  	[tilespmem:s30], [sflag:$0x4] =	stream.linear.gather @!p2 [hbm4b:s5+s8], $0x80, $0x38;
	[tilespmem:$0x1FF80] =	vst v63  }
0xaf: {  	s5 =	sadd.s32 @!p2 s7, s24;
	s30 =	simm.s32 @!p2 $0x13C80  }
0xb0: {  	[tilespmem:s30], [sflag:$0x4] =	stream.linear.gather @!p2 [hbm4b:s5+s8], $0x80, $0x38;
	[tilespmem:$0x1FF80] =	vst v63  }
0xb1: {  	s5 =	simm.s32 @!p2 $0x1  }
0xb2: {  	_ =	swait.ge @!p2 [sflag:s5], $0x4000  }
0xb3: {  	s8 =	simm.s32 @!p2 $0x13D80;
	[sflag:s5] =	ssyncset.done @!p2 $0x0  }
0xb4: {  	s30 =	simm.s32 @!p2 $0x13F80;
	[sflag:s5] =	ssyncadd.s32 @!p2 $0xFFFFC000;
	s5 =	simm.s32 @!p2 $0x80  }
0xb5: {  	[spmem:s3] =	stream.indirect.scatter.add.f32 @!p2 [tilespmem:s30], [sflag:$0x6], $0x80, s8, s5, $0xb8;
	[tilespmem:$0x1FF80] =	vst v63  }
0xb6: {  	s8 =	simm.s32 @!p2 $0x6  }
0xb7: {  	_ =	swait.ge @!p2 [sflag:s8], $0x4000  }
0xb8: {  	[sflag:s8] =	ssyncset.done @!p2 $0x0  }
0xb9: {  	[sflag:s8] =	ssyncadd.s32 @!p2 $0xFFFFC000;
	s8 =	simm.s32 @!p2 $0x4  }
0xba: {  	_ =	swait.ge @!p2 [sflag:s8], $0x180  }
0xbb: {  	[sflag:s8] =	ssyncset.done @!p2 $0x0  }
0xbc: {  	[sflag:s8] =	ssyncadd.s32 @!p2 $0xFFFFFE80  }
0xbd: {  	_ =	swait.ge @!p2 [sflag:s8], $0x80  }
0xbe: {  	[sflag:s8] =	ssyncset.done @!p2 $0x0  }
0xbf: {  	[sflag:s8] =	ssyncadd.s32 @!p2 $0xFFFFFF80  }
0xc0: {  	_ =	swait.ge @!p2 [sflag:s8], $0x80  }
0xc1: {  	[sflag:s8] =	ssyncset.done @!p2 $0x0  }
0xc2: {  	[sflag:s8] =	ssyncadd.s32 @!p2 $0xFFFFFF80  }
0xc3: {  	_ =	swait.ge @!p2 [sflag:s8], $0x80  }
0xc4: {  	[sflag:s8] =	ssyncset.done @!p2 $0x0  }
0xc5: {  	[sflag:s8] =	ssyncadd.s32 @!p2 $0xFFFFFF80  }
0xc6: {  	[tilespmem:s30], [sflag:$0x1] =	stream.indirect.gather @!p2 [hbm4b:s1+s5], $0x80, s29, s5, $0xb8;
	[tilespmem:$0x1FF80] =	vst v63  }
0xc7: {  	_ =	swait.ge [sflag:s21], $0x4000  }
0xc8: {  	[sflag:s21] =	ssyncset.done $0x0  }
.Ltmp2:
0xc9: {  	[sflag:s21] =	ssyncadd.s32 $0xFFFFC000;
	(pc) =	sbr.rel @p2 .LBB2_4-.Ltmp2, $4  }
0xca: {  	[spmem:s3] =	stream.indirect.scatter.add.f32 [tilespmem:s6], [sflag:$0x6], $0x80, s12, s0, $0xb8;
	[tilespmem:$0x1FF80] =	vst v63  }
0xcb: {  	_ =	swait.ge [sflag:s26], $0x4000  }
0xcc: {  	[sflag:s26] =	ssyncset.done $0x0  }
0xcd: {  	[sflag:s26] =	ssyncadd.s32 $0xFFFFC000  }
0xce: {  	s5 =	simm.s32 $0x13900  }
0xcf: {  	[tilespmem:s6], [sflag:$0x2] =	stream.indirect.gather [hbm4b:s1+s0], $0x80, s5, s0, $0xb8;
	[tilespmem:$0x1FF80] =	vst v63  }
0xd0: {  	_ =	swait.ge [sflag:s23], $0x4000  }
0xd1: {  	[sflag:s23] =	ssyncset.done $0x0  }
0xd2: {  	[sflag:s23] =	ssyncadd.s32 $0xFFFFC000  }
0xd3: {  	[spmem:s3] =	stream.indirect.scatter.add.f32 [tilespmem:s9], [sflag:$0x6], $0x80, s13, s0, $0xb8;
	[tilespmem:$0x1FF80] =	vst v63  }
.Ltmp3:
0xd4: {  	_ = 	snop;
	(pc) =	sbr.rel .LBB2_2-.Ltmp3, $4  }
0xd5: {  	_ =	swait.ge [sflag:s26], $0x4000  }
0xd6: {  	[sflag:s26] =	ssyncset.done $0x0  }
0xd7: {  	s30 =	simm.s32 $0x13980;
	s7 =	sadd.s32 $0x60, s7;
	[sflag:s26] =	ssyncadd.s32 $0xFFFFC000  }
0xd8: {  	[tilespmem:s9], [sflag:$0x3] =	stream.indirect.gather [hbm4b:s1+s0], $0x80, s30, s0, $0xb8;
	[tilespmem:$0x1FF80] =	vst v63  }
.LBB2_5:
0xd9: {  	_ =	sfence.sel $0x180000  }
0xda: {  	[bflag:$0x0] =	sbarrier.arrive $0xFFFF  }
0xdb: {  	_ =	strace $0x9000004A  }
0xdc: {  	s0 =	stileid.u32;
	[bflag:$0x2] =	sbarrier.arrive $0xFFFF  }
0xdd: {  	p0 =	sne.s32 s0, $0x0;
	s0 =	rddreg [dreg:$0x3]  }
0xde: {  	s0 =	sadd.s32 @!p0 $0x100000, s0  }
0xdf: {  	[sflag:s0] =	ssyncadd.tile.s32 @!p0 $0x1;
	_ =	shalt  }
.Lfunc_end2:
_tile_overlayer_lowered:
.L_overlay_start_2:
0xe0: {  	(tag) =	ssettag $0x2  }
0xe1: {  	s0 =	rddreg [dreg:$0x0];
	s2 =	stileid.u32  }
0xe2: {  	s1 =	rddreg [dreg:$0x1];
	p0 =	sne.s32 s2, $0x0  }
0xe3: {  	s3 =	rddreg [dreg:$0x2];
	[bflag:$0x3] =	sbarrier.arrive $0xFFFF;
	s2 =	simm.s32 @!p0 $0x1C06  }
0xe4: {  	[timem:s3], [sflag:s2] =	dma.local @!p0 [hbm:s0], s1  }
0xe5: {  	s0 =	simm.s32 @!p0 $0x6  }
0xe6: {  	_ =	swait.ge @!p0 [sflag:s0], s1  }
0xe7: {  	s1 =	ssub.s32 @!p0 $0x0, s1;
	[sflag:s0] =	ssyncset.done @!p0 $0x0  }
0xe8: {  	[sflag:s0] =	ssyncadd.s32 @!p0 s1  }
0xe9: {  	[bflag:$0x3] =	sbarrier.arrive $0xFFFF  }
0xea: {  	_ =	shalt  }

// kernel: kernel.8.cloned.1.call-start
scs
__scs_entry_jumppad:
0x0: {  	(pc) =	sbr.rel $0x88, $3  }
0x1: {  	(tag) =	ssettag $0x0;
	lr =	simm.s32 $0x1  }
0x2: {  	[smem:$0x3F99] =	sst lr;
	_ =	strace $0xD0000000  }
0x3: {  	_ = 	snop  }
0x4: {  	_ = 	snop  }
0x5: {  	_ = 	snop  }
0x6: {  	_ = 	snop  }
0x7: {  	_ = 	snop  }
__scs_overlays_trampoline_lowered:
0x8: {  	[smem:$0x3FA8] =	sst s0  }
0x9: {  	[smem:$0x3FA9] =	sst s1  }
0xa: {  	[smem:$0x3FAA] =	sst s2  }
0xb: {  	[smem:$0x3FAB] =	sst s3  }
0xc: {  	[smem:$0x3FAC] =	sst s4  }
0xd: {  	[smem:$0x3FAD] =	sst s5  }
0xe: {  	[smem:$0x3FAE] =	sst s6  }
0xf: {  	[smem:$0x3FAF] =	sst s7  }
0x10: {  	[smem:$0x3FB0] =	sst s8  }
0x11: {  	[smem:$0x3FB1] =	sst s9;
	s0 =	simm.s32 @!p0 $0x0  }
0x12: {  	s1 =	sld [smem:$0x3F97];
	s0 =	simm.s32 @p0 $0x1  }
0x13: {  	[smem:$0x3FB2] =	sst s0;
	s0 =	simm.s32 @!p1 $0x0  }
0x14: {  	s2 =	sld [smem:$0x3F96];
	s0 =	simm.s32 @p1 $0x1  }
0x15: {  	[smem:$0x3FB3] =	sst s0;
	s0 =	simm.s32 @!p2 $0x0  }
0x16: {  	s3 =	sld [smem:$0x3FDB];
	s0 =	simm.s32 @p2 $0x1  }
0x17: {  	s4 =	simm.s32 $0x1BF5;
	[smem:$0x3FB5] =	sst s0  }
0x18: {  	s0 =	sld [smem:$0x3F98];
	_ =	swait.ge [sflag:s4], $0x0  }
0x19: {  	s7 =	sld [smem:$0x3F99]  }
0x1a: {  	s8 =	sadd.s32 $0xFFFFE003, lr  }
0x1b: {  	s9 =	sadd.s32 $0xFFFFFEF7, lr;
	s5 =	simm.s32 $0xFFFFFFFF;
	p2 =	slt.u32 s8, $0xFFFFF086  }
0x1c: {  	p1 =	slt.u32 s9, $0xF7A;
	s5 =	simm.s32 @!p2 $0x0  }
0x1d: {  	s5 =	simm.s32 @p1 $0x1;
	p0 =	seq.s32 s7, s2  }
0x1e: {  	s7 =	smul.u32 @!p0 $0xF7A, s2;
	p2 =	seq.s32 @!p0 s5, $0x0  }
0x1f: {  	s9 =	smul.u32 $0xF7A, s1;
	s8 =	simm.s32 @!p0 $0x1BF5;
	p2 =	por !p2, p0  }
0x20: {  	[sflag:s8] =	ssyncset.s32 @!p0 $0xFFFFF086;
	s6 =	sadd.s32 @!p0 s3, s7;
	s7 =	simm.s32 @!p0 $0x108  }
0x21: {  	s3 =	sadd.s32 s3, s9;
	s6 =	sadd.s32 @!p0 $0x88, s6;
	s7 =	simm.s32 @p2 $0x1082  }
0x22: {  	[simem:s7], [sflag:s8] =	dma.local @!p0 [hbm:s6], $0xF7A  }
0x23: {  	s9 =	sor.u32 $0xD0000000, s2;
	s6 =	simm.s32 $0x108;
	_ =	swait.ge @!p0 [sflag:s8], $0x0  }
0x24: {  	s3 =	sadd.s32 $0x88, s3;
	s6 =	simm.s32 @!p1 $0x1082;
	[sflag:s4] =	ssyncset.s32 $0xFFFFF086  }
0x25: {  	[simem:s6], [sflag:s4] =	dma.local [hbm:s3], $0xF7A  }
0x26: {  	[smem:$0x3F99] =	sst s1;
	(tag) =	ssettag s2;
	_ =	strace s9  }
0x27: {  	s1 =	sld [smem:$0x3FA9]  }
0x28: {  	s2 =	sld [smem:$0x3FAA]  }
0x29: {  	s4 =	sld [smem:$0x3FAC]  }
0x2a: {  	p0 =	seq.s32 s5, $0x0;
	s5 =	sld [smem:$0x3FAD]  }
0x2b: {  	s6 =	sld [smem:$0x3FAE]  }
0x2c: {  	s7 =	sld [smem:$0x3FAF]  }
0x2d: {  	s3 =	simm.s32 $0x108;
	s8 =	sld [smem:$0x3FB0]  }
0x2e: {  	s3 =	simm.s32 @!p0 $0x1082;
	s9 =	sld [smem:$0x3FB1]  }
0x2f: {  	lr =	sadd.s32 s0, s3;
	s0 =	sld [smem:$0x3FA8]  }
0x30: {  	s3 =	sld [smem:$0x3FAB]  }
0x31: {  	[smem:$0x3FB4] =	sst s10  }
0x32: {  	s10 =	sld [smem:$0x3FB2];
	_ =	sdelay $0x3  }
0x33: {  	p0 =	seq.s32 s10, $0x1;
	s10 =	sld [smem:$0x3FB4];
	_ =	sdelay $0x3  }
0x34: {  	[smem:$0x3FB4] =	sst s10  }
0x35: {  	s10 =	sld [smem:$0x3FB3];
	_ =	sdelay $0x3  }
0x36: {  	p1 =	seq.s32 s10, $0x1;
	s10 =	sld [smem:$0x3FB4];
	_ =	sdelay $0x3  }
0x37: {  	[smem:$0x3FB4] =	sst s10  }
0x38: {  	s10 =	sld [smem:$0x3FB5]  }
0x39: {  	_ = 	snop;
	(pc) =	sbr.ind lr, $3  }
0x3a: {  	_ = 	snop  }
0x3b: {  	_ = 	snop  }
0x3c: {  	p2 =	seq.s32 s10, $0x1;
	s10 =	sld [smem:$0x3FB4]  }
0x3d: {  	_ =	shalt  }
0x3e: {  	_ =	shalt  }
0x3f: {  	_ =	shalt  }
0x40: {  	_ =	shalt  }
0x41: {  	_ =	shalt  }
0x42: {  	_ =	shalt  }
0x43: {  	_ =	shalt  }
0x44: {  	_ =	shalt  }
0x45: {  	_ =	shalt  }
0x46: {  	_ =	shalt  }
0x47: {  	_ =	shalt  }
0x48: {  	_ =	shalt  }
0x49: {  	_ =	shalt  }
0x4a: {  	_ =	shalt  }
0x4b: {  	_ =	shalt  }
0x4c: {  	_ =	shalt  }
0x4d: {  	_ =	shalt  }
0x4e: {  	_ =	shalt  }
0x4f: {  	_ =	shalt  }
0x50: {  	_ =	shalt  }
0x51: {  	_ =	shalt  }
0x52: {  	_ =	shalt  }
0x53: {  	_ =	shalt  }
0x54: {  	_ =	shalt  }
0x55: {  	_ =	shalt  }
0x56: {  	_ =	shalt  }
0x57: {  	_ =	shalt  }
0x58: {  	_ =	shalt  }
0x59: {  	_ =	shalt  }
0x5a: {  	_ =	shalt  }
0x5b: {  	_ =	shalt  }
0x5c: {  	_ =	shalt  }
0x5d: {  	_ =	shalt  }
0x5e: {  	_ =	shalt  }
0x5f: {  	_ =	shalt  }
0x60: {  	_ =	shalt  }
0x61: {  	_ =	shalt  }
0x62: {  	_ =	shalt  }
0x63: {  	_ =	shalt  }
0x64: {  	_ =	shalt  }
0x65: {  	_ =	shalt  }
0x66: {  	_ =	shalt  }
0x67: {  	_ =	shalt  }
0x68: {  	_ =	shalt  }
0x69: {  	_ =	shalt  }
0x6a: {  	_ =	shalt  }
0x6b: {  	_ =	shalt  }
0x6c: {  	_ =	shalt  }
0x6d: {  	_ =	shalt  }
0x6e: {  	_ =	shalt  }
0x6f: {  	_ =	shalt  }
0x70: {  	_ =	shalt  }
0x71: {  	_ =	shalt  }
0x72: {  	_ =	shalt  }
0x73: {  	_ =	shalt  }
0x74: {  	_ =	shalt  }
0x75: {  	_ =	shalt  }
0x76: {  	_ =	shalt  }
0x77: {  	_ =	shalt  }
0x78: {  	_ =	shalt  }
0x79: {  	_ =	shalt  }
0x7a: {  	_ =	shalt  }
0x7b: {  	_ =	shalt  }
0x7c: {  	_ =	shalt  }
0x7d: {  	_ =	shalt  }
0x7e: {  	_ =	shalt  }
0x7f: {  	_ =	shalt  }
0x80: {  	_ =	shalt  }
0x81: {  	_ =	shalt  }
0x82: {  	_ =	shalt  }
0x83: {  	_ =	shalt  }
0x84: {  	_ =	shalt  }
0x85: {  	_ =	shalt  }
0x86: {  	_ =	shalt  }
0x87: {  	_ =	shalt  }
.Lfunc_end0:
.L_simem_size_0:
called_computation_lowered:
.L_overlay_start_0:
0x88: {  	s2 =	sld [smem:$0x3FD9]  }
0x89: {  	s3 =	sld [smem:$0x3FFE];
	_ =	sdelay $0x1  }
0x8a: {  	s1 =	srdreg.scid  }
0x8b: {  	s0 =	sand.u32 $0x1, s1  }
0x8c: {  	s17 =	sshll.u32 s0, $0xA;
	s2 =	sadd.s32 s3, s2  }
0x8d: {  	s2 =	sadd.s32 s2, s17  }
0x8e: {  	[smem:$0x3FC0] =	sst s2  }
0x8f: {  	_ = 	snop  }
0x90: {  	s2 =	sld [smem:$0x3FD0];
	(tm) =	ssettm $0x1  }
0x91: {  	s18 =	sld [smem:$0x3FFB];
	_ =	sdelay $0x3  }
0x92: {  	_ =	strace s18  }
0x93: {  	s3 =	sld [smem:$0x3FFC];
	_ =	sdelay $0x3  }
0x94: {  	_ =	strace s3  }
0x95: {  	s3 =	sld [smem:$0x3FFD];
	_ =	sdelay $0x3  }
0x96: {  	_ =	strace s3  }
0x97: {  	_ =	strace $0x8FFFFFFF  }
0x98: {  	s19 =	sld [smem:$0x3FDB];
	_ =	sdelay $0x1  }
0x99: {  	s4 =	simm.s32 $_scs_section_size  }
0x9a: {  	s5 =	simm.s32 $_size__tile_overlayer_lowered;
	s6 =	simm.s32 $_tile_overlayer_lowered  }
0x9b: {  	s22 =	simm.s32 $0x1BFF;
	s21 =	sshll.u32 s6, $0x1;
	s3 =	sadd.s32 s4, s19  }
0x9c: {  	s7 =	simm.s32 $0x0;
	s20 =	sshll.u32 s5, $0x1;
	s5 =	sadd.s32 s21, s3  }
0x9d: {  	[timem:s7], [sflag:s22] =	dma.local [hbm:s5], s20  }
0x9e: {  	_ =	swait.ge [sflag:s22], s20  }
0x9f: {  	s4 =	ssub.s32 $0x0, s20;
	[sflag:s22] =	ssyncset.done $0x0  }
0xa0: {  	[sflag:s22] =	ssyncadd.s32 s4;
	_ =	sdelay $0x1  }
0xa1: {  	s23 =	simm.s32 $0x1B8B  }
0xa2: {  	_ =	swait.ge [sflag:s23], $0x1  }
0xa3: {  	[sflag:s23] =	ssyncset.done $0x0  }
0xa4: {  	s25 =	simm.s32 $0x1B8E;
	s24 =	sld [smem:$0x3FFE];
	[sflag:s23] =	ssyncadd.s32 $0xFFFFFFFF  }
0xa5: {  	s26 =	simm.s32 $execute0_lowered;
	[smem:$0x3FD2] =	sst s25  }
0xa6: {  	s5 =	sshll.u32 s26, $0x1;
	_ =	strace $0x80000046;
	[dreg:$0x1] =	wrdreg $0xFFFFFFFF  }
0xa7: {  	s28 =	simm.s32 $_size_execute0_lowered;
	s3 =	sadd.s32 s3, s5;
	[dreg:$0x0] =	wrdreg $0x0  }
0xa8: {  	s5 =	sshll.u32 s28, $0x1;
	[dreg:$0x2] =	wrdreg s3  }
0xa9: {  	[dreg:$0x3] =	wrdreg s5  }
0xaa: {  	[dreg:$0x4] =	wrdreg $0xC0  }
0xab: {  	_ =	task [dreg:s7], $0x5FFFF  }
0xac: {  	[dreg:$0x1] =	wrdreg $0xFFFFFFFF  }
0xad: {  	[dreg:$0x0] =	wrdreg $0x60  }
0xae: {  	[dreg:$0x2] =	wrdreg s2  }
0xaf: {  	[dreg:$0x3] =	wrdreg s24  }
0xb0: {  	[dreg:$0x4] =	wrdreg $0x0  }
0xb1: {  	[dreg:$0x5] =	wrdreg $0x9  }
0xb2: {  	_ =	task.clear_ibuf [dreg:s7], $0x6FFFF;
	_ =	strace $0x90000046  }
0xb3: {  	s29 =	simm.s32 $0x9;
	_ =	strace $0x80000048  }
0xb4: {  	_ =	swait.ge [sflag:s29], $0x1  }
0xb5: {  	[sflag:s29] =	ssyncadd.s32 $0xFFFFFFFF  }
0xb6: {  	_ =	strace $0x90000048  }
0xb7: {  	_ =	sfence  }
0xb8: {  	s30 =	sld [smem:$0x0];
	_ =	sdelay $0x2  }
0xb9: {  	s31 =	sshll.u32 s1, $0xD;
	s1 =	sshrl.u32 s1, $0x2  }
0xba: {  	s3 =	sand.u32 $0x4000, s31;
	s1 =	sadd.s32 s1, s30  }
0xbb: {  	s0 =	sor.u32 s3, s0;
	s1 =	sshll.u32 s1, $0x11  }
0xbc: {  	s0 =	sor.u32 s1, s0  }
0xbd: {  	s0 =	sadd.s32 $0x8F2B, s0  }
0xbe: {  	[sflag:s0] =	ssyncadd.remote.s32 $0x1  }
0xbf: {  	_ =	sfence.sel $0xFFFF  }
0xc0: {  	[dreg:$0x0] =	wrdreg $0xFFFFFFFF;
	(pc) =	sbr.abs _section_cstart, $3  }
0xc1: {  	[dreg:$0x1] =	wrdreg $0xFFFFFFFF  }
0xc2: {  	_ =	task.clear_ibuf [dreg:s7], $0x2FFFF;
	_ =	strace $0x9FFFFFFF  }
0xc3: {  	(tm) =	ssettm $0x7FFFFFFF  }
tec
execute0_lowered:
.L_overlay_start_1:
0x0: {  	(tag) =	ssettag $0x1  }
0x1: {  	s1 =	rddreg [dreg:$0x0]  }
0x2: {  	s0 =	rddreg [dreg:$0x1]  }
0x3: {  	s3 =	rddreg [dreg:$0x2]  }
0x4: {  	s4 =	simm.s32 $0x0;
	s19 =	stileid.u32;
	s7 =	srdreg.scid  }
0x5: {  	s31 =	simm.s32 $0x13C80;
	s28 =	simm.s32 $0x13B00;
	s2 =	smul.u32 $0x13800, s19  }
0x6: {  	[smem:$0x7FF] =	sst s4;
	s5 =	sadd.s32 $0x2600, s0;
	s9 =	smul.u32 $0x4E000, s19  }
0x7: {  	s6 =	sadd.s32 $0xC400, s0;
	s7 =	sand.u32 $0x1, s7;
	s25 =	smul.u32 $0x9C0, s19  }
0x8: {  	s10 =	sadd.s32 $0x3D400, s0;
	s13 =	sshll.u32 s19, $0x1;
	s26 =	smul.u32 $0x9C, s19  }
0x9: {  	s15 =	sshll.u32 s19, $0x6;
	s17 =	sadd.s32 $0xC410, s0;
	s21 =	smul.u32 $0x4E00, s19  }
0xa: {  	p0 =	sne.s32 s19, $0xF;
	p1 =	sgt.u32 s19, $0x1;
	s19 =	simm.s32 $0x1  }
0xb: {  	_ =	strace $0x80000047;
	s11 =	ssub.s32 $0x2, s7;
	s24 =	smul.u32 $0x138800, s7  }
0xc: {  	s30 =	sor.u32 s7, s13;
	s29 =	sor.u32 $0x1C06, s15;
	s18 =	smul.u32 $0x4E0, s7  }
0xd: {  	s8 =	sshrl.u32 s2, $0x3;
	s12 =	sshrl.u32 s11, $0x1;
	s16 =	smul.u32 $0x4E0, s30  }
0xe: {  	s9 =	sshrl.u32 s9, $0x2;
	s13 =	smul.u32 $0x2700, s30;
	[dreg:$0x6] =	wrdreg s29  }
0xf: {  	s8 =	sadd.s32 s8, s0;
	s11 =	ssub.s32 s11, s12;
	s9 =	sadd.s32 s9, s3  }
0x10: {  	s12 =	sshll.u32 s30, $0x4;
	s2 =	sadd.s32 s2, s24;
	s0 =	sadd.s32 $0x3D200, s0  }
0x11: {  	[dreg:$0x4] =	wrdreg s9;
	s8 =	sadd.s32 $0x16200, s8;
	s14 =	sadd.s32 s5, s16  }
0x12: {  	s22 =	sadd.s32 s6, s16;
	s9 =	sadd.s32 s16, s17;
	[dreg:$0xe] =	wrdreg s0  }
0x13: {  	s23 =	sshrl.u32 s13, $0x3;
	s12 =	sor.u32 $0x9C00, s12;
	[dreg:$0x5] =	wrdreg s8  }
0x14: {  	s2 =	sshrl.u32 s2, $0x3;
	s16 =	smul.u32 $0x4E, s7;
	[dreg:$0x7] =	wrdreg s14  }
0x15: {  	s13 =	sshrl.u32 s24, $0x3;
	s7 =	smul.u32 $0x2700, s7;
	[dreg:$0x8] =	wrdreg s22  }
0x16: {  	s24 =	sadd.s32 $0x138000, s3;
	s0 =	simm.s32 $0x80;
	[dreg:$0x9] =	wrdreg s9  }
0x17: {  	s9 =	sadd.s32 s6, s23;
	s15 =	sadd.s32 s5, s12;
	[dreg:$0xd] =	wrdreg s24  }
0x18: {  	s2 =	sadd.s32 s10, s2;
	s30 =	sadd.s32 s10, s13;
	[dreg:$0xa] =	wrdreg s15  }
0x19: {  	s12 =	sadd.s32 s6, s12;
	s14 =	sadd.s32 s25, s6;
	[dreg:$0xb] =	wrdreg s2  }
0x1a: {  	s13 =	simm.s32 $0x13E80;
	[dreg:$0xc] =	wrdreg s12;
	s20 =	sadd.s32 s16, s26  }
0x1b: {  	s10 =	sadd.s32 s18, s14;
	s7 =	sadd.s32 s7, s21;
	s25 =	sadd.s32 $0x20, s9  }
0x1c: {  	s26 =	sadd.s32 $0x27000, s30;
	s30 =	smax.u32 s11, $0x1;
	s2 =	simm.s32 $0x13F80  }
0x1d: {  	s9 =	simm.s32 $0x1BF80;
	s11 =	simm.s32 $0x13D80;
	[dreg:$0xf] =	wrdreg s25  }
0x1e: {  	s21 =	simm.s32 $0x2;
	s12 =	sshll.u32 s20, $0x4;
	[dreg:$0x10] =	wrdreg s26  }
0x1f: {  	s23 =	sadd.s32 $0x200, s7;
	s7 =	sadd.s32 $0x280, s7;
	[dreg:$0x11] =	wrdreg s30  }
0x20: {  	s24 =	sadd.s32 $0x80, s10;
	s26 =	simm.s32 $0x6;
	s10 =	simm.s32 $0x13A00  }
0x21: {  	s20 =	simm.s32 $0x5;
	s22 =	sadd.s32 $0x60, s12;
	s12 =	sadd.s32 $0x20, s12  }
.Ltmp0:
0x22: {  	s8 =	sshrl.u32 s23, $0x3;
	s7 =	sshrl.u32 s7, $0x3;
	(pc) =	sbr.rel .LBB2_1-.Ltmp0, $4  }
0x23: {  	s23 =	simm.s32 $0x3;
	s14 =	sadd.s32 s22, s5;
	s5 =	sadd.s32 s12, s5  }
0x24: {  	s15 =	sadd.s32 s12, s17;
	s16 =	sadd.s32 s22, s6;
	s17 =	sadd.s32 s8, s6  }
0x25: {  	s18 =	sadd.s32 s7, s6;
	s6 =	simm.s32 $0x17F80;
	s12 =	simm.s32 $0x13E00  }
0x26: {  	s22 =	simm.s32 $0x13A80;
	s8 =	simm.s32 $0x0;
	s25 =	sadd.s32 $0x10, s5  }
.LBB2_4:
0x27: {  	_ =	swait.ge [sflag:s23], $0x4000  }
0x28: {  	[sflag:s23] =	ssyncset.done $0x0  }
0x29: {  	[sflag:s23] =	ssyncadd.s32 $0xFFFFC000  }
0x2a: {  	[spmem:s3] =	stream.indirect.scatter.add.f32 [tilespmem:s9], [sflag:$0x6], $0x80, s13, s0, $0xb8;
	[tilespmem:$0x1FF80] =	vst v63  }
0x2b: {  	_ =	swait.ge [sflag:s26], $0x4000  }
0x2c: {  	s5 =	simm.s32 @!p1 $0x0;
	[sflag:s26] =	ssyncset.done $0x0  }
0x2d: {  	s7 =	simm.s32 @!p1 $0x13880;
	s8 =	rddreg [dreg:$0xa];
	[sflag:s26] =	ssyncadd.s32 $0xFFFFC000  }
0x2e: {  	[tilespmem:s7], [sflag:$0x6] =	stream.linear.gather @!p1 [hbm4b:s8+s5], $0x80, $0x38;
	[tilespmem:$0x1FF80] =	vst v63  }
0x2f: {  	s8 =	simm.s32 @!p1 $0x6  }
0x30: {  	_ =	swait.ge @!p1 [sflag:s8], $0x80  }
0x31: {  	[sflag:s8] =	ssyncset.done @!p1 $0x0  }
0x32: {  	s29 =	simm.s32 @!p1 $0x13B80;
	s30 =	rddreg [dreg:$0xc];
	[sflag:s8] =	ssyncadd.s32 @!p1 $0xFFFFFF80  }
0x33: {  	[tilespmem:s29], [sflag:$0x6] =	stream.linear.gather @!p1 [hbm4b:s30+s5], $0x80, $0x38;
	[tilespmem:$0x1FF80] =	vst v63  }
0x34: {  	_ =	swait.ge @!p1 [sflag:s8], $0x80  }
0x35: {  	[sflag:s8] =	ssyncset.done @!p1 $0x0  }
0x36: {  	s5 =	simm.s32 @!p1 $0x80;
	s30 =	simm.s32 @!p1 $0x13F80;
	[sflag:s8] =	ssyncadd.s32 @!p1 $0xFFFFFF80  }
0x37: {  	[tilespmem:s30], [sflag:$0x1] =	stream.indirect.gather @!p1 [hbm4b:s1+s5], $0x80, s7, s5, $0xb8;
	[tilespmem:$0x1FF80] =	vst v63  }
0x38: {  	s7 =	simm.s32 @!p1 $0x1  }
0x39: {  	_ =	swait.ge @!p1 [sflag:s7], $0x4000  }
0x3a: {  	[sflag:s7] =	ssyncset.done @!p1 $0x0  }
0x3b: {  	[sflag:s7] =	ssyncadd.s32 @!p1 $0xFFFFC000  }
0x3c: {  	[spmem:s3] =	stream.indirect.scatter.add.f32 @!p1 [tilespmem:s30], [sflag:$0x6], $0x80, s29, s5, $0xb8;
	[tilespmem:$0x1FF80] =	vst v63  }
0x3d: {  	_ =	swait.ge @!p1 [sflag:s8], $0x4000  }
0x3e: {  	[sflag:s8] =	ssyncset.done @!p1 $0x0  }
0x3f: {  	[sflag:s8] =	ssyncadd.s32 @!p1 $0xFFFFC000  }
0x40: {  	[bflag:$0x0] =	sbarrier.arrive $0xFFFF  }
0x41: {  	s29 =	rddreg [dreg:$0x6]  }
0x42: {  	s8 =	rddreg [dreg:$0xb]  }
0x43: {  	s30 =	rddreg [dreg:$0x13]  }
0x44: {  	[hbm:s8], [sflag:s29] =	dma.local [spmem:s30], $0x2700  }
0x45: {  	_ =	swait.ge [sflag:s26], $0x2700  }
0x46: {  	[sflag:s26] =	ssyncset.done $0x0;
	s5 =	rddreg [dreg:$0x10]  }
0x47: {  	s7 =	rddreg [dreg:$0x14];
	[sflag:s26] =	ssyncadd.s32 $0xFFFFD900  }
0x48: {  	[hbm:s5], [sflag:s29] =	dma.local @!p0 [spmem:s7], $0x100  }
0x49: {  	s5 =	simm.s32 @!p0 $0x6  }
0x4a: {  	_ =	swait.ge @!p0 [sflag:s5], $0x100  }
0x4b: {  	s7 =	rddreg [dreg:$0x12]  }
0x4c: {  	s30 =	rddreg [dreg:$0x11];
	s8 =	sadd.s32 $0x1, s7  }
0x4d: {  	p2 =	sne.s32 s8, s30  }
.Ltmp1:
0x4e: {  	_ = 	snop;
	(pc) =	sbr.rel @!p2 .LBB2_5-.Ltmp1, $3  }
0x4f: {  	_ =	sdelay $0x1  }
0x50: {  	[sflag:s5] =	ssyncset.done @!p0 $0x0  }
0x51: {  	[sflag:s5] =	ssyncadd.s32 @!p0 $0xFFFFFF00  }
.LBB2_1:
0x52: {  	[dreg:$0x12] =	wrdreg s8  }
0x53: {  	s5 =	rddreg [dreg:$0x4]  }
0x54: {  	s30 =	rddreg [dreg:$0x5];
	s7 =	sshrl.u32 s5, $0x3  }
0x55: {  	[dreg:$0x13] =	wrdreg s7  }
0x56: {  	[spmem:s7], [sflag:s29] =	dma.local [hbm:s30], $0x2700  }
0x57: {  	_ =	swait.ge [sflag:s26], $0x2700  }
0x58: {  	s5 =	rddreg [dreg:$0xd]  }
0x59: {  	[sflag:s26] =	ssyncset.done $0x0;
	s7 =	sshrl.u32 @!p0 s5, $0x3;
	s5 =	rddreg [dreg:$0xe]  }
0x5a: {  	[sflag:s26] =	ssyncadd.s32 $0xFFFFD900;
	[dreg:$0x14] =	wrdreg s7  }
0x5b: {  	[spmem:s7], [sflag:s29] =	dma.local @!p0 [hbm:s5], $0x100  }
0x5c: {  	s7 =	simm.s32 @!p0 $0x6  }
0x5d: {  	_ =	swait.ge @!p0 [sflag:s7], $0x100  }
0x5e: {  	[sflag:s7] =	ssyncset.done @!p0 $0x0  }
0x5f: {  	s8 =	rddreg [dreg:$0x7];
	[sflag:s7] =	ssyncadd.s32 @!p0 $0xFFFFFF00;
	s7 =	simm.s32 $0x13880  }
0x60: {  	[tilespmem:s7], [sflag:$0x6] =	stream.linear.gather [hbm4b:s8+s4], $0x180, $0x38;
	[tilespmem:$0x1FF80] =	vst v63  }
0x61: {  	_ =	swait.ge [sflag:s26], $0x180  }
0x62: {  	[sflag:s26] =	ssyncset.done $0x0  }
0x63: {  	s30 =	simm.s32 $0x13B80;
	s29 =	rddreg [dreg:$0x8];
	[sflag:s26] =	ssyncadd.s32 $0xFFFFFE80  }
0x64: {  	[tilespmem:s30], [sflag:$0x6] =	stream.linear.gather [hbm4b:s29+s4], $0x80, $0x38;
	[tilespmem:$0x1FF80] =	vst v63  }
0x65: {  	_ =	swait.ge [sflag:s26], $0x80  }
0x66: {  	[sflag:s26] =	ssyncset.done $0x0  }
0x67: {  	s30 =	simm.s32 $0x13C00;
	s29 =	rddreg [dreg:$0x9];
	[sflag:s26] =	ssyncadd.s32 $0xFFFFFF80  }
0x68: {  	[tilespmem:s30], [sflag:$0x6] =	stream.linear.gather [hbm4b:s29+s4], $0x80, $0x38;
	[tilespmem:$0x1FF80] =	vst v63  }
0x69: {  	_ =	swait.ge [sflag:s26], $0x80  }
0x6a: {  	[sflag:s26] =	ssyncset.done $0x0  }
0x6b: {  	s8 =	rddreg [dreg:$0xf];
	[sflag:s26] =	ssyncadd.s32 $0xFFFFFF80  }
0x6c: {  	[tilespmem:s31], [sflag:$0x6] =	stream.linear.gather [hbm4b:s8+s4], $0x80, $0x38;
	[tilespmem:$0x1FF80] =	vst v63  }
0x6d: {  	_ =	swait.ge [sflag:s26], $0x80  }
0x6e: {  	[sflag:s26] =	ssyncset.done $0x0  }
0x6f: {  	[sflag:s26] =	ssyncadd.s32 $0xFFFFFF80  }
0x70: {  	[bflag:$0x0] =	sbarrier.arrive $0xFFFF  }
0x71: {  	[tilespmem:s2], [sflag:$0x1] =	stream.indirect.gather [hbm4b:s1+s0], $0x80, s7, s0, $0xb8;
	[tilespmem:$0x1FF80] =	vst v63  }
0x72: {  	s29 =	simm.s32 $0x13900  }
0x73: {  	[tilespmem:s6], [sflag:$0x2] =	stream.indirect.gather [hbm4b:s1+s0], $0x80, s29, s0, $0xb8;
	[tilespmem:$0x1FF80] =	vst v63  }
0x74: {  	s30 =	simm.s32 $0x13980;
	s7 =	simm.s32 $0x0  }
0x75: {  	[tilespmem:s9], [sflag:$0x3] =	stream.indirect.gather [hbm4b:s1+s0], $0x80, s30, s0, $0xb8;
	[tilespmem:$0x1FF80] =	vst v63  }
.LBB2_2:
0x76: {  	s5 =	sadd.s32 s7, s25  }
0x77: {  	[tilespmem:s10], [sflag:$0x5] =	stream.linear.gather [hbm4b:s5+s4], $0x180, $0x38;
	[tilespmem:$0x1FF80] =	vst v63  }
0x78: {  	s29 =	sadd.s32 s7, s15  }
0x79: {  	[tilespmem:s11], [sflag:$0x5] =	stream.linear.gather [hbm4b:s29+s4], $0x80, $0x38;
	[tilespmem:$0x1FF80] =	vst v63  }
0x7a: {  	s30 =	sadd.s32 s7, s17  }
0x7b: {  	[tilespmem:s12], [sflag:$0x5] =	stream.linear.gather [hbm4b:s30+s4], $0x80, $0x38;
	[tilespmem:$0x1FF80] =	vst v63  }
0x7c: {  	s8 =	sadd.s32 s7, s18  }
0x7d: {  	[tilespmem:s13], [sflag:$0x5] =	stream.linear.gather [hbm4b:s8+s4], $0x80, $0x38;
	[tilespmem:$0x1FF80] =	vst v63  }
0x7e: {  	_ =	swait.ge [sflag:s19], $0x4000  }
0x7f: {  	[sflag:s19] =	ssyncset.done $0x0  }
0x80: {  	s29 =	simm.s32 $0x13B80;
	[sflag:s19] =	ssyncadd.s32 $0xFFFFC000  }
0x81: {  	[spmem:s3] =	stream.indirect.scatter.add.f32 [tilespmem:s2], [sflag:$0x6], $0x80, s29, s0, $0xb8;
	[tilespmem:$0x1FF80] =	vst v63  }
0x82: {  	_ =	swait.ge [sflag:s26], $0x4000  }
0x83: {  	[sflag:s26] =	ssyncset.done $0x0  }
0x84: {  	[sflag:s26] =	ssyncadd.s32 $0xFFFFC000  }
0x85: {  	_ =	swait.ge [sflag:s20], $0x180  }
0x86: {  	[sflag:s20] =	ssyncset.done $0x0  }
0x87: {  	[sflag:s20] =	ssyncadd.s32 $0xFFFFFE80  }
0x88: {  	_ =	swait.ge [sflag:s20], $0x80  }
0x89: {  	[sflag:s20] =	ssyncset.done $0x0  }
0x8a: {  	[sflag:s20] =	ssyncadd.s32 $0xFFFFFF80  }
0x8b: {  	_ =	swait.ge [sflag:s20], $0x80  }
0x8c: {  	[sflag:s20] =	ssyncset.done $0x0  }
0x8d: {  	[sflag:s20] =	ssyncadd.s32 $0xFFFFFF80  }
0x8e: {  	_ =	swait.ge [sflag:s20], $0x80  }
0x8f: {  	[sflag:s20] =	ssyncset.done $0x0  }
0x90: {  	[sflag:s20] =	ssyncadd.s32 $0xFFFFFF80  }
0x91: {  	[tilespmem:s2], [sflag:$0x1] =	stream.indirect.gather [hbm4b:s1+s0], $0x80, s10, s0, $0xb8;
	[tilespmem:$0x1FF80] =	vst v63  }
0x92: {  	_ =	swait.ge [sflag:s21], $0x4000  }
0x93: {  	[sflag:s21] =	ssyncset.done $0x0  }
0x94: {  	s30 =	simm.s32 $0x13C00;
	[sflag:s21] =	ssyncadd.s32 $0xFFFFC000  }
0x95: {  	[spmem:s3] =	stream.indirect.scatter.add.f32 [tilespmem:s6], [sflag:$0x6], $0x80, s30, s0, $0xb8;
	[tilespmem:$0x1FF80] =	vst v63  }
0x96: {  	_ =	swait.ge [sflag:s26], $0x4000  }
0x97: {  	[sflag:s26] =	ssyncset.done $0x0  }
0x98: {  	[sflag:s26] =	ssyncadd.s32 $0xFFFFC000  }
0x99: {  	[tilespmem:s6], [sflag:$0x2] =	stream.indirect.gather [hbm4b:s1+s0], $0x80, s22, s0, $0xb8;
	[tilespmem:$0x1FF80] =	vst v63  }
0x9a: {  	_ =	swait.ge [sflag:s23], $0x4000  }
0x9b: {  	[sflag:s23] =	ssyncset.done $0x0  }
0x9c: {  	[sflag:s23] =	ssyncadd.s32 $0xFFFFC000  }
0x9d: {  	[spmem:s3] =	stream.indirect.scatter.add.f32 [tilespmem:s9], [sflag:$0x6], $0x80, s31, s0, $0xb8;
	[tilespmem:$0x1FF80] =	vst v63  }
0x9e: {  	_ =	swait.ge [sflag:s26], $0x4000  }
0x9f: {  	p2 =	seq.s32 s7, $0x480;
	[sflag:s26] =	ssyncset.done $0x0  }
0xa0: {  	s5 =	simm.s32 @p2 $0x1;
	[sflag:s26] =	ssyncadd.s32 $0xFFFFC000  }
0xa1: {  	[tilespmem:s9], [sflag:$0x3] =	stream.indirect.gather [hbm4b:s1+s0], $0x80, s28, s0, $0xb8;
	[tilespmem:$0x1FF80] =	vst v63  }
0xa2: {  	_ =	swait.ge @p2 [sflag:s5], $0x4000  }
0xa3: {  	s8 =	simm.s32 @p2 $0x13D80;
	[sflag:s5] =	ssyncset.done @p2 $0x0  }
0xa4: {  	s29 =	simm.s32 @p2 $0x13F80;
	[sflag:s5] =	ssyncadd.s32 @p2 $0xFFFFC000;
	s5 =	simm.s32 @p2 $0x80  }
0xa5: {  	[spmem:s3] =	stream.indirect.scatter.add.f32 @p2 [tilespmem:s29], [sflag:$0x6], $0x80, s8, s5, $0xb8;
	[tilespmem:$0x1FF80] =	vst v63  }
0xa6: {  	s5 =	simm.s32 @p2 $0x6  }
0xa7: {  	_ =	swait.ge @p2 [sflag:s5], $0x4000  }
0xa8: {  	s8 =	simm.s32 @!p2 $0x0;
	[sflag:s5] =	ssyncset.done @p2 $0x0  }
0xa9: {  	s29 =	simm.s32 @!p2 $0x13880;
	[sflag:s5] =	ssyncadd.s32 @p2 $0xFFFFC000;
	s5 =	sadd.s32 @!p2 s7, s14  }
0xaa: {  	[tilespmem:s29], [sflag:$0x4] =	stream.linear.gather @!p2 [hbm4b:s5+s8], $0x180, $0x38;
	[tilespmem:$0x1FF80] =	vst v63  }
0xab: {  	s30 =	simm.s32 @!p2 $0x13B80;
	s5 =	sadd.s32 @!p2 s7, s16  }
0xac: {  	[tilespmem:s30], [sflag:$0x4] =	stream.linear.gather @!p2 [hbm4b:s5+s8], $0x80, $0x38;
	[tilespmem:$0x1FF80] =	vst v63  }
0xad: {  	s5 =	sadd.s32 @!p2 $0x10, s5;
	s30 =	simm.s32 @!p2 $0x13C00  }
0xae: {  	[tilespmem:s30], [sflag:$0x4] =	stream.linear.gather @!p2 [hbm4b:s5+s8], $0x80, $0x38;
	[tilespmem:$0x1FF80] =	vst v63  }
0xaf: {  	s5 =	sadd.s32 @!p2 s7, s24;
	s30 =	simm.s32 @!p2 $0x13C80  }
0xb0: {  	[tilespmem:s30], [sflag:$0x4] =	stream.linear.gather @!p2 [hbm4b:s5+s8], $0x80, $0x38;
	[tilespmem:$0x1FF80] =	vst v63  }
0xb1: {  	s5 =	simm.s32 @!p2 $0x1  }
0xb2: {  	_ =	swait.ge @!p2 [sflag:s5], $0x4000  }
0xb3: {  	s8 =	simm.s32 @!p2 $0x13D80;
	[sflag:s5] =	ssyncset.done @!p2 $0x0  }
0xb4: {  	s30 =	simm.s32 @!p2 $0x13F80;
	[sflag:s5] =	ssyncadd.s32 @!p2 $0xFFFFC000;
	s5 =	simm.s32 @!p2 $0x80  }
0xb5: {  	[spmem:s3] =	stream.indirect.scatter.add.f32 @!p2 [tilespmem:s30], [sflag:$0x6], $0x80, s8, s5, $0xb8;
	[tilespmem:$0x1FF80] =	vst v63  }
0xb6: {  	s8 =	simm.s32 @!p2 $0x6  }
0xb7: {  	_ =	swait.ge @!p2 [sflag:s8], $0x4000  }
0xb8: {  	[sflag:s8] =	ssyncset.done @!p2 $0x0  }
0xb9: {  	[sflag:s8] =	ssyncadd.s32 @!p2 $0xFFFFC000;
	s8 =	simm.s32 @!p2 $0x4  }
0xba: {  	_ =	swait.ge @!p2 [sflag:s8], $0x180  }
0xbb: {  	[sflag:s8] =	ssyncset.done @!p2 $0x0  }
0xbc: {  	[sflag:s8] =	ssyncadd.s32 @!p2 $0xFFFFFE80  }
0xbd: {  	_ =	swait.ge @!p2 [sflag:s8], $0x80  }
0xbe: {  	[sflag:s8] =	ssyncset.done @!p2 $0x0  }
0xbf: {  	[sflag:s8] =	ssyncadd.s32 @!p2 $0xFFFFFF80  }
0xc0: {  	_ =	swait.ge @!p2 [sflag:s8], $0x80  }
0xc1: {  	[sflag:s8] =	ssyncset.done @!p2 $0x0  }
0xc2: {  	[sflag:s8] =	ssyncadd.s32 @!p2 $0xFFFFFF80  }
0xc3: {  	_ =	swait.ge @!p2 [sflag:s8], $0x80  }
0xc4: {  	[sflag:s8] =	ssyncset.done @!p2 $0x0  }
0xc5: {  	[sflag:s8] =	ssyncadd.s32 @!p2 $0xFFFFFF80  }
0xc6: {  	[tilespmem:s30], [sflag:$0x1] =	stream.indirect.gather @!p2 [hbm4b:s1+s5], $0x80, s29, s5, $0xb8;
	[tilespmem:$0x1FF80] =	vst v63  }
0xc7: {  	_ =	swait.ge [sflag:s21], $0x4000  }
0xc8: {  	[sflag:s21] =	ssyncset.done $0x0  }
.Ltmp2:
0xc9: {  	[sflag:s21] =	ssyncadd.s32 $0xFFFFC000;
	(pc) =	sbr.rel @p2 .LBB2_4-.Ltmp2, $4  }
0xca: {  	[spmem:s3] =	stream.indirect.scatter.add.f32 [tilespmem:s6], [sflag:$0x6], $0x80, s12, s0, $0xb8;
	[tilespmem:$0x1FF80] =	vst v63  }
0xcb: {  	_ =	swait.ge [sflag:s26], $0x4000  }
0xcc: {  	[sflag:s26] =	ssyncset.done $0x0  }
0xcd: {  	[sflag:s26] =	ssyncadd.s32 $0xFFFFC000  }
0xce: {  	s5 =	simm.s32 $0x13900  }
0xcf: {  	[tilespmem:s6], [sflag:$0x2] =	stream.indirect.gather [hbm4b:s1+s0], $0x80, s5, s0, $0xb8;
	[tilespmem:$0x1FF80] =	vst v63  }
0xd0: {  	_ =	swait.ge [sflag:s23], $0x4000  }
0xd1: {  	[sflag:s23] =	ssyncset.done $0x0  }
0xd2: {  	[sflag:s23] =	ssyncadd.s32 $0xFFFFC000  }
0xd3: {  	[spmem:s3] =	stream.indirect.scatter.add.f32 [tilespmem:s9], [sflag:$0x6], $0x80, s13, s0, $0xb8;
	[tilespmem:$0x1FF80] =	vst v63  }
.Ltmp3:
0xd4: {  	_ = 	snop;
	(pc) =	sbr.rel .LBB2_2-.Ltmp3, $4  }
0xd5: {  	_ =	swait.ge [sflag:s26], $0x4000  }
0xd6: {  	[sflag:s26] =	ssyncset.done $0x0  }
0xd7: {  	s30 =	simm.s32 $0x13980;
	s7 =	sadd.s32 $0x60, s7;
	[sflag:s26] =	ssyncadd.s32 $0xFFFFC000  }
0xd8: {  	[tilespmem:s9], [sflag:$0x3] =	stream.indirect.gather [hbm4b:s1+s0], $0x80, s30, s0, $0xb8;
	[tilespmem:$0x1FF80] =	vst v63  }
.LBB2_5:
0xd9: {  	_ =	sfence.sel $0x180000  }
0xda: {  	[bflag:$0x0] =	sbarrier.arrive $0xFFFF  }
0xdb: {  	_ =	strace $0x90000047  }
0xdc: {  	s0 =	stileid.u32;
	[bflag:$0x2] =	sbarrier.arrive $0xFFFF  }
0xdd: {  	p0 =	sne.s32 s0, $0x0;
	s0 =	rddreg [dreg:$0x3]  }
0xde: {  	s0 =	sadd.s32 @!p0 $0x100000, s0  }
0xdf: {  	[sflag:s0] =	ssyncadd.tile.s32 @!p0 $0x1;
	_ =	shalt  }
.Lfunc_end2:
_tile_overlayer_lowered:
.L_overlay_start_2:
0xe0: {  	(tag) =	ssettag $0x2  }
0xe1: {  	s0 =	rddreg [dreg:$0x0];
	s2 =	stileid.u32  }
0xe2: {  	s1 =	rddreg [dreg:$0x1];
	p0 =	sne.s32 s2, $0x0  }
0xe3: {  	s3 =	rddreg [dreg:$0x2];
	[bflag:$0x3] =	sbarrier.arrive $0xFFFF;
	s2 =	simm.s32 @!p0 $0x1C06  }
0xe4: {  	[timem:s3], [sflag:s2] =	dma.local @!p0 [hbm:s0], s1  }
0xe5: {  	s0 =	simm.s32 @!p0 $0x6  }
0xe6: {  	_ =	swait.ge @!p0 [sflag:s0], s1  }
0xe7: {  	s1 =	ssub.s32 @!p0 $0x0, s1;
	[sflag:s0] =	ssyncset.done @!p0 $0x0  }
0xe8: {  	[sflag:s0] =	ssyncadd.s32 @!p0 s1  }
0xe9: {  	[bflag:$0x3] =	sbarrier.arrive $0xFFFF  }
0xea: {  	_ =	shalt  }

</sc_bundles>
